<compile_context>
chip_gen: v7x
topology: tpu7x:2x2x1
jax: 0.10.2.dev20260603
libtpu: 0.0.44.dev20260713+nightly
codegen_flags: <defaults>
</compile_context>

<pallas_src>
import jax
import jax.numpy as jnp
from jax import lax
from jax.experimental import pallas as pl
from jax.experimental.pallas import tpu as pltpu
from jax.experimental.pallas import tpu_sc as plsc

_OUT_H, _OUT_W = 112, 112
_B, _H, _W, _C = 8, 224, 224, 96
_NC, _NS = 2, 16
_NW = _NC * _NS
_RPW = (_B * _OUT_H) // _NW
_WPB = _OUT_H // _RPW
_ROWLEN = _W * _C
_OROW = _OUT_W * _C
_L = 16
_NG = _OUT_W // _L


def _rne_bf16(v):
    bits = plsc.bitcast(v, jnp.int32)
    r = bits + jnp.int32(0x7FFF) + ((bits >> 16) & 1)
    r = jnp.bitwise_and(r, jnp.int32(-65536))
    return plsc.bitcast(r, jnp.float32)


def _body(x_hbm, sc_hbm, tr_hbm, out_hbm,
          ya0, yb0, ya1, yb1, obuf0, obuf1, idx0, idx1,
          x0i, x1i, wx0v, wx1v, sbuf, tbuf,
          insem0, insem1, outsem0, outsem1):
    cid = lax.axis_index("c")
    sid = lax.axis_index("s")
    wid = sid * _NC + cid
    b = wid // _WPB
    i0 = (wid % _WPB) * _RPW

    pltpu.sync_copy(sc_hbm, sbuf)
    pltpu.sync_copy(tr_hbm, tbuf)
    lanes = lax.iota(jnp.int32, _L)
    z16 = jnp.zeros((_L,), jnp.int32)
    bv = jnp.full((_L,), b, jnp.int32)
    s_spl = _rne_bf16(plsc.load_gather(sbuf, [bv]))
    tx_spl = _rne_bf16(plsc.load_gather(tbuf, [bv * 2]))
    ty_spl = _rne_bf16(plsc.load_gather(tbuf, [bv * 2 + 1]))

    half = jnp.float32(0.5)
    one = jnp.float32(1.0)
    step = jnp.float32(2.0 / 111.0)

    for g in range(_NG):
        jf = (lanes + g * _L).astype(jnp.float32)
        xg = _rne_bf16(jf * step - one)
        x = half * (s_spl * xg + tx_spl + one) * jnp.float32(_W)
        x0t = x.astype(jnp.int32)
        x0c = jnp.clip(x0t, 0, _W - 1)
        x1c = jnp.clip(x0t + 1, 0, _W - 1)
        x0i[pl.ds(g * _L, _L)] = x0c
        x1i[pl.ds(g * _L, _L)] = x1c
        wx0v[pl.ds(g * _L, _L)] = x1c.astype(jnp.float32) - x
        wx1v[pl.ds(g * _L, _L)] = x - x0c.astype(jnp.float32)

    def yrows(k):
        iv = jnp.full((_L,), i0 + k, jnp.int32).astype(jnp.float32)
        yg = _rne_bf16(iv * step - one)
        y = half * (s_spl * yg + ty_spl + one) * jnp.float32(_H)
        y0t = y.astype(jnp.int32)
        y0c = jnp.clip(y0t, 0, _H - 1)
        y1c = jnp.clip(y0t + 1, 0, _H - 1)
        return y, y0c, y1c

    def issue_in(k, idxb, ya, yb, insem):
        _, y0c, y1c = yrows(k)
        idxb[...] = jnp.where(lanes < 8, y0c, y1c) + bv * _H
        pltpu.async_copy(x_hbm.at[idxb.at[pl.ds(0, 1)]], ya, insem)
        pltpu.async_copy(x_hbm.at[idxb.at[pl.ds(8, 1)]], yb, insem)

    def wait_in(idxb, ya, yb, insem):
        pltpu.make_async_copy(x_hbm.at[idxb.at[pl.ds(0, 1)]], ya, insem).wait()
        pltpu.make_async_copy(x_hbm.at[idxb.at[pl.ds(8, 1)]], yb, insem).wait()

    def wait_out(obuf, outsem):
        pltpu.make_async_copy(obuf, out_hbm.at[0], outsem).wait()

    def compute_row(k, ya, yb, obuf):
        y, y0c, y1c = yrows(k)
        wy0 = y1c.astype(jnp.float32) - y
        wy1 = y - y0c.astype(jnp.float32)

        @pl.loop(0, _NG)
        def _gloop(g):
            g16 = g * _L
            x0c = x0i[pl.ds(g16, _L)]
            x1c = x1i[pl.ds(g16, _L)]
            wx0 = wx0v[pl.ds(g16, _L)]
            wx1 = wx1v[pl.ds(g16, _L)]
            wa = wx0 * wy0
            wb = wx0 * wy1
            wc = wx1 * wy0
            wd = wx1 * wy1
            u0 = x0c * _C
            u1 = x1c * _C
            jb = (lanes + g16) * _C

            @pl.loop(0, _C, unroll=8)
            def _cloop(c):
                cs = jnp.full((_L,), c, jnp.int32)
                u0c = u0 + cs
                u1c = u1 + cs
                va = plsc.load_gather(ya, [z16, u0c])
                vb = plsc.load_gather(yb, [z16, u0c])
                vc = plsc.load_gather(ya, [z16, u1c])
                vd = plsc.load_gather(yb, [z16, u1c])
                r = wa * va + wb * vb + wc * vc + wd * vd
                plsc.store_scatter(obuf, [jb + cs], r)

    bufs = ((ya0, yb0, obuf0, idx0, insem0, outsem0),
            (ya1, yb1, obuf1, idx1, insem1, outsem1))

    issue_in(0, idx0, ya0, yb0, insem0)
    issue_in(1, idx1, ya1, yb1, insem1)

    @pl.loop(0, _RPW, step=2)
    def _rowloop(k0):
        for p in range(2):
            ya, yb, obuf, idxb, insem, outsem = bufs[p]
            k = k0 + p

            @pl.when(k0 > 0)
            def _():
                wait_out(obuf, outsem)

            wait_in(idxb, ya, yb, insem)
            compute_row(k, ya, yb, obuf)
            pltpu.async_copy(obuf, out_hbm.at[wid * _RPW + k], outsem)

            @pl.when(k + 2 < _RPW)
            def _():
                issue_in(k + 2, idxb, ya, yb, insem)

    wait_out(obuf0, outsem0)
    wait_out(obuf1, outsem1)


@jax.jit
def kernel(X, transformation_scale, transformation_translate):
    x2 = X.reshape(_B * _H, _ROWLEN)
    scale16 = jnp.concatenate(
        [transformation_scale[:, 0], jnp.zeros((8,), jnp.float32)])
    transl16 = transformation_translate.reshape(16)

    mesh = plsc.VectorSubcoreMesh(core_axis_name="c", subcore_axis_name="s")
    run = pl.kernel(
        _body,
        out_type=jax.ShapeDtypeStruct((_B * _OUT_H, _OROW), jnp.float32),
        mesh=mesh,
        compiler_params=pltpu.CompilerParams(needs_layout_passes=False),
        scratch_types=[
            pltpu.VMEM((1, _ROWLEN), jnp.float32),
            pltpu.VMEM((1, _ROWLEN), jnp.float32),
            pltpu.VMEM((1, _ROWLEN), jnp.float32),
            pltpu.VMEM((1, _ROWLEN), jnp.float32),
            pltpu.VMEM((_OROW,), jnp.float32),
            pltpu.VMEM((_OROW,), jnp.float32),
            pltpu.VMEM((_L,), jnp.int32),
            pltpu.VMEM((_L,), jnp.int32),
            pltpu.VMEM((_OUT_W,), jnp.int32),
            pltpu.VMEM((_OUT_W,), jnp.int32),
            pltpu.VMEM((_OUT_W,), jnp.float32),
            pltpu.VMEM((_OUT_W,), jnp.float32),
            pltpu.VMEM((_L,), jnp.float32),
            pltpu.VMEM((_L,), jnp.float32),
            pltpu.SemaphoreType.DMA,
            pltpu.SemaphoreType.DMA,
            pltpu.SemaphoreType.DMA,
            pltpu.SemaphoreType.DMA,
        ],
    )
    out = run(x2, scale16, transl16)
    return out.reshape(_B, _OUT_H, _OUT_W, _C)

# --- scband reference (transcript-rebuilt; emitter-appended) ---
"""Pipeline reference for scband-bilinear-interpolation-77292231459545 (READ-ONLY COPY).

The authoritative reference and input builder live on the scoring server;
editing this copy changes nothing except your own understanding.
"""

import jax, jax.numpy as jnp
import numpy as np

OUT_H, OUT_W = 112, 112
B, H, W, C = 8, 224, 224, 96

def setup_inputs(seed: int = 0) -> dict:
    key = jax.random.key(seed)
    k1, k2, k3 = jax.random.split(key, 3)
    X = jax.random.normal(k1, (B, H, W, C), dtype=jnp.float32)
    transformation_scale = jax.random.uniform(k2, (B, 1), dtype=jnp.float32)
    transformation_translate = jax.random.normal(k3, (B, 2), dtype=jnp.float32)
    return {"X": X, "transformation_scale": transformation_scale, "transformation_translate": transformation_translate}

def reference(X, transformation_scale, transformation_translate):
    b = X.shape[0]
    h = X.shape[1]
    w = X.shape[2]
    c = X.shape[3]
    # build 2x3 affine transform per batch: [[s, 0, tx], [0, s, ty]]
    z = jnp.zeros((b,), dtype=jnp.float32)
    transform = jnp.stack([
        transformation_scale[:, 0], z, transformation_translate[:, 0],
        z, transformation_scale[:, 0], transformation_translate[:, 1]
    ], axis=1).reshape(b, 2, 3)
    # regular grids in [-1, 1]
    x_lin = jnp.linspace(-1.0, 1.0, OUT_W)
    y_lin = jnp.linspace(-1.0, 1.0, OUT_H)
    x_coords, y_coords = jnp.meshgrid(x_lin, y_lin)
    grid = jnp.concatenate([x_coords.reshape(-1), y_coords.reshape(-1), jnp.ones(OUT_H * OUT_W, dtype=jnp.float32)], axis=0)
    grids = jnp.tile(grid, (b,)).reshape(b, 3, OUT_H * OUT_W)
    sampled = jnp.matmul(transform, grids)  # [b, 2, out_h*out_w]
    # interpolate
    x = sampled[:, 0:1, :].reshape(-1).astype(jnp.float32)
    y = sampled[:, 1:2, :].reshape(-1).astype(jnp.float32)
    x = 0.5 * (x + 1.0) * jnp.float32(w)
    y = 0.5 * (y + 1.0) * jnp.float32(h)
    x0 = x.astype(jnp.int32)
    x1 = x0 + 1
    y0 = y.astype(jnp.int32)
    y1 = y0 + 1
    max_x = w - 1
    max_y = h - 1
    x0 = jnp.clip(x0, 0, max_x)
    x1 = jnp.clip(x1, 0, max_x)
    y0 = jnp.clip(y0, 0, max_y)
    y1 = jnp.clip(y1, 0, max_y)
    n_repeats = OUT_H * OUT_W
    base = jnp.repeat(jnp.arange(b, dtype=jnp.int32) * (h * w), n_repeats)
    base_y0 = base + y0 * w
    base_y1 = base + y1 * w
    indices_a = base_y0 + x0
    indices_b = base_y1 + x0
    indices_c = base_y0 + x1
    indices_d = base_y1 + x1
    flat_image = X.reshape(-1, c).astype(jnp.float32)
    pixel_values_a = jnp.take(flat_image, indices_a, axis=0)
    pixel_values_b = jnp.take(flat_image, indices_b, axis=0)
    pixel_values_c = jnp.take(flat_image, indices_c, axis=0)
    pixel_values_d = jnp.take(flat_image, indices_d, axis=0)
    x0f = x0.astype(jnp.float32)
    x1f = x1.astype(jnp.float32)
    y0f = y0.astype(jnp.float32)
    y1f = y1.astype(jnp.float32)
    area_a = ((x1f - x) * (y1f - y))[:, None]
    area_b = ((x1f - x) * (y - y0f))[:, None]
    area_c = ((x - x0f) * (y1f - y))[:, None]
    area_d = ((x - x0f) * (y - y0f))[:, None]
    interpolated = (area_a * pixel_values_a + area_b * pixel_values_b
                    + area_c * pixel_values_c + area_d * pixel_values_d)
    return interpolated.reshape(b, OUT_H, OUT_W, c)

if __name__ == "__main__":
    import jax
    _d = setup_inputs()
    print(jax.jit(kernel)(*tuple(_d.values())))

</pallas_src>

<mosaic_0001>
#map = affine_map<(d0, d1) -> (0, 0)>
#map1 = affine_map<(d0, d1) -> (0)>
module attributes {stable_mosaic.version = 14 : i64} {
  func.func @_body(%arg0: i32, %arg1: i32, %arg2: memref<1792x21504xf32, #tpu.memory_space<hbm>>, %arg3: memref<16xf32, #tpu.memory_space<hbm>>, %arg4: memref<16xf32, #tpu.memory_space<hbm>>, %arg5: memref<896x10752xf32, #tpu.memory_space<hbm>>, %arg6: memref<1x21504xf32, #tpu.memory_space<vmem>>, %arg7: memref<1x21504xf32, #tpu.memory_space<vmem>>, %arg8: memref<1x21504xf32, #tpu.memory_space<vmem>>, %arg9: memref<1x21504xf32, #tpu.memory_space<vmem>>, %arg10: memref<10752xf32, #tpu.memory_space<vmem>>, %arg11: memref<10752xf32, #tpu.memory_space<vmem>>, %arg12: memref<16xi32, #tpu.memory_space<vmem>>, %arg13: memref<16xi32, #tpu.memory_space<vmem>>, %arg14: memref<112xi32, #tpu.memory_space<vmem>>, %arg15: memref<112xi32, #tpu.memory_space<vmem>>, %arg16: memref<112xf32, #tpu.memory_space<vmem>>, %arg17: memref<112xf32, #tpu.memory_space<vmem>>, %arg18: memref<16xf32, #tpu.memory_space<vmem>>, %arg19: memref<16xf32, #tpu.memory_space<vmem>>, %arg20: memref<!tpu.dma_semaphore, #tpu.memory_space<semaphore_mem>>, %arg21: memref<!tpu.dma_semaphore, #tpu.memory_space<semaphore_mem>>, %arg22: memref<!tpu.dma_semaphore, #tpu.memory_space<semaphore_mem>>, %arg23: memref<!tpu.dma_semaphore, #tpu.memory_space<semaphore_mem>>) attributes {dimension_semantics = [#tpu.dimension_semantics<core_parallel>, #tpu.dimension_semantics<subcore_parallel>], iteration_bounds = array<i64: 2, 16>, scalar_prefetch = 0 : i64, scratch_operands = 18 : i64, tpu.core_type = #tpu.core_type<sc_vector_subcore>, window_params = [{transform_indices = #map}, {transform_indices = #map1}, {transform_indices = #map1}, {transform_indices = #map}]} {
    %mul3A = arith.constant 2 : i32
    %mul3A_0 = arith.muli %arg1, %mul3A : i32
    %add3A = arith.addi %mul3A_0, %arg0 : i32
    %jit3A = arith.constant 4 : i32
    %div3A = arith.divsi %add3A, %jit3A : i32
    %sign3A = arith.constant 0 : i32
    %sign3A_1 = arith.cmpi sgt, %add3A, %sign3A : i32
    %sign3A_2 = arith.extui %sign3A_1 : i1 to i32
    %sign3A_3 = arith.constant 0 : i32
    %sign3A_4 = arith.cmpi slt, %add3A, %sign3A_3 : i32
    %sign3A_5 = arith.extui %sign3A_4 : i1 to i32
    %sign3A_6 = arith.subi %sign3A_2, %sign3A_5 : i32
    %sign3A_7 = arith.constant 0 : i32
    %sign3A_8 = arith.cmpi sgt, %jit3A, %sign3A_7 : i32
    %sign3A_9 = arith.extui %sign3A_8 : i1 to i32
    %sign3A_10 = arith.constant 0 : i32
    %sign3A_11 = arith.cmpi slt, %jit3A, %sign3A_10 : i32
    %sign3A_12 = arith.extui %sign3A_11 : i1 to i32
    %sign3A_13 = arith.subi %sign3A_9, %sign3A_12 : i32
    %ne3A = arith.cmpi ne, %sign3A_6, %sign3A_13 : i32
    %rem3A = arith.remsi %add3A, %jit3A : i32
    %ne3A_14 = arith.constant 0 : i32
    %ne3A_15 = arith.cmpi ne, %rem3A, %ne3A_14 : i32
    %and3A = arith.andi %ne3A, %ne3A_15 : i1
    %sub3A = arith.constant 1 : i32
    %sub3A_16 = arith.subi %div3A, %sub3A : i32
    %select_n3A = arith.select %and3A, %sub3A_16, %div3A : i32
    %jit3A_17 = arith.constant 4 : i32
    %eq3A = arith.constant 0 : i32
    %eq3A_18 = arith.cmpi eq, %jit3A_17, %eq3A : i32
    %jit3A_19 = arith.constant 1 : i32
    %select_n3A_20 = arith.select %eq3A_18, %jit3A_19, %jit3A_17 : i32
    %rem3A_21 = arith.remsi %add3A, %select_n3A_20 : i32
    %ne3A_22 = arith.constant 0 : i32
    %ne3A_23 = arith.cmpi ne, %rem3A_21, %ne3A_22 : i32
    %lt3A = arith.constant 0 : i32
    %lt3A_24 = arith.cmpi slt, %rem3A_21, %lt3A : i32
    %lt3A_25 = arith.constant 0 : i32
    %lt3A_26 = arith.cmpi slt, %select_n3A_20, %lt3A_25 : i32
    %ne3A_27 = arith.xori %lt3A_24, %lt3A_26 : i1
    %and3A_28 = arith.andi %ne3A_27, %ne3A_23 : i1
    %add3A_29 = arith.addi %rem3A_21, %select_n3A_20 : i32
    %select_n3A_30 = arith.select %and3A_28, %add3A_29, %rem3A_21 : i32
    %mul3A_31 = arith.constant 28 : i32
    %mul3A_32 = arith.muli %select_n3A_30, %mul3A_31 : i32
    "tpu.region"() ({
      %run_scoped3A = tpu.sem_alloc : memref<!tpu.dma_semaphore, #tpu.memory_space<semaphore_mem>>
      tpu.enqueue_dma source(%arg3 : memref<16xf32, #tpu.memory_space<hbm>>) target(%arg18 : memref<16xf32, #tpu.memory_space<vmem>>) target_semaphore(%run_scoped3A : memref<!tpu.dma_semaphore, #tpu.memory_space<semaphore_mem>>)
      tpu.wait_dma2 semaphore(%run_scoped3A : memref<!tpu.dma_semaphore, #tpu.memory_space<semaphore_mem>>) src(%arg3 : memref<16xf32, #tpu.memory_space<hbm>>) dst(%arg18 : memref<16xf32, #tpu.memory_space<vmem>>)
      tpu.yield
    }) : () -> ()
    "tpu.region"() ({
      %run_scoped3A = tpu.sem_alloc : memref<!tpu.dma_semaphore, #tpu.memory_space<semaphore_mem>>
      tpu.enqueue_dma source(%arg4 : memref<16xf32, #tpu.memory_space<hbm>>) target(%arg19 : memref<16xf32, #tpu.memory_space<vmem>>) target_semaphore(%run_scoped3A : memref<!tpu.dma_semaphore, #tpu.memory_space<semaphore_mem>>)
      tpu.wait_dma2 semaphore(%run_scoped3A : memref<!tpu.dma_semaphore, #tpu.memory_space<semaphore_mem>>) src(%arg4 : memref<16xf32, #tpu.memory_space<hbm>>) dst(%arg19 : memref<16xf32, #tpu.memory_space<vmem>>)
      tpu.yield
    }) : () -> ()
    %iota3A = tpu.iota {dimensions = array<i32: 0>} : vector<16xi32>
    %broadcast_in_dim3A = arith.constant 0 : i32
    %broadcast_in_dim3A_33 = vector.broadcast %broadcast_in_dim3A : i32 to vector<16xi32>
    %broadcast_in_dim3A_34 = vector.broadcast %select_n3A : i32 to vector<16xi32>
    %gather3A = tpu.vector_load_idx %arg18[%broadcast_in_dim3A_34] : memref<16xf32, #tpu.memory_space<vmem>>[vector<16xi32>], vector<16xf32>,
    %bitcast3A = vector.bitcast %gather3A : vector<16xf32> to vector<16xi32>
    %add3A_35 = arith.constant 32767 : i32
    %add3A_36 = vector.broadcast %add3A_35 : i32 to vector<16xi32>
    %add3A_37 = arith.addi %bitcast3A, %add3A_36 : vector<16xi32>
    %shift_right_arithmetic3A = arith.constant 16 : i32
    %shift_right_arithmetic3A_38 = vector.broadcast %shift_right_arithmetic3A : i32 to vector<16xi32>
    %shift_right_arithmetic3A_39 = arith.shrsi %bitcast3A, %shift_right_arithmetic3A_38 : vector<16xi32>
    %and3A_40 = arith.constant 1 : i32
    %and3A_41 = vector.broadcast %and3A_40 : i32 to vector<16xi32>
    %and3A_42 = arith.andi %shift_right_arithmetic3A_39, %and3A_41 : vector<16xi32>
    %add3A_43 = arith.addi %add3A_37, %and3A_42 : vector<16xi32>
    %and3A_44 = arith.constant -65536 : i32
    %and3A_45 = vector.broadcast %and3A_44 : i32 to vector<16xi32>
    %and3A_46 = arith.andi %add3A_43, %and3A_45 : vector<16xi32>
    %bitcast3A_47 = vector.bitcast %and3A_46 : vector<16xi32> to vector<16xf32>
    %mul3A_48 = arith.constant 2 : i32
    %mul3A_49 = vector.broadcast %mul3A_48 : i32 to vector<16xi32>
    %mul3A_50 = arith.muli %broadcast_in_dim3A_34, %mul3A_49 : vector<16xi32>
    %gather3A_51 = tpu.vector_load_idx %arg19[%mul3A_50] : memref<16xf32, #tpu.memory_space<vmem>>[vector<16xi32>], vector<16xf32>,
    %bitcast3A_52 = vector.bitcast %gather3A_51 : vector<16xf32> to vector<16xi32>
    %add3A_53 = arith.constant 32767 : i32
    %add3A_54 = vector.broadcast %add3A_53 : i32 to vector<16xi32>
    %add3A_55 = arith.addi %bitcast3A_52, %add3A_54 : vector<16xi32>
    %shift_right_arithmetic3A_56 = arith.constant 16 : i32
    %shift_right_arithmetic3A_57 = vector.broadcast %shift_right_arithmetic3A_56 : i32 to vector<16xi32>
    %shift_right_arithmetic3A_58 = arith.shrsi %bitcast3A_52, %shift_right_arithmetic3A_57 : vector<16xi32>
    %and3A_59 = arith.constant 1 : i32
    %and3A_60 = vector.broadcast %and3A_59 : i32 to vector<16xi32>
    %and3A_61 = arith.andi %shift_right_arithmetic3A_58, %and3A_60 : vector<16xi32>
    %add3A_62 = arith.addi %add3A_55, %and3A_61 : vector<16xi32>
    %and3A_63 = arith.constant -65536 : i32
    %and3A_64 = vector.broadcast %and3A_63 : i32 to vector<16xi32>
    %and3A_65 = arith.andi %add3A_62, %and3A_64 : vector<16xi32>
    %bitcast3A_66 = vector.bitcast %and3A_65 : vector<16xi32> to vector<16xf32>
    %mul3A_67 = arith.constant 2 : i32
    %mul3A_68 = vector.broadcast %mul3A_67 : i32 to vector<16xi32>
    %mul3A_69 = arith.muli %broadcast_in_dim3A_34, %mul3A_68 : vector<16xi32>
    %add3A_70 = arith.constant 1 : i32
    %add3A_71 = vector.broadcast %add3A_70 : i32 to vector<16xi32>
    %add3A_72 = arith.addi %mul3A_69, %add3A_71 : vector<16xi32>
    %gather3A_73 = tpu.vector_load_idx %arg19[%add3A_72] : memref<16xf32, #tpu.memory_space<vmem>>[vector<16xi32>], vector<16xf32>,
    %bitcast3A_74 = vector.bitcast %gather3A_73 : vector<16xf32> to vector<16xi32>
    %add3A_75 = arith.constant 32767 : i32
    %add3A_76 = vector.broadcast %add3A_75 : i32 to vector<16xi32>
    %add3A_77 = arith.addi %bitcast3A_74, %add3A_76 : vector<16xi32>
    %shift_right_arithmetic3A_78 = arith.constant 16 : i32
    %shift_right_arithmetic3A_79 = vector.broadcast %shift_right_arithmetic3A_78 : i32 to vector<16xi32>
    %shift_right_arithmetic3A_80 = arith.shrsi %bitcast3A_74, %shift_right_arithmetic3A_79 : vector<16xi32>
    %and3A_81 = arith.constant 1 : i32
    %and3A_82 = vector.broadcast %and3A_81 : i32 to vector<16xi32>
    %and3A_83 = arith.andi %shift_right_arithmetic3A_80, %and3A_82 : vector<16xi32>
    %add3A_84 = arith.addi %add3A_77, %and3A_83 : vector<16xi32>
    %and3A_85 = arith.constant -65536 : i32
    %and3A_86 = vector.broadcast %and3A_85 : i32 to vector<16xi32>
    %and3A_87 = arith.andi %add3A_84, %and3A_86 : vector<16xi32>
    %bitcast3A_88 = vector.bitcast %and3A_87 : vector<16xi32> to vector<16xf32>
    %add3A_89 = arith.constant 0 : i32
    %add3A_90 = vector.broadcast %add3A_89 : i32 to vector<16xi32>
    %add3A_91 = arith.addi %iota3A, %add3A_90 : vector<16xi32>
    %convert_element_type3A = arith.sitofp %add3A_91 : vector<16xi32> to vector<16xf32>
    %mul3A_92 = arith.constant 0.0180180185 : f32
    %mul3A_93 = vector.broadcast %mul3A_92 : f32 to vector<16xf32>
    %mul3A_94 = arith.mulf %convert_element_type3A, %mul3A_93 : vector<16xf32>
    %sub3A_95 = arith.constant 1.000000e+00 : f32
    %sub3A_96 = vector.broadcast %sub3A_95 : f32 to vector<16xf32>
    %sub3A_97 = arith.subf %mul3A_94, %sub3A_96 : vector<16xf32>
    %bitcast3A_98 = vector.bitcast %sub3A_97 : vector<16xf32> to vector<16xi32>
    %add3A_99 = arith.constant 32767 : i32
    %add3A_100 = vector.broadcast %add3A_99 : i32 to vector<16xi32>
    %add3A_101 = arith.addi %bitcast3A_98, %add3A_100 : vector<16xi32>
    %shift_right_arithmetic3A_102 = arith.constant 16 : i32
    %shift_right_arithmetic3A_103 = vector.broadcast %shift_right_arithmetic3A_102 : i32 to vector<16xi32>
    %shift_right_arithmetic3A_104 = arith.shrsi %bitcast3A_98, %shift_right_arithmetic3A_103 : vector<16xi32>
    %and3A_105 = arith.constant 1 : i32
    %and3A_106 = vector.broadcast %and3A_105 : i32 to vector<16xi32>
    %and3A_107 = arith.andi %shift_right_arithmetic3A_104, %and3A_106 : vector<16xi32>
    %add3A_108 = arith.addi %add3A_101, %and3A_107 : vector<16xi32>
    %and3A_109 = arith.constant -65536 : i32
    %and3A_110 = vector.broadcast %and3A_109 : i32 to vector<16xi32>
    %and3A_111 = arith.andi %add3A_108, %and3A_110 : vector<16xi32>
    %bitcast3A_112 = vector.bitcast %and3A_111 : vector<16xi32> to vector<16xf32>
    %mul3A_113 = arith.mulf %bitcast3A_47, %bitcast3A_112 : vector<16xf32>
    %add3A_114 = arith.addf %mul3A_113, %bitcast3A_66 : vector<16xf32>
    %add3A_115 = arith.constant 1.000000e+00 : f32
    %add3A_116 = vector.broadcast %add3A_115 : f32 to vector<16xf32>
    %add3A_117 = arith.addf %add3A_114, %add3A_116 : vector<16xf32>
    %mul3A_118 = arith.constant 5.000000e-01 : f32
    %mul3A_119 = vector.broadcast %mul3A_118 : f32 to vector<16xf32>
    %mul3A_120 = arith.mulf %mul3A_119, %add3A_117 : vector<16xf32>
    %mul3A_121 = arith.constant 2.240000e+02 : f32
    %mul3A_122 = vector.broadcast %mul3A_121 : f32 to vector<16xf32>
    %mul3A_123 = arith.mulf %mul3A_120, %mul3A_122 : vector<16xf32>
    %convert_element_type3A_124 = arith.fptosi %mul3A_123 : vector<16xf32> to vector<16xi32>
    %jit3A_125 = arith.constant 0 : i32
    %jit3A_126 = arith.constant 223 : i32
    %max3A = vector.broadcast %jit3A_125 : i32 to vector<16xi32>
    %max3A_127 = arith.maxsi %max3A, %convert_element_type3A_124 : vector<16xi32>
    %min3A = vector.broadcast %jit3A_126 : i32 to vector<16xi32>
    %min3A_128 = arith.minsi %min3A, %max3A_127 : vector<16xi32>
    %add3A_129 = arith.constant 1 : i32
    %add3A_130 = vector.broadcast %add3A_129 : i32 to vector<16xi32>
    %add3A_131 = arith.addi %convert_element_type3A_124, %add3A_130 : vector<16xi32>
    %jit3A_132 = arith.constant 0 : i32
    %jit3A_133 = arith.constant 223 : i32
    %max3A_134 = vector.broadcast %jit3A_132 : i32 to vector<16xi32>
    %max3A_135 = arith.maxsi %max3A_134, %add3A_131 : vector<16xi32>
    %min3A_136 = vector.broadcast %jit3A_133 : i32 to vector<16xi32>
    %min3A_137 = arith.minsi %min3A_136, %max3A_135 : vector<16xi32>
    %swap3A = arith.constant 0 : index
    %swap3A_138 = tpu.vector_load %arg14[%swap3A] {strides = array<i32>} : memref<112xi32, #tpu.memory_space<vmem>>, vector<16xi32>,
    tpu.vector_store %arg14[%swap3A], %min3A_128 {strides = array<i32>} : memref<112xi32, #tpu.memory_space<vmem>>, vector<16xi32>,
    %swap3A_139 = arith.constant 0 : index
    %swap3A_140 = tpu.vector_load %arg15[%swap3A_139] {strides = array<i32>} : memref<112xi32, #tpu.memory_space<vmem>>, vector<16xi32>,
    tpu.vector_store %arg15[%swap3A_139], %min3A_137 {strides = array<i32>} : memref<112xi32, #tpu.memory_space<vmem>>, vector<16xi32>,
    %convert_element_type3A_141 = arith.sitofp %min3A_137 : vector<16xi32> to vector<16xf32>
    %sub3A_142 = arith.subf %convert_element_type3A_141, %mul3A_123 : vector<16xf32>
    %swap3A_143 = arith.constant 0 : index
    %swap3A_144 = tpu.vector_load %arg16[%swap3A_143] {strides = array<i32>} : memref<112xf32, #tpu.memory_space<vmem>>, vector<16xf32>,
    tpu.vector_store %arg16[%swap3A_143], %sub3A_142 {strides = array<i32>} : memref<112xf32, #tpu.memory_space<vmem>>, vector<16xf32>,
    %convert_element_type3A_145 = arith.sitofp %min3A_128 : vector<16xi32> to vector<16xf32>
    %sub3A_146 = arith.subf %mul3A_123, %convert_element_type3A_145 : vector<16xf32>
    %swap3A_147 = arith.constant 0 : index
    %swap3A_148 = tpu.vector_load %arg17[%swap3A_147] {strides = array<i32>} : memref<112xf32, #tpu.memory_space<vmem>>, vector<16xf32>,
    tpu.vector_store %arg17[%swap3A_147], %sub3A_146 {strides = array<i32>} : memref<112xf32, #tpu.memory_space<vmem>>, vector<16xf32>,
    %add3A_149 = arith.constant 16 : i32
    %add3A_150 = vector.broadcast %add3A_149 : i32 to vector<16xi32>
    %add3A_151 = arith.addi %iota3A, %add3A_150 : vector<16xi32>
    %convert_element_type3A_152 = arith.sitofp %add3A_151 : vector<16xi32> to vector<16xf32>
    %mul3A_153 = arith.constant 0.0180180185 : f32
    %mul3A_154 = vector.broadcast %mul3A_153 : f32 to vector<16xf32>
    %mul3A_155 = arith.mulf %convert_element_type3A_152, %mul3A_154 : vector<16xf32>
    %sub3A_156 = arith.constant 1.000000e+00 : f32
    %sub3A_157 = vector.broadcast %sub3A_156 : f32 to vector<16xf32>
    %sub3A_158 = arith.subf %mul3A_155, %sub3A_157 : vector<16xf32>
    %bitcast3A_159 = vector.bitcast %sub3A_158 : vector<16xf32> to vector<16xi32>
    %add3A_160 = arith.constant 32767 : i32
    %add3A_161 = vector.broadcast %add3A_160 : i32 to vector<16xi32>
    %add3A_162 = arith.addi %bitcast3A_159, %add3A_161 : vector<16xi32>
    %shift_right_arithmetic3A_163 = arith.constant 16 : i32
    %shift_right_arithmetic3A_164 = vector.broadcast %shift_right_arithmetic3A_163 : i32 to vector<16xi32>
    %shift_right_arithmetic3A_165 = arith.shrsi %bitcast3A_159, %shift_right_arithmetic3A_164 : vector<16xi32>
    %and3A_166 = arith.constant 1 : i32
    %and3A_167 = vector.broadcast %and3A_166 : i32 to vector<16xi32>
    %and3A_168 = arith.andi %shift_right_arithmetic3A_165, %and3A_167 : vector<16xi32>
    %add3A_169 = arith.addi %add3A_162, %and3A_168 : vector<16xi32>
    %and3A_170 = arith.constant -65536 : i32
    %and3A_171 = vector.broadcast %and3A_170 : i32 to vector<16xi32>
    %and3A_172 = arith.andi %add3A_169, %and3A_171 : vector<16xi32>
    %bitcast3A_173 = vector.bitcast %and3A_172 : vector<16xi32> to vector<16xf32>
    %mul3A_174 = arith.mulf %bitcast3A_47, %bitcast3A_173 : vector<16xf32>
    %add3A_175 = arith.addf %mul3A_174, %bitcast3A_66 : vector<16xf32>
    %add3A_176 = arith.constant 1.000000e+00 : f32
    %add3A_177 = vector.broadcast %add3A_176 : f32 to vector<16xf32>
    %add3A_178 = arith.addf %add3A_175, %add3A_177 : vector<16xf32>
    %mul3A_179 = arith.constant 5.000000e-01 : f32
    %mul3A_180 = vector.broadcast %mul3A_179 : f32 to vector<16xf32>
    %mul3A_181 = arith.mulf %mul3A_180, %add3A_178 : vector<16xf32>
    %mul3A_182 = arith.constant 2.240000e+02 : f32
    %mul3A_183 = vector.broadcast %mul3A_182 : f32 to vector<16xf32>
    %mul3A_184 = arith.mulf %mul3A_181, %mul3A_183 : vector<16xf32>
    %convert_element_type3A_185 = arith.fptosi %mul3A_184 : vector<16xf32> to vector<16xi32>
    %jit3A_186 = arith.constant 0 : i32
    %jit3A_187 = arith.constant 223 : i32
    %max3A_188 = vector.broadcast %jit3A_186 : i32 to vector<16xi32>
    %max3A_189 = arith.maxsi %max3A_188, %convert_element_type3A_185 : vector<16xi32>
    %min3A_190 = vector.broadcast %jit3A_187 : i32 to vector<16xi32>
    %min3A_191 = arith.minsi %min3A_190, %max3A_189 : vector<16xi32>
    %add3A_192 = arith.constant 1 : i32
    %add3A_193 = vector.broadcast %add3A_192 : i32 to vector<16xi32>
    %add3A_194 = arith.addi %convert_element_type3A_185, %add3A_193 : vector<16xi32>
    %jit3A_195 = arith.constant 0 : i32
    %jit3A_196 = arith.constant 223 : i32
    %max3A_197 = vector.broadcast %jit3A_195 : i32 to vector<16xi32>
    %max3A_198 = arith.maxsi %max3A_197, %add3A_194 : vector<16xi32>
    %min3A_199 = vector.broadcast %jit3A_196 : i32 to vector<16xi32>
    %min3A_200 = arith.minsi %min3A_199, %max3A_198 : vector<16xi32>
    %swap3A_201 = arith.constant 16 : index
    %swap3A_202 = tpu.vector_load %arg14[%swap3A_201] {strides = array<i32>} : memref<112xi32, #tpu.memory_space<vmem>>, vector<16xi32>,
    tpu.vector_store %arg14[%swap3A_201], %min3A_191 {strides = array<i32>} : memref<112xi32, #tpu.memory_space<vmem>>, vector<16xi32>,
    %swap3A_203 = arith.constant 16 : index
    %swap3A_204 = tpu.vector_load %arg15[%swap3A_203] {strides = array<i32>} : memref<112xi32, #tpu.memory_space<vmem>>, vector<16xi32>,
    tpu.vector_store %arg15[%swap3A_203], %min3A_200 {strides = array<i32>} : memref<112xi32, #tpu.memory_space<vmem>>, vector<16xi32>,
    %convert_element_type3A_205 = arith.sitofp %min3A_200 : vector<16xi32> to vector<16xf32>
    %sub3A_206 = arith.subf %convert_element_type3A_205, %mul3A_184 : vector<16xf32>
    %swap3A_207 = arith.constant 16 : index
    %swap3A_208 = tpu.vector_load %arg16[%swap3A_207] {strides = array<i32>} : memref<112xf32, #tpu.memory_space<vmem>>, vector<16xf32>,
    tpu.vector_store %arg16[%swap3A_207], %sub3A_206 {strides = array<i32>} : memref<112xf32, #tpu.memory_space<vmem>>, vector<16xf32>,
    %convert_element_type3A_209 = arith.sitofp %min3A_191 : vector<16xi32> to vector<16xf32>
    %sub3A_210 = arith.subf %mul3A_184, %convert_element_type3A_209 : vector<16xf32>
    %swap3A_211 = arith.constant 16 : index
    %swap3A_212 = tpu.vector_load %arg17[%swap3A_211] {strides = array<i32>} : memref<112xf32, #tpu.memory_space<vmem>>, vector<16xf32>,
    tpu.vector_store %arg17[%swap3A_211], %sub3A_210 {strides = array<i32>} : memref<112xf32, #tpu.memory_space<vmem>>, vector<16xf32>,
    %add3A_213 = arith.constant 32 : i32
    %add3A_214 = vector.broadcast %add3A_213 : i32 to vector<16xi32>
    %add3A_215 = arith.addi %iota3A, %add3A_214 : vector<16xi32>
    %convert_element_type3A_216 = arith.sitofp %add3A_215 : vector<16xi32> to vector<16xf32>
    %mul3A_217 = arith.constant 0.0180180185 : f32
    %mul3A_218 = vector.broadcast %mul3A_217 : f32 to vector<16xf32>
    %mul3A_219 = arith.mulf %convert_element_type3A_216, %mul3A_218 : vector<16xf32>
    %sub3A_220 = arith.constant 1.000000e+00 : f32
    %sub3A_221 = vector.broadcast %sub3A_220 : f32 to vector<16xf32>
    %sub3A_222 = arith.subf %mul3A_219, %sub3A_221 : vector<16xf32>
    %bitcast3A_223 = vector.bitcast %sub3A_222 : vector<16xf32> to vector<16xi32>
    %add3A_224 = arith.constant 32767 : i32
    %add3A_225 = vector.broadcast %add3A_224 : i32 to vector<16xi32>
    %add3A_226 = arith.addi %bitcast3A_223, %add3A_225 : vector<16xi32>
    %shift_right_arithmetic3A_227 = arith.constant 16 : i32
    %shift_right_arithmetic3A_228 = vector.broadcast %shift_right_arithmetic3A_227 : i32 to vector<16xi32>
    %shift_right_arithmetic3A_229 = arith.shrsi %bitcast3A_223, %shift_right_arithmetic3A_228 : vector<16xi32>
    %and3A_230 = arith.constant 1 : i32
    %and3A_231 = vector.broadcast %and3A_230 : i32 to vector<16xi32>
    %and3A_232 = arith.andi %shift_right_arithmetic3A_229, %and3A_231 : vector<16xi32>
    %add3A_233 = arith.addi %add3A_226, %and3A_232 : vector<16xi32>
    %and3A_234 = arith.constant -65536 : i32
    %and3A_235 = vector.broadcast %and3A_234 : i32 to vector<16xi32>
    %and3A_236 = arith.andi %add3A_233, %and3A_235 : vector<16xi32>
    %bitcast3A_237 = vector.bitcast %and3A_236 : vector<16xi32> to vector<16xf32>
    %mul3A_238 = arith.mulf %bitcast3A_47, %bitcast3A_237 : vector<16xf32>
    %add3A_239 = arith.addf %mul3A_238, %bitcast3A_66 : vector<16xf32>
    %add3A_240 = arith.constant 1.000000e+00 : f32
    %add3A_241 = vector.broadcast %add3A_240 : f32 to vector<16xf32>
    %add3A_242 = arith.addf %add3A_239, %add3A_241 : vector<16xf32>
    %mul3A_243 = arith.constant 5.000000e-01 : f32
    %mul3A_244 = vector.broadcast %mul3A_243 : f32 to vector<16xf32>
    %mul3A_245 = arith.mulf %mul3A_244, %add3A_242 : vector<16xf32>
    %mul3A_246 = arith.constant 2.240000e+02 : f32
    %mul3A_247 = vector.broadcast %mul3A_246 : f32 to vector<16xf32>
    %mul3A_248 = arith.mulf %mul3A_245, %mul3A_247 : vector<16xf32>
    %convert_element_type3A_249 = arith.fptosi %mul3A_248 : vector<16xf32> to vector<16xi32>
    %jit3A_250 = arith.constant 0 : i32
    %jit3A_251 = arith.constant 223 : i32
    %max3A_252 = vector.broadcast %jit3A_250 : i32 to vector<16xi32>
    %max3A_253 = arith.maxsi %max3A_252, %convert_element_type3A_249 : vector<16xi32>
    %min3A_254 = vector.broadcast %jit3A_251 : i32 to vector<16xi32>
    %min3A_255 = arith.minsi %min3A_254, %max3A_253 : vector<16xi32>
    %add3A_256 = arith.constant 1 : i32
    %add3A_257 = vector.broadcast %add3A_256 : i32 to vector<16xi32>
    %add3A_258 = arith.addi %convert_element_type3A_249, %add3A_257 : vector<16xi32>
    %jit3A_259 = arith.constant 0 : i32
    %jit3A_260 = arith.constant 223 : i32
    %max3A_261 = vector.broadcast %jit3A_259 : i32 to vector<16xi32>
    %max3A_262 = arith.maxsi %max3A_261, %add3A_258 : vector<16xi32>
    %min3A_263 = vector.broadcast %jit3A_260 : i32 to vector<16xi32>
    %min3A_264 = arith.minsi %min3A_263, %max3A_262 : vector<16xi32>
    %swap3A_265 = arith.constant 32 : index
    %swap3A_266 = tpu.vector_load %arg14[%swap3A_265] {strides = array<i32>} : memref<112xi32, #tpu.memory_space<vmem>>, vector<16xi32>,
    tpu.vector_store %arg14[%swap3A_265], %min3A_255 {strides = array<i32>} : memref<112xi32, #tpu.memory_space<vmem>>, vector<16xi32>,
    %swap3A_267 = arith.constant 32 : index
    %swap3A_268 = tpu.vector_load %arg15[%swap3A_267] {strides = array<i32>} : memref<112xi32, #tpu.memory_space<vmem>>, vector<16xi32>,
    tpu.vector_store %arg15[%swap3A_267], %min3A_264 {strides = array<i32>} : memref<112xi32, #tpu.memory_space<vmem>>, vector<16xi32>,
    %convert_element_type3A_269 = arith.sitofp %min3A_264 : vector<16xi32> to vector<16xf32>
    %sub3A_270 = arith.subf %convert_element_type3A_269, %mul3A_248 : vector<16xf32>
    %swap3A_271 = arith.constant 32 : index
    %swap3A_272 = tpu.vector_load %arg16[%swap3A_271] {strides = array<i32>} : memref<112xf32, #tpu.memory_space<vmem>>, vector<16xf32>,
    tpu.vector_store %arg16[%swap3A_271], %sub3A_270 {strides = array<i32>} : memref<112xf32, #tpu.memory_space<vmem>>, vector<16xf32>,
    %convert_element_type3A_273 = arith.sitofp %min3A_255 : vector<16xi32> to vector<16xf32>
    %sub3A_274 = arith.subf %mul3A_248, %convert_element_type3A_273 : vector<16xf32>
    %swap3A_275 = arith.constant 32 : index
    %swap3A_276 = tpu.vector_load %arg17[%swap3A_275] {strides = array<i32>} : memref<112xf32, #tpu.memory_space<vmem>>, vector<16xf32>,
    tpu.vector_store %arg17[%swap3A_275], %sub3A_274 {strides = array<i32>} : memref<112xf32, #tpu.memory_space<vmem>>, vector<16xf32>,
    %add3A_277 = arith.constant 48 : i32
    %add3A_278 = vector.broadcast %add3A_277 : i32 to vector<16xi32>
    %add3A_279 = arith.addi %iota3A, %add3A_278 : vector<16xi32>
    %convert_element_type3A_280 = arith.sitofp %add3A_279 : vector<16xi32> to vector<16xf32>
    %mul3A_281 = arith.constant 0.0180180185 : f32
    %mul3A_282 = vector.broadcast %mul3A_281 : f32 to vector<16xf32>
    %mul3A_283 = arith.mulf %convert_element_type3A_280, %mul3A_282 : vector<16xf32>
    %sub3A_284 = arith.constant 1.000000e+00 : f32
    %sub3A_285 = vector.broadcast %sub3A_284 : f32 to vector<16xf32>
    %sub3A_286 = arith.subf %mul3A_283, %sub3A_285 : vector<16xf32>
    %bitcast3A_287 = vector.bitcast %sub3A_286 : vector<16xf32> to vector<16xi32>
    %add3A_288 = arith.constant 32767 : i32
    %add3A_289 = vector.broadcast %add3A_288 : i32 to vector<16xi32>
    %add3A_290 = arith.addi %bitcast3A_287, %add3A_289 : vector<16xi32>
    %shift_right_arithmetic3A_291 = arith.constant 16 : i32
    %shift_right_arithmetic3A_292 = vector.broadcast %shift_right_arithmetic3A_291 : i32 to vector<16xi32>
    %shift_right_arithmetic3A_293 = arith.shrsi %bitcast3A_287, %shift_right_arithmetic3A_292 : vector<16xi32>
    %and3A_294 = arith.constant 1 : i32
    %and3A_295 = vector.broadcast %and3A_294 : i32 to vector<16xi32>
    %and3A_296 = arith.andi %shift_right_arithmetic3A_293, %and3A_295 : vector<16xi32>
    %add3A_297 = arith.addi %add3A_290, %and3A_296 : vector<16xi32>
    %and3A_298 = arith.constant -65536 : i32
    %and3A_299 = vector.broadcast %and3A_298 : i32 to vector<16xi32>
    %and3A_300 = arith.andi %add3A_297, %and3A_299 : vector<16xi32>
    %bitcast3A_301 = vector.bitcast %and3A_300 : vector<16xi32> to vector<16xf32>
    %mul3A_302 = arith.mulf %bitcast3A_47, %bitcast3A_301 : vector<16xf32>
    %add3A_303 = arith.addf %mul3A_302, %bitcast3A_66 : vector<16xf32>
    %add3A_304 = arith.constant 1.000000e+00 : f32
    %add3A_305 = vector.broadcast %add3A_304 : f32 to vector<16xf32>
    %add3A_306 = arith.addf %add3A_303, %add3A_305 : vector<16xf32>
    %mul3A_307 = arith.constant 5.000000e-01 : f32
    %mul3A_308 = vector.broadcast %mul3A_307 : f32 to vector<16xf32>
    %mul3A_309 = arith.mulf %mul3A_308, %add3A_306 : vector<16xf32>
    %mul3A_310 = arith.constant 2.240000e+02 : f32
    %mul3A_311 = vector.broadcast %mul3A_310 : f32 to vector<16xf32>
    %mul3A_312 = arith.mulf %mul3A_309, %mul3A_311 : vector<16xf32>
    %convert_element_type3A_313 = arith.fptosi %mul3A_312 : vector<16xf32> to vector<16xi32>
    %jit3A_314 = arith.constant 0 : i32
    %jit3A_315 = arith.constant 223 : i32
    %max3A_316 = vector.broadcast %jit3A_314 : i32 to vector<16xi32>
    %max3A_317 = arith.maxsi %max3A_316, %convert_element_type3A_313 : vector<16xi32>
    %min3A_318 = vector.broadcast %jit3A_315 : i32 to vector<16xi32>
    %min3A_319 = arith.minsi %min3A_318, %max3A_317 : vector<16xi32>
    %add3A_320 = arith.constant 1 : i32
    %add3A_321 = vector.broadcast %add3A_320 : i32 to vector<16xi32>
    %add3A_322 = arith.addi %convert_element_type3A_313, %add3A_321 : vector<16xi32>
    %jit3A_323 = arith.constant 0 : i32
    %jit3A_324 = arith.constant 223 : i32
    %max3A_325 = vector.broadcast %jit3A_323 : i32 to vector<16xi32>
    %max3A_326 = arith.maxsi %max3A_325, %add3A_322 : vector<16xi32>
    %min3A_327 = vector.broadcast %jit3A_324 : i32 to vector<16xi32>
    %min3A_328 = arith.minsi %min3A_327, %max3A_326 : vector<16xi32>
    %swap3A_329 = arith.constant 48 : index
    %swap3A_330 = tpu.vector_load %arg14[%swap3A_329] {strides = array<i32>} : memref<112xi32, #tpu.memory_space<vmem>>, vector<16xi32>,
    tpu.vector_store %arg14[%swap3A_329], %min3A_319 {strides = array<i32>} : memref<112xi32, #tpu.memory_space<vmem>>, vector<16xi32>,
    %swap3A_331 = arith.constant 48 : index
    %swap3A_332 = tpu.vector_load %arg15[%swap3A_331] {strides = array<i32>} : memref<112xi32, #tpu.memory_space<vmem>>, vector<16xi32>,
    tpu.vector_store %arg15[%swap3A_331], %min3A_328 {strides = array<i32>} : memref<112xi32, #tpu.memory_space<vmem>>, vector<16xi32>,
    %convert_element_type3A_333 = arith.sitofp %min3A_328 : vector<16xi32> to vector<16xf32>
    %sub3A_334 = arith.subf %convert_element_type3A_333, %mul3A_312 : vector<16xf32>
    %swap3A_335 = arith.constant 48 : index
    %swap3A_336 = tpu.vector_load %arg16[%swap3A_335] {strides = array<i32>} : memref<112xf32, #tpu.memory_space<vmem>>, vector<16xf32>,
    tpu.vector_store %arg16[%swap3A_335], %sub3A_334 {strides = array<i32>} : memref<112xf32, #tpu.memory_space<vmem>>, vector<16xf32>,
    %convert_element_type3A_337 = arith.sitofp %min3A_319 : vector<16xi32> to vector<16xf32>
    %sub3A_338 = arith.subf %mul3A_312, %convert_element_type3A_337 : vector<16xf32>
    %swap3A_339 = arith.constant 48 : index
    %swap3A_340 = tpu.vector_load %arg17[%swap3A_339] {strides = array<i32>} : memref<112xf32, #tpu.memory_space<vmem>>, vector<16xf32>,
    tpu.vector_store %arg17[%swap3A_339], %sub3A_338 {strides = array<i32>} : memref<112xf32, #tpu.memory_space<vmem>>, vector<16xf32>,
    %add3A_341 = arith.constant 64 : i32
    %add3A_342 = vector.broadcast %add3A_341 : i32 to vector<16xi32>
    %add3A_343 = arith.addi %iota3A, %add3A_342 : vector<16xi32>
    %convert_element_type3A_344 = arith.sitofp %add3A_343 : vector<16xi32> to vector<16xf32>
    %mul3A_345 = arith.constant 0.0180180185 : f32
    %mul3A_346 = vector.broadcast %mul3A_345 : f32 to vector<16xf32>
    %mul3A_347 = arith.mulf %convert_element_type3A_344, %mul3A_346 : vector<16xf32>
    %sub3A_348 = arith.constant 1.000000e+00 : f32
    %sub3A_349 = vector.broadcast %sub3A_348 : f32 to vector<16xf32>
    %sub3A_350 = arith.subf %mul3A_347, %sub3A_349 : vector<16xf32>
    %bitcast3A_351 = vector.bitcast %sub3A_350 : vector<16xf32> to vector<16xi32>
    %add3A_352 = arith.constant 32767 : i32
    %add3A_353 = vector.broadcast %add3A_352 : i32 to vector<16xi32>
    %add3A_354 = arith.addi %bitcast3A_351, %add3A_353 : vector<16xi32>
    %shift_right_arithmetic3A_355 = arith.constant 16 : i32
    %shift_right_arithmetic3A_356 = vector.broadcast %shift_right_arithmetic3A_355 : i32 to vector<16xi32>
    %shift_right_arithmetic3A_357 = arith.shrsi %bitcast3A_351, %shift_right_arithmetic3A_356 : vector<16xi32>
    %and3A_358 = arith.constant 1 : i32
    %and3A_359 = vector.broadcast %and3A_358 : i32 to vector<16xi32>
    %and3A_360 = arith.andi %shift_right_arithmetic3A_357, %and3A_359 : vector<16xi32>
    %add3A_361 = arith.addi %add3A_354, %and3A_360 : vector<16xi32>
    %and3A_362 = arith.constant -65536 : i32
    %and3A_363 = vector.broadcast %and3A_362 : i32 to vector<16xi32>
    %and3A_364 = arith.andi %add3A_361, %and3A_363 : vector<16xi32>
    %bitcast3A_365 = vector.bitcast %and3A_364 : vector<16xi32> to vector<16xf32>
    %mul3A_366 = arith.mulf %bitcast3A_47, %bitcast3A_365 : vector<16xf32>
    %add3A_367 = arith.addf %mul3A_366, %bitcast3A_66 : vector<16xf32>
    %add3A_368 = arith.constant 1.000000e+00 : f32
    %add3A_369 = vector.broadcast %add3A_368 : f32 to vector<16xf32>
    %add3A_370 = arith.addf %add3A_367, %add3A_369 : vector<16xf32>
    %mul3A_371 = arith.constant 5.000000e-01 : f32
    %mul3A_372 = vector.broadcast %mul3A_371 : f32 to vector<16xf32>
    %mul3A_373 = arith.mulf %mul3A_372, %add3A_370 : vector<16xf32>
    %mul3A_374 = arith.constant 2.240000e+02 : f32
    %mul3A_375 = vector.broadcast %mul3A_374 : f32 to vector<16xf32>
    %mul3A_376 = arith.mulf %mul3A_373, %mul3A_375 : vector<16xf32>
    %convert_element_type3A_377 = arith.fptosi %mul3A_376 : vector<16xf32> to vector<16xi32>
    %jit3A_378 = arith.constant 0 : i32
    %jit3A_379 = arith.constant 223 : i32
    %max3A_380 = vector.broadcast %jit3A_378 : i32 to vector<16xi32>
    %max3A_381 = arith.maxsi %max3A_380, %convert_element_type3A_377 : vector<16xi32>
    %min3A_382 = vector.broadcast %jit3A_379 : i32 to vector<16xi32>
    %min3A_383 = arith.minsi %min3A_382, %max3A_381 : vector<16xi32>
    %add3A_384 = arith.constant 1 : i32
    %add3A_385 = vector.broadcast %add3A_384 : i32 to vector<16xi32>
    %add3A_386 = arith.addi %convert_element_type3A_377, %add3A_385 : vector<16xi32>
    %jit3A_387 = arith.constant 0 : i32
    %jit3A_388 = arith.constant 223 : i32
    %max3A_389 = vector.broadcast %jit3A_387 : i32 to vector<16xi32>
    %max3A_390 = arith.maxsi %max3A_389, %add3A_386 : vector<16xi32>
    %min3A_391 = vector.broadcast %jit3A_388 : i32 to vector<16xi32>
    %min3A_392 = arith.minsi %min3A_391, %max3A_390 : vector<16xi32>
    %swap3A_393 = arith.constant 64 : index
    %swap3A_394 = tpu.vector_load %arg14[%swap3A_393] {strides = array<i32>} : memref<112xi32, #tpu.memory_space<vmem>>, vector<16xi32>,
    tpu.vector_store %arg14[%swap3A_393], %min3A_383 {strides = array<i32>} : memref<112xi32, #tpu.memory_space<vmem>>, vector<16xi32>,
    %swap3A_395 = arith.constant 64 : index
    %swap3A_396 = tpu.vector_load %arg15[%swap3A_395] {strides = array<i32>} : memref<112xi32, #tpu.memory_space<vmem>>, vector<16xi32>,
    tpu.vector_store %arg15[%swap3A_395], %min3A_392 {strides = array<i32>} : memref<112xi32, #tpu.memory_space<vmem>>, vector<16xi32>,
    %convert_element_type3A_397 = arith.sitofp %min3A_392 : vector<16xi32> to vector<16xf32>
    %sub3A_398 = arith.subf %convert_element_type3A_397, %mul3A_376 : vector<16xf32>
    %swap3A_399 = arith.constant 64 : index
    %swap3A_400 = tpu.vector_load %arg16[%swap3A_399] {strides = array<i32>} : memref<112xf32, #tpu.memory_space<vmem>>, vector<16xf32>,
    tpu.vector_store %arg16[%swap3A_399], %sub3A_398 {strides = array<i32>} : memref<112xf32, #tpu.memory_space<vmem>>, vector<16xf32>,
    %convert_element_type3A_401 = arith.sitofp %min3A_383 : vector<16xi32> to vector<16xf32>
    %sub3A_402 = arith.subf %mul3A_376, %convert_element_type3A_401 : vector<16xf32>
    %swap3A_403 = arith.constant 64 : index
    %swap3A_404 = tpu.vector_load %arg17[%swap3A_403] {strides = array<i32>} : memref<112xf32, #tpu.memory_space<vmem>>, vector<16xf32>,
    tpu.vector_store %arg17[%swap3A_403], %sub3A_402 {strides = array<i32>} : memref<112xf32, #tpu.memory_space<vmem>>, vector<16xf32>,
    %add3A_405 = arith.constant 80 : i32
    %add3A_406 = vector.broadcast %add3A_405 : i32 to vector<16xi32>
    %add3A_407 = arith.addi %iota3A, %add3A_406 : vector<16xi32>
    %convert_element_type3A_408 = arith.sitofp %add3A_407 : vector<16xi32> to vector<16xf32>
    %mul3A_409 = arith.constant 0.0180180185 : f32
    %mul3A_410 = vector.broadcast %mul3A_409 : f32 to vector<16xf32>
    %mul3A_411 = arith.mulf %convert_element_type3A_408, %mul3A_410 : vector<16xf32>
    %sub3A_412 = arith.constant 1.000000e+00 : f32
    %sub3A_413 = vector.broadcast %sub3A_412 : f32 to vector<16xf32>
    %sub3A_414 = arith.subf %mul3A_411, %sub3A_413 : vector<16xf32>
    %bitcast3A_415 = vector.bitcast %sub3A_414 : vector<16xf32> to vector<16xi32>
    %add3A_416 = arith.constant 32767 : i32
    %add3A_417 = vector.broadcast %add3A_416 : i32 to vector<16xi32>
    %add3A_418 = arith.addi %bitcast3A_415, %add3A_417 : vector<16xi32>
    %shift_right_arithmetic3A_419 = arith.constant 16 : i32
    %shift_right_arithmetic3A_420 = vector.broadcast %shift_right_arithmetic3A_419 : i32 to vector<16xi32>
    %shift_right_arithmetic3A_421 = arith.shrsi %bitcast3A_415, %shift_right_arithmetic3A_420 : vector<16xi32>
    %and3A_422 = arith.constant 1 : i32
    %and3A_423 = vector.broadcast %and3A_422 : i32 to vector<16xi32>
    %and3A_424 = arith.andi %shift_right_arithmetic3A_421, %and3A_423 : vector<16xi32>
    %add3A_425 = arith.addi %add3A_418, %and3A_424 : vector<16xi32>
    %and3A_426 = arith.constant -65536 : i32
    %and3A_427 = vector.broadcast %and3A_426 : i32 to vector<16xi32>
    %and3A_428 = arith.andi %add3A_425, %and3A_427 : vector<16xi32>
    %bitcast3A_429 = vector.bitcast %and3A_428 : vector<16xi32> to vector<16xf32>
    %mul3A_430 = arith.mulf %bitcast3A_47, %bitcast3A_429 : vector<16xf32>
    %add3A_431 = arith.addf %mul3A_430, %bitcast3A_66 : vector<16xf32>
    %add3A_432 = arith.constant 1.000000e+00 : f32
    %add3A_433 = vector.broadcast %add3A_432 : f32 to vector<16xf32>
    %add3A_434 = arith.addf %add3A_431, %add3A_433 : vector<16xf32>
    %mul3A_435 = arith.constant 5.000000e-01 : f32
    %mul3A_436 = vector.broadcast %mul3A_435 : f32 to vector<16xf32>
    %mul3A_437 = arith.mulf %mul3A_436, %add3A_434 : vector<16xf32>
    %mul3A_438 = arith.constant 2.240000e+02 : f32
    %mul3A_439 = vector.broadcast %mul3A_438 : f32 to vector<16xf32>
    %mul3A_440 = arith.mulf %mul3A_437, %mul3A_439 : vector<16xf32>
    %convert_element_type3A_441 = arith.fptosi %mul3A_440 : vector<16xf32> to vector<16xi32>
    %jit3A_442 = arith.constant 0 : i32
    %jit3A_443 = arith.constant 223 : i32
    %max3A_444 = vector.broadcast %jit3A_442 : i32 to vector<16xi32>
    %max3A_445 = arith.maxsi %max3A_444, %convert_element_type3A_441 : vector<16xi32>
    %min3A_446 = vector.broadcast %jit3A_443 : i32 to vector<16xi32>
    %min3A_447 = arith.minsi %min3A_446, %max3A_445 : vector<16xi32>
    %add3A_448 = arith.constant 1 : i32
    %add3A_449 = vector.broadcast %add3A_448 : i32 to vector<16xi32>
    %add3A_450 = arith.addi %convert_element_type3A_441, %add3A_449 : vector<16xi32>
    %jit3A_451 = arith.constant 0 : i32
    %jit3A_452 = arith.constant 223 : i32
    %max3A_453 = vector.broadcast %jit3A_451 : i32 to vector<16xi32>
    %max3A_454 = arith.maxsi %max3A_453, %add3A_450 : vector<16xi32>
    %min3A_455 = vector.broadcast %jit3A_452 : i32 to vector<16xi32>
    %min3A_456 = arith.minsi %min3A_455, %max3A_454 : vector<16xi32>
    %swap3A_457 = arith.constant 80 : index
    %swap3A_458 = tpu.vector_load %arg14[%swap3A_457] {strides = array<i32>} : memref<112xi32, #tpu.memory_space<vmem>>, vector<16xi32>,
    tpu.vector_store %arg14[%swap3A_457], %min3A_447 {strides = array<i32>} : memref<112xi32, #tpu.memory_space<vmem>>, vector<16xi32>,
    %swap3A_459 = arith.constant 80 : index
    %swap3A_460 = tpu.vector_load %arg15[%swap3A_459] {strides = array<i32>} : memref<112xi32, #tpu.memory_space<vmem>>, vector<16xi32>,
    tpu.vector_store %arg15[%swap3A_459], %min3A_456 {strides = array<i32>} : memref<112xi32, #tpu.memory_space<vmem>>, vector<16xi32>,
    %convert_element_type3A_461 = arith.sitofp %min3A_456 : vector<16xi32> to vector<16xf32>
    %sub3A_462 = arith.subf %convert_element_type3A_461, %mul3A_440 : vector<16xf32>
    %swap3A_463 = arith.constant 80 : index
    %swap3A_464 = tpu.vector_load %arg16[%swap3A_463] {strides = array<i32>} : memref<112xf32, #tpu.memory_space<vmem>>, vector<16xf32>,
    tpu.vector_store %arg16[%swap3A_463], %sub3A_462 {strides = array<i32>} : memref<112xf32, #tpu.memory_space<vmem>>, vector<16xf32>,
    %convert_element_type3A_465 = arith.sitofp %min3A_447 : vector<16xi32> to vector<16xf32>
    %sub3A_466 = arith.subf %mul3A_440, %convert_element_type3A_465 : vector<16xf32>
    %swap3A_467 = arith.constant 80 : index
    %swap3A_468 = tpu.vector_load %arg17[%swap3A_467] {strides = array<i32>} : memref<112xf32, #tpu.memory_space<vmem>>, vector<16xf32>,
    tpu.vector_store %arg17[%swap3A_467], %sub3A_466 {strides = array<i32>} : memref<112xf32, #tpu.memory_space<vmem>>, vector<16xf32>,
    %add3A_469 = arith.constant 96 : i32
    %add3A_470 = vector.broadcast %add3A_469 : i32 to vector<16xi32>
    %add3A_471 = arith.addi %iota3A, %add3A_470 : vector<16xi32>
    %convert_element_type3A_472 = arith.sitofp %add3A_471 : vector<16xi32> to vector<16xf32>
    %mul3A_473 = arith.constant 0.0180180185 : f32
    %mul3A_474 = vector.broadcast %mul3A_473 : f32 to vector<16xf32>
    %mul3A_475 = arith.mulf %convert_element_type3A_472, %mul3A_474 : vector<16xf32>
    %sub3A_476 = arith.constant 1.000000e+00 : f32
    %sub3A_477 = vector.broadcast %sub3A_476 : f32 to vector<16xf32>
    %sub3A_478 = arith.subf %mul3A_475, %sub3A_477 : vector<16xf32>
    %bitcast3A_479 = vector.bitcast %sub3A_478 : vector<16xf32> to vector<16xi32>
    %add3A_480 = arith.constant 32767 : i32
    %add3A_481 = vector.broadcast %add3A_480 : i32 to vector<16xi32>
    %add3A_482 = arith.addi %bitcast3A_479, %add3A_481 : vector<16xi32>
    %shift_right_arithmetic3A_483 = arith.constant 16 : i32
    %shift_right_arithmetic3A_484 = vector.broadcast %shift_right_arithmetic3A_483 : i32 to vector<16xi32>
    %shift_right_arithmetic3A_485 = arith.shrsi %bitcast3A_479, %shift_right_arithmetic3A_484 : vector<16xi32>
    %and3A_486 = arith.constant 1 : i32
    %and3A_487 = vector.broadcast %and3A_486 : i32 to vector<16xi32>
    %and3A_488 = arith.andi %shift_right_arithmetic3A_485, %and3A_487 : vector<16xi32>
    %add3A_489 = arith.addi %add3A_482, %and3A_488 : vector<16xi32>
    %and3A_490 = arith.constant -65536 : i32
    %and3A_491 = vector.broadcast %and3A_490 : i32 to vector<16xi32>
    %and3A_492 = arith.andi %add3A_489, %and3A_491 : vector<16xi32>
    %bitcast3A_493 = vector.bitcast %and3A_492 : vector<16xi32> to vector<16xf32>
    %mul3A_494 = arith.mulf %bitcast3A_47, %bitcast3A_493 : vector<16xf32>
    %add3A_495 = arith.addf %mul3A_494, %bitcast3A_66 : vector<16xf32>
    %add3A_496 = arith.constant 1.000000e+00 : f32
    %add3A_497 = vector.broadcast %add3A_496 : f32 to vector<16xf32>
    %add3A_498 = arith.addf %add3A_495, %add3A_497 : vector<16xf32>
    %mul3A_499 = arith.constant 5.000000e-01 : f32
    %mul3A_500 = vector.broadcast %mul3A_499 : f32 to vector<16xf32>
    %mul3A_501 = arith.mulf %mul3A_500, %add3A_498 : vector<16xf32>
    %mul3A_502 = arith.constant 2.240000e+02 : f32
    %mul3A_503 = vector.broadcast %mul3A_502 : f32 to vector<16xf32>
    %mul3A_504 = arith.mulf %mul3A_501, %mul3A_503 : vector<16xf32>
    %convert_element_type3A_505 = arith.fptosi %mul3A_504 : vector<16xf32> to vector<16xi32>
    %jit3A_506 = arith.constant 0 : i32
    %jit3A_507 = arith.constant 223 : i32
    %max3A_508 = vector.broadcast %jit3A_506 : i32 to vector<16xi32>
    %max3A_509 = arith.maxsi %max3A_508, %convert_element_type3A_505 : vector<16xi32>
    %min3A_510 = vector.broadcast %jit3A_507 : i32 to vector<16xi32>
    %min3A_511 = arith.minsi %min3A_510, %max3A_509 : vector<16xi32>
    %add3A_512 = arith.constant 1 : i32
    %add3A_513 = vector.broadcast %add3A_512 : i32 to vector<16xi32>
    %add3A_514 = arith.addi %convert_element_type3A_505, %add3A_513 : vector<16xi32>
    %jit3A_515 = arith.constant 0 : i32
    %jit3A_516 = arith.constant 223 : i32
    %max3A_517 = vector.broadcast %jit3A_515 : i32 to vector<16xi32>
    %max3A_518 = arith.maxsi %max3A_517, %add3A_514 : vector<16xi32>
    %min3A_519 = vector.broadcast %jit3A_516 : i32 to vector<16xi32>
    %min3A_520 = arith.minsi %min3A_519, %max3A_518 : vector<16xi32>
    %swap3A_521 = arith.constant 96 : index
    %swap3A_522 = tpu.vector_load %arg14[%swap3A_521] {strides = array<i32>} : memref<112xi32, #tpu.memory_space<vmem>>, vector<16xi32>,
    tpu.vector_store %arg14[%swap3A_521], %min3A_511 {strides = array<i32>} : memref<112xi32, #tpu.memory_space<vmem>>, vector<16xi32>,
    %swap3A_523 = arith.constant 96 : index
    %swap3A_524 = tpu.vector_load %arg15[%swap3A_523] {strides = array<i32>} : memref<112xi32, #tpu.memory_space<vmem>>, vector<16xi32>,
    tpu.vector_store %arg15[%swap3A_523], %min3A_520 {strides = array<i32>} : memref<112xi32, #tpu.memory_space<vmem>>, vector<16xi32>,
    %convert_element_type3A_525 = arith.sitofp %min3A_520 : vector<16xi32> to vector<16xf32>
    %sub3A_526 = arith.subf %convert_element_type3A_525, %mul3A_504 : vector<16xf32>
    %swap3A_527 = arith.constant 96 : index
    %swap3A_528 = tpu.vector_load %arg16[%swap3A_527] {strides = array<i32>} : memref<112xf32, #tpu.memory_space<vmem>>, vector<16xf32>,
    tpu.vector_store %arg16[%swap3A_527], %sub3A_526 {strides = array<i32>} : memref<112xf32, #tpu.memory_space<vmem>>, vector<16xf32>,
    %convert_element_type3A_529 = arith.sitofp %min3A_511 : vector<16xi32> to vector<16xf32>
    %sub3A_530 = arith.subf %mul3A_504, %convert_element_type3A_529 : vector<16xf32>
    %swap3A_531 = arith.constant 96 : index
    %swap3A_532 = tpu.vector_load %arg17[%swap3A_531] {strides = array<i32>} : memref<112xf32, #tpu.memory_space<vmem>>, vector<16xf32>,
    tpu.vector_store %arg17[%swap3A_531], %sub3A_530 {strides = array<i32>} : memref<112xf32, #tpu.memory_space<vmem>>, vector<16xf32>,
    %add3A_533 = arith.constant 0 : i32
    %add3A_534 = arith.addi %mul3A_32, %add3A_533 : i32
    %broadcast_in_dim3A_535 = vector.broadcast %add3A_534 : i32 to vector<16xi32>
    %convert_element_type3A_536 = arith.sitofp %broadcast_in_dim3A_535 : vector<16xi32> to vector<16xf32>
    %mul3A_537 = arith.constant 0.0180180185 : f32
    %mul3A_538 = vector.broadcast %mul3A_537 : f32 to vector<16xf32>
    %mul3A_539 = arith.mulf %convert_element_type3A_536, %mul3A_538 : vector<16xf32>
    %sub3A_540 = arith.constant 1.000000e+00 : f32
    %sub3A_541 = vector.broadcast %sub3A_540 : f32 to vector<16xf32>
    %sub3A_542 = arith.subf %mul3A_539, %sub3A_541 : vector<16xf32>
    %bitcast3A_543 = vector.bitcast %sub3A_542 : vector<16xf32> to vector<16xi32>
    %add3A_544 = arith.constant 32767 : i32
    %add3A_545 = vector.broadcast %add3A_544 : i32 to vector<16xi32>
    %add3A_546 = arith.addi %bitcast3A_543, %add3A_545 : vector<16xi32>
    %shift_right_arithmetic3A_547 = arith.constant 16 : i32
    %shift_right_arithmetic3A_548 = vector.broadcast %shift_right_arithmetic3A_547 : i32 to vector<16xi32>
    %shift_right_arithmetic3A_549 = arith.shrsi %bitcast3A_543, %shift_right_arithmetic3A_548 : vector<16xi32>
    %and3A_550 = arith.constant 1 : i32
    %and3A_551 = vector.broadcast %and3A_550 : i32 to vector<16xi32>
    %and3A_552 = arith.andi %shift_right_arithmetic3A_549, %and3A_551 : vector<16xi32>
    %add3A_553 = arith.addi %add3A_546, %and3A_552 : vector<16xi32>
    %and3A_554 = arith.constant -65536 : i32
    %and3A_555 = vector.broadcast %and3A_554 : i32 to vector<16xi32>
    %and3A_556 = arith.andi %add3A_553, %and3A_555 : vector<16xi32>
    %bitcast3A_557 = vector.bitcast %and3A_556 : vector<16xi32> to vector<16xf32>
    %mul3A_558 = arith.mulf %bitcast3A_47, %bitcast3A_557 : vector<16xf32>
    %add3A_559 = arith.addf %mul3A_558, %bitcast3A_88 : vector<16xf32>
    %add3A_560 = arith.constant 1.000000e+00 : f32
    %add3A_561 = vector.broadcast %add3A_560 : f32 to vector<16xf32>
    %add3A_562 = arith.addf %add3A_559, %add3A_561 : vector<16xf32>
    %mul3A_563 = arith.constant 5.000000e-01 : f32
    %mul3A_564 = vector.broadcast %mul3A_563 : f32 to vector<16xf32>
    %mul3A_565 = arith.mulf %mul3A_564, %add3A_562 : vector<16xf32>
    %mul3A_566 = arith.constant 2.240000e+02 : f32
    %mul3A_567 = vector.broadcast %mul3A_566 : f32 to vector<16xf32>
    %mul3A_568 = arith.mulf %mul3A_565, %mul3A_567 : vector<16xf32>
    %convert_element_type3A_569 = arith.fptosi %mul3A_568 : vector<16xf32> to vector<16xi32>
    %jit3A_570 = arith.constant 0 : i32
    %jit3A_571 = arith.constant 223 : i32
    %max3A_572 = vector.broadcast %jit3A_570 : i32 to vector<16xi32>
    %max3A_573 = arith.maxsi %max3A_572, %convert_element_type3A_569 : vector<16xi32>
    %min3A_574 = vector.broadcast %jit3A_571 : i32 to vector<16xi32>
    %min3A_575 = arith.minsi %min3A_574, %max3A_573 : vector<16xi32>
    %add3A_576 = arith.constant 1 : i32
    %add3A_577 = vector.broadcast %add3A_576 : i32 to vector<16xi32>
    %add3A_578 = arith.addi %convert_element_type3A_569, %add3A_577 : vector<16xi32>
    %jit3A_579 = arith.constant 0 : i32
    %jit3A_580 = arith.constant 223 : i32
    %max3A_581 = vector.broadcast %jit3A_579 : i32 to vector<16xi32>
    %max3A_582 = arith.maxsi %max3A_581, %add3A_578 : vector<16xi32>
    %min3A_583 = vector.broadcast %jit3A_580 : i32 to vector<16xi32>
    %min3A_584 = arith.minsi %min3A_583, %max3A_582 : vector<16xi32>
    %lt3A_585 = arith.constant 8 : i32
    %lt3A_586 = vector.broadcast %lt3A_585 : i32 to vector<16xi32>
    %lt3A_587 = arith.cmpi slt, %iota3A, %lt3A_586 : vector<16xi32>
    %select_n3A_588 = arith.select %lt3A_587, %min3A_575, %min3A_584 : vector<16xi1>, vector<16xi32>
    %mul3A_589 = arith.constant 224 : i32
    %mul3A_590 = vector.broadcast %mul3A_589 : i32 to vector<16xi32>
    %mul3A_591 = arith.muli %broadcast_in_dim3A_34, %mul3A_590 : vector<16xi32>
    %add3A_592 = arith.addi %select_n3A_588, %mul3A_591 : vector<16xi32>
    %swap3A_593 = arith.constant 0 : index
    %swap3A_594 = tpu.vector_load %arg12[%swap3A_593] {strides = array<i32>} : memref<16xi32, #tpu.memory_space<vmem>>, vector<16xi32>,
    tpu.vector_store %arg12[%swap3A_593], %add3A_592 {strides = array<i32>} : memref<16xi32, #tpu.memory_space<vmem>>, vector<16xi32>,
    %dma_start3A = arith.constant 0 : i32
    %dma_start3A_595 = tpu.memref_slice %arg12[%dma_start3A] : memref<16xi32, #tpu.memory_space<vmem>> -> memref<1xi32, #tpu.memory_space<vmem>>
    %dma_start3A_596 = arith.constant 0 : i32
    %dma_start3A_597 = arith.constant 0 : i32
    %dma_start3A_598 = tpu.memref_slice %arg2[%dma_start3A_596, %dma_start3A_597] : memref<1792x21504xf32, #tpu.memory_space<hbm>> -> memref<1792x21504xf32, #tpu.memory_space<hbm>>
    tpu.enqueue_indirect_dma source(%dma_start3A_598 : memref<1792x21504xf32, #tpu.memory_space<hbm>>) target(%arg6 : memref<1x21504xf32, #tpu.memory_space<vmem>>) offsets(%dma_start3A_595 : memref<1xi32, #tpu.memory_space<vmem>>) semaphore(%arg20 : memref<!tpu.dma_semaphore, #tpu.memory_space<semaphore_mem>>)
    %dma_start3A_599 = arith.constant 8 : i32
    %dma_start3A_600 = tpu.memref_slice %arg12[%dma_start3A_599] : memref<16xi32, #tpu.memory_space<vmem>> -> memref<1xi32, #tpu.memory_space<vmem>>
    %dma_start3A_601 = arith.constant 0 : i32
    %dma_start3A_602 = arith.constant 0 : i32
    %dma_start3A_603 = tpu.memref_slice %arg2[%dma_start3A_601, %dma_start3A_602] : memref<1792x21504xf32, #tpu.memory_space<hbm>> -> memref<1792x21504xf32, #tpu.memory_space<hbm>>
    tpu.enqueue_indirect_dma source(%dma_start3A_603 : memref<1792x21504xf32, #tpu.memory_space<hbm>>) target(%arg7 : memref<1x21504xf32, #tpu.memory_space<vmem>>) offsets(%dma_start3A_600 : memref<1xi32, #tpu.memory_space<vmem>>) semaphore(%arg20 : memref<!tpu.dma_semaphore, #tpu.memory_space<semaphore_mem>>)
    %add3A_604 = arith.constant 1 : i32
    %add3A_605 = arith.addi %mul3A_32, %add3A_604 : i32
    %broadcast_in_dim3A_606 = vector.broadcast %add3A_605 : i32 to vector<16xi32>
    %convert_element_type3A_607 = arith.sitofp %broadcast_in_dim3A_606 : vector<16xi32> to vector<16xf32>
    %mul3A_608 = arith.constant 0.0180180185 : f32
    %mul3A_609 = vector.broadcast %mul3A_608 : f32 to vector<16xf32>
    %mul3A_610 = arith.mulf %convert_element_type3A_607, %mul3A_609 : vector<16xf32>
    %sub3A_611 = arith.constant 1.000000e+00 : f32
    %sub3A_612 = vector.broadcast %sub3A_611 : f32 to vector<16xf32>
    %sub3A_613 = arith.subf %mul3A_610, %sub3A_612 : vector<16xf32>
    %bitcast3A_614 = vector.bitcast %sub3A_613 : vector<16xf32> to vector<16xi32>
    %add3A_615 = arith.constant 32767 : i32
    %add3A_616 = vector.broadcast %add3A_615 : i32 to vector<16xi32>
    %add3A_617 = arith.addi %bitcast3A_614, %add3A_616 : vector<16xi32>
    %shift_right_arithmetic3A_618 = arith.constant 16 : i32
    %shift_right_arithmetic3A_619 = vector.broadcast %shift_right_arithmetic3A_618 : i32 to vector<16xi32>
    %shift_right_arithmetic3A_620 = arith.shrsi %bitcast3A_614, %shift_right_arithmetic3A_619 : vector<16xi32>
    %and3A_621 = arith.constant 1 : i32
    %and3A_622 = vector.broadcast %and3A_621 : i32 to vector<16xi32>
    %and3A_623 = arith.andi %shift_right_arithmetic3A_620, %and3A_622 : vector<16xi32>
    %add3A_624 = arith.addi %add3A_617, %and3A_623 : vector<16xi32>
    %and3A_625 = arith.constant -65536 : i32
    %and3A_626 = vector.broadcast %and3A_625 : i32 to vector<16xi32>
    %and3A_627 = arith.andi %add3A_624, %and3A_626 : vector<16xi32>
    %bitcast3A_628 = vector.bitcast %and3A_627 : vector<16xi32> to vector<16xf32>
    %mul3A_629 = arith.mulf %bitcast3A_47, %bitcast3A_628 : vector<16xf32>
    %add3A_630 = arith.addf %mul3A_629, %bitcast3A_88 : vector<16xf32>
    %add3A_631 = arith.constant 1.000000e+00 : f32
    %add3A_632 = vector.broadcast %add3A_631 : f32 to vector<16xf32>
    %add3A_633 = arith.addf %add3A_630, %add3A_632 : vector<16xf32>
    %mul3A_634 = arith.constant 5.000000e-01 : f32
    %mul3A_635 = vector.broadcast %mul3A_634 : f32 to vector<16xf32>
    %mul3A_636 = arith.mulf %mul3A_635, %add3A_633 : vector<16xf32>
    %mul3A_637 = arith.constant 2.240000e+02 : f32
    %mul3A_638 = vector.broadcast %mul3A_637 : f32 to vector<16xf32>
    %mul3A_639 = arith.mulf %mul3A_636, %mul3A_638 : vector<16xf32>
    %convert_element_type3A_640 = arith.fptosi %mul3A_639 : vector<16xf32> to vector<16xi32>
    %jit3A_641 = arith.constant 0 : i32
    %jit3A_642 = arith.constant 223 : i32
    %max3A_643 = vector.broadcast %jit3A_641 : i32 to vector<16xi32>
    %max3A_644 = arith.maxsi %max3A_643, %convert_element_type3A_640 : vector<16xi32>
    %min3A_645 = vector.broadcast %jit3A_642 : i32 to vector<16xi32>
    %min3A_646 = arith.minsi %min3A_645, %max3A_644 : vector<16xi32>
    %add3A_647 = arith.constant 1 : i32
    %add3A_648 = vector.broadcast %add3A_647 : i32 to vector<16xi32>
    %add3A_649 = arith.addi %convert_element_type3A_640, %add3A_648 : vector<16xi32>
    %jit3A_650 = arith.constant 0 : i32
    %jit3A_651 = arith.constant 223 : i32
    %max3A_652 = vector.broadcast %jit3A_650 : i32 to vector<16xi32>
    %max3A_653 = arith.maxsi %max3A_652, %add3A_649 : vector<16xi32>
    %min3A_654 = vector.broadcast %jit3A_651 : i32 to vector<16xi32>
    %min3A_655 = arith.minsi %min3A_654, %max3A_653 : vector<16xi32>
    %lt3A_656 = arith.constant 8 : i32
    %lt3A_657 = vector.broadcast %lt3A_656 : i32 to vector<16xi32>
    %lt3A_658 = arith.cmpi slt, %iota3A, %lt3A_657 : vector<16xi32>
    %select_n3A_659 = arith.select %lt3A_658, %min3A_646, %min3A_655 : vector<16xi1>, vector<16xi32>
    %mul3A_660 = arith.constant 224 : i32
    %mul3A_661 = vector.broadcast %mul3A_660 : i32 to vector<16xi32>
    %mul3A_662 = arith.muli %broadcast_in_dim3A_34, %mul3A_661 : vector<16xi32>
    %add3A_663 = arith.addi %select_n3A_659, %mul3A_662 : vector<16xi32>
    %swap3A_664 = arith.constant 0 : index
    %swap3A_665 = tpu.vector_load %arg13[%swap3A_664] {strides = array<i32>} : memref<16xi32, #tpu.memory_space<vmem>>, vector<16xi32>,
    tpu.vector_store %arg13[%swap3A_664], %add3A_663 {strides = array<i32>} : memref<16xi32, #tpu.memory_space<vmem>>, vector<16xi32>,
    %dma_start3A_666 = arith.constant 0 : i32
    %dma_start3A_667 = tpu.memref_slice %arg13[%dma_start3A_666] : memref<16xi32, #tpu.memory_space<vmem>> -> memref<1xi32, #tpu.memory_space<vmem>>
    %dma_start3A_668 = arith.constant 0 : i32
    %dma_start3A_669 = arith.constant 0 : i32
    %dma_start3A_670 = tpu.memref_slice %arg2[%dma_start3A_668, %dma_start3A_669] : memref<1792x21504xf32, #tpu.memory_space<hbm>> -> memref<1792x21504xf32, #tpu.memory_space<hbm>>
    tpu.enqueue_indirect_dma source(%dma_start3A_670 : memref<1792x21504xf32, #tpu.memory_space<hbm>>) target(%arg8 : memref<1x21504xf32, #tpu.memory_space<vmem>>) offsets(%dma_start3A_667 : memref<1xi32, #tpu.memory_space<vmem>>) semaphore(%arg21 : memref<!tpu.dma_semaphore, #tpu.memory_space<semaphore_mem>>)
    %dma_start3A_671 = arith.constant 8 : i32
    %dma_start3A_672 = tpu.memref_slice %arg13[%dma_start3A_671] : memref<16xi32, #tpu.memory_space<vmem>> -> memref<1xi32, #tpu.memory_space<vmem>>
    %dma_start3A_673 = arith.constant 0 : i32
    %dma_start3A_674 = arith.constant 0 : i32
    %dma_start3A_675 = tpu.memref_slice %arg2[%dma_start3A_673, %dma_start3A_674] : memref<1792x21504xf32, #tpu.memory_space<hbm>> -> memref<1792x21504xf32, #tpu.memory_space<hbm>>
    tpu.enqueue_indirect_dma source(%dma_start3A_675 : memref<1792x21504xf32, #tpu.memory_space<hbm>>) target(%arg9 : memref<1x21504xf32, #tpu.memory_space<vmem>>) offsets(%dma_start3A_672 : memref<1xi32, #tpu.memory_space<vmem>>) semaphore(%arg21 : memref<!tpu.dma_semaphore, #tpu.memory_space<semaphore_mem>>)
    %scan3A = arith.constant 0.0180180185 : f32
    %scan3A_676 = arith.constant 1.000000e+00 : f32
    %scan3A_677 = arith.constant 5.000000e-01 : f32
    %scan3A_678 = arith.constant 0 : i32
    %scan3A_679 = arith.constant 14 : i32
    %scan3A_680 = arith.addi %scan3A_678, %scan3A_679 : i32
    %scan3A_681 = arith.constant 1 : i32
    scf.for %scan3A_696 = %scan3A_678 to %scan3A_680 step %scan3A_681  : i32 {
      %mul3A_697 = arith.constant 2 : i32
      %mul3A_698 = arith.muli %scan3A_696, %mul3A_697 : i32
      %add3A_699 = arith.constant 0 : i32
      %add3A_700 = arith.addi %add3A_699, %mul3A_698 : i32
      %add3A_701 = arith.constant 0 : i32
      %add3A_702 = arith.addi %add3A_700, %add3A_701 : i32
      %gt3A = arith.constant 0 : i32
      %gt3A_703 = arith.cmpi sgt, %add3A_700, %gt3A : i32
      %convert_element_type3A_704 = arith.extui %gt3A_703 : i1 to i32
      %cond3A = arith.constant 0 : i32
      %cond3A_705 = arith.cmpi ne, %convert_element_type3A_704, %cond3A : i32
      scf.if %cond3A_705 {
        %dma_wait3A_877 = arith.constant 0 : i32
        %dma_wait3A_878 = arith.constant 0 : i32
        %dma_wait3A_879 = tpu.memref_slice %arg5[%dma_wait3A_877, %dma_wait3A_878] : memref<896x10752xf32, #tpu.memory_space<hbm>> -> memref<1x10752xf32, #tpu.memory_space<hbm>>
        %dma_wait3A_880 = tpu.memref_squeeze %dma_wait3A_879 : memref<1x10752xf32, #tpu.memory_space<hbm>> -> memref<10752xf32, #tpu.memory_space<hbm>>
        %dma_wait3A_881 = arith.constant 0 : i32
        %dma_wait3A_882 = tpu.memref_slice %arg5[%dma_wait3A_877, %dma_wait3A_881] : memref<896x10752xf32, #tpu.memory_space<hbm>> -> memref<1x10752xf32, #tpu.memory_space<hbm>>
        %dma_wait3A_883 = tpu.memref_squeeze %dma_wait3A_882 : memref<1x10752xf32, #tpu.memory_space<hbm>> -> memref<10752xf32, #tpu.memory_space<hbm>>
        tpu.wait_dma2 semaphore(%arg22 : memref<!tpu.dma_semaphore, #tpu.memory_space<semaphore_mem>>) src(%arg10 : memref<10752xf32, #tpu.memory_space<vmem>>) dst(%dma_wait3A_883 : memref<10752xf32, #tpu.memory_space<hbm>>)
      } else {
      }
      %dma_wait3A_706 = arith.constant 0 : i32
      %dma_wait3A_707 = tpu.memref_slice %arg12[%dma_wait3A_706] : memref<16xi32, #tpu.memory_space<vmem>> -> memref<1xi32, #tpu.memory_space<vmem>>
      %dma_wait3A_708 = arith.constant 0 : i32
      %dma_wait3A_709 = arith.constant 0 : i32
      %dma_wait3A_710 = tpu.memref_slice %arg2[%dma_wait3A_708, %dma_wait3A_709] : memref<1792x21504xf32, #tpu.memory_space<hbm>> -> memref<1792x21504xf32, #tpu.memory_space<hbm>>
      tpu.wait_indirect_dma semaphore(%arg20 : memref<!tpu.dma_semaphore, #tpu.memory_space<semaphore_mem>>) src(%dma_wait3A_710 : memref<1792x21504xf32, #tpu.memory_space<hbm>>) dst(%arg6 : memref<1x21504xf32, #tpu.memory_space<vmem>>)
      %dma_wait3A_711 = arith.constant 8 : i32
      %dma_wait3A_712 = tpu.memref_slice %arg12[%dma_wait3A_711] : memref<16xi32, #tpu.memory_space<vmem>> -> memref<1xi32, #tpu.memory_space<vmem>>
      %dma_wait3A_713 = arith.constant 0 : i32
      %dma_wait3A_714 = arith.constant 0 : i32
      %dma_wait3A_715 = tpu.memref_slice %arg2[%dma_wait3A_713, %dma_wait3A_714] : memref<1792x21504xf32, #tpu.memory_space<hbm>> -> memref<1792x21504xf32, #tpu.memory_space<hbm>>
      tpu.wait_indirect_dma semaphore(%arg20 : memref<!tpu.dma_semaphore, #tpu.memory_space<semaphore_mem>>) src(%dma_wait3A_715 : memref<1792x21504xf32, #tpu.memory_space<hbm>>) dst(%arg7 : memref<1x21504xf32, #tpu.memory_space<vmem>>)
      %add3A_716 = arith.addi %mul3A_32, %add3A_702 : i32
      %broadcast_in_dim3A_717 = vector.broadcast %add3A_716 : i32 to vector<16xi32>
      %convert_element_type3A_718 = arith.sitofp %broadcast_in_dim3A_717 : vector<16xi32> to vector<16xf32>
      %mul3A_719 = vector.broadcast %scan3A : f32 to vector<16xf32>
      %mul3A_720 = arith.mulf %convert_element_type3A_718, %mul3A_719 : vector<16xf32>
      %sub3A_721 = vector.broadcast %scan3A_676 : f32 to vector<16xf32>
      %sub3A_722 = arith.subf %mul3A_720, %sub3A_721 : vector<16xf32>
      %bitcast3A_723 = vector.bitcast %sub3A_722 : vector<16xf32> to vector<16xi32>
      %add3A_724 = arith.constant 32767 : i32
      %add3A_725 = vector.broadcast %add3A_724 : i32 to vector<16xi32>
      %add3A_726 = arith.addi %bitcast3A_723, %add3A_725 : vector<16xi32>
      %shift_right_arithmetic3A_727 = arith.constant 16 : i32
      %shift_right_arithmetic3A_728 = vector.broadcast %shift_right_arithmetic3A_727 : i32 to vector<16xi32>
      %shift_right_arithmetic3A_729 = arith.shrsi %bitcast3A_723, %shift_right_arithmetic3A_728 : vector<16xi32>
      %and3A_730 = arith.constant 1 : i32
      %and3A_731 = vector.broadcast %and3A_730 : i32 to vector<16xi32>
      %and3A_732 = arith.andi %shift_right_arithmetic3A_729, %and3A_731 : vector<16xi32>
      %add3A_733 = arith.addi %add3A_726, %and3A_732 : vector<16xi32>
      %and3A_734 = arith.constant -65536 : i32
      %and3A_735 = vector.broadcast %and3A_734 : i32 to vector<16xi32>
      %and3A_736 = arith.andi %add3A_733, %and3A_735 : vector<16xi32>
      %bitcast3A_737 = vector.bitcast %and3A_736 : vector<16xi32> to vector<16xf32>
      %mul3A_738 = arith.mulf %bitcast3A_47, %bitcast3A_737 : vector<16xf32>
      %add3A_739 = arith.addf %mul3A_738, %bitcast3A_88 : vector<16xf32>
      %add3A_740 = vector.broadcast %scan3A_676 : f32 to vector<16xf32>
      %add3A_741 = arith.addf %add3A_739, %add3A_740 : vector<16xf32>
      %mul3A_742 = vector.broadcast %scan3A_677 : f32 to vector<16xf32>
      %mul3A_743 = arith.mulf %mul3A_742, %add3A_741 : vector<16xf32>
      %mul3A_744 = arith.constant 2.240000e+02 : f32
      %mul3A_745 = vector.broadcast %mul3A_744 : f32 to vector<16xf32>
      %mul3A_746 = arith.mulf %mul3A_743, %mul3A_745 : vector<16xf32>
      %convert_element_type3A_747 = arith.fptosi %mul3A_746 : vector<16xf32> to vector<16xi32>
      %jit3A_748 = arith.constant 0 : i32
      %jit3A_749 = arith.constant 223 : i32
      %max3A_750 = vector.broadcast %jit3A_748 : i32 to vector<16xi32>
      %max3A_751 = arith.maxsi %max3A_750, %convert_element_type3A_747 : vector<16xi32>
      %min3A_752 = vector.broadcast %jit3A_749 : i32 to vector<16xi32>
      %min3A_753 = arith.minsi %min3A_752, %max3A_751 : vector<16xi32>
      %add3A_754 = arith.constant 1 : i32
      %add3A_755 = vector.broadcast %add3A_754 : i32 to vector<16xi32>
      %add3A_756 = arith.addi %convert_element_type3A_747, %add3A_755 : vector<16xi32>
      %jit3A_757 = arith.constant 0 : i32
      %jit3A_758 = arith.constant 223 : i32
      %max3A_759 = vector.broadcast %jit3A_757 : i32 to vector<16xi32>
      %max3A_760 = arith.maxsi %max3A_759, %add3A_756 : vector<16xi32>
      %min3A_761 = vector.broadcast %jit3A_758 : i32 to vector<16xi32>
      %min3A_762 = arith.minsi %min3A_761, %max3A_760 : vector<16xi32>
      %convert_element_type3A_763 = arith.sitofp %min3A_762 : vector<16xi32> to vector<16xf32>
      %sub3A_764 = arith.subf %convert_element_type3A_763, %mul3A_746 : vector<16xf32>
      %convert_element_type3A_765 = arith.sitofp %min3A_753 : vector<16xi32> to vector<16xf32>
      %sub3A_766 = arith.subf %mul3A_746, %convert_element_type3A_765 : vector<16xf32>
      %scan3A_767 = arith.constant 0 : i32
      %scan3A_768 = arith.constant 7 : i32
      %scan3A_769 = arith.addi %scan3A_767, %scan3A_768 : i32
      %scan3A_770 = arith.constant 1 : i32
      scf.for %scan3A_877 = %scan3A_767 to %scan3A_769 step %scan3A_770  : i32 {
        %mul3A_878 = arith.constant 1 : i32
        %mul3A_879 = arith.muli %scan3A_877, %mul3A_878 : i32
        %add3A_880 = arith.constant 0 : i32
        %add3A_881 = arith.addi %add3A_880, %mul3A_879 : i32
        %mul3A_882 = arith.constant 16 : i32
        %mul3A_883 = arith.muli %add3A_881, %mul3A_882 : i32
        %get3A = arith.index_cast %mul3A_883 : i32 to index
        %get3A_884 = tpu.vector_load %arg14[%get3A] {strides = array<i32>} : memref<112xi32, #tpu.memory_space<vmem>>, vector<16xi32>,
        %get3A_885 = arith.index_cast %mul3A_883 : i32 to index
        %get3A_886 = tpu.vector_load %arg15[%get3A_885] {strides = array<i32>} : memref<112xi32, #tpu.memory_space<vmem>>, vector<16xi32>,
        %get3A_887 = arith.index_cast %mul3A_883 : i32 to index
        %get3A_888 = tpu.vector_load %arg16[%get3A_887] {strides = array<i32>} : memref<112xf32, #tpu.memory_space<vmem>>, vector<16xf32>,
        %get3A_889 = arith.index_cast %mul3A_883 : i32 to index
        %get3A_890 = tpu.vector_load %arg17[%get3A_889] {strides = array<i32>} : memref<112xf32, #tpu.memory_space<vmem>>, vector<16xf32>,
        %mul3A_891 = arith.mulf %get3A_888, %sub3A_764 : vector<16xf32>
        %mul3A_892 = arith.mulf %get3A_888, %sub3A_766 : vector<16xf32>
        %mul3A_893 = arith.mulf %get3A_890, %sub3A_764 : vector<16xf32>
        %mul3A_894 = arith.mulf %get3A_890, %sub3A_766 : vector<16xf32>
        %mul3A_895 = arith.constant 96 : i32
        %mul3A_896 = vector.broadcast %mul3A_895 : i32 to vector<16xi32>
        %mul3A_897 = arith.muli %get3A_884, %mul3A_896 : vector<16xi32>
        %mul3A_898 = arith.constant 96 : i32
        %mul3A_899 = vector.broadcast %mul3A_898 : i32 to vector<16xi32>
        %mul3A_900 = arith.muli %get3A_886, %mul3A_899 : vector<16xi32>
        %add3A_901 = vector.broadcast %mul3A_883 : i32 to vector<16xi32>
        %add3A_902 = arith.addi %iota3A, %add3A_901 : vector<16xi32>
        %mul3A_903 = arith.constant 96 : i32
        %mul3A_904 = vector.broadcast %mul3A_903 : i32 to vector<16xi32>
        %mul3A_905 = arith.muli %add3A_902, %mul3A_904 : vector<16xi32>
        %scan3A_906 = arith.constant 0 : i32
        %scan3A_907 = arith.constant 96 : i32
        %scan3A_908 = arith.addi %scan3A_906, %scan3A_907 : i32
        %scan3A_909 = arith.constant 8 : i32
        scf.for %scan3A_911 = %scan3A_906 to %scan3A_908 step %scan3A_909  : i32 {
          %mul3A_912 = arith.constant 1 : i32
          %mul3A_913 = arith.muli %scan3A_911, %mul3A_912 : i32
          %add3A_914 = arith.constant 0 : i32
          %add3A_915 = arith.addi %add3A_914, %mul3A_913 : i32
          %broadcast_in_dim3A_916 = vector.broadcast %add3A_915 : i32 to vector<16xi32>
          %add3A_917 = arith.addi %mul3A_897, %broadcast_in_dim3A_916 : vector<16xi32>
          %add3A_918 = arith.addi %mul3A_900, %broadcast_in_dim3A_916 : vector<16xi32>
          %gather3A_919 = tpu.vector_load_idx %arg6[%broadcast_in_dim3A_33, %add3A_917] : memref<1x21504xf32, #tpu.memory_space<vmem>>[vector<16xi32>, vector<16xi32>], vector<16xf32>,
          %gather3A_920 = tpu.vector_load_idx %arg7[%broadcast_in_dim3A_33, %add3A_917] : memref<1x21504xf32, #tpu.memory_space<vmem>>[vector<16xi32>, vector<16xi32>], vector<16xf32>,
          %gather3A_921 = tpu.vector_load_idx %arg6[%broadcast_in_dim3A_33, %add3A_918] : memref<1x21504xf32, #tpu.memory_space<vmem>>[vector<16xi32>, vector<16xi32>], vector<16xf32>,
          %gather3A_922 = tpu.vector_load_idx %arg7[%broadcast_in_dim3A_33, %add3A_918] : memref<1x21504xf32, #tpu.memory_space<vmem>>[vector<16xi32>, vector<16xi32>], vector<16xf32>,
          %mul3A_923 = arith.mulf %mul3A_891, %gather3A_919 : vector<16xf32>
          %mul3A_924 = arith.mulf %mul3A_892, %gather3A_920 : vector<16xf32>
          %add3A_925 = arith.addf %mul3A_923, %mul3A_924 : vector<16xf32>
          %mul3A_926 = arith.mulf %mul3A_893, %gather3A_921 : vector<16xf32>
          %add3A_927 = arith.addf %add3A_925, %mul3A_926 : vector<16xf32>
          %mul3A_928 = arith.mulf %mul3A_894, %gather3A_922 : vector<16xf32>
          %add3A_929 = arith.addf %add3A_927, %mul3A_928 : vector<16xf32>
          %add3A_930 = arith.addi %mul3A_905, %broadcast_in_dim3A_916 : vector<16xi32>
          tpu.vector_store_idx %arg10[%add3A_930], %add3A_929 : memref<10752xf32, #tpu.memory_space<vmem>>[vector<16xi32>], vector<16xf32>,
          %scan3A_931 = arith.constant 1 : i32
          %scan3A_932 = arith.addi %scan3A_911, %scan3A_931 : i32
          %mul3A_933 = arith.constant 1 : i32
          %mul3A_934 = arith.muli %scan3A_932, %mul3A_933 : i32
          %add3A_935 = arith.constant 0 : i32
          %add3A_936 = arith.addi %add3A_935, %mul3A_934 : i32
          %broadcast_in_dim3A_937 = vector.broadcast %add3A_936 : i32 to vector<16xi32>
          %add3A_938 = arith.addi %mul3A_897, %broadcast_in_dim3A_937 : vector<16xi32>
          %add3A_939 = arith.addi %mul3A_900, %broadcast_in_dim3A_937 : vector<16xi32>
          %gather3A_940 = tpu.vector_load_idx %arg6[%broadcast_in_dim3A_33, %add3A_938] : memref<1x21504xf32, #tpu.memory_space<vmem>>[vector<16xi32>, vector<16xi32>], vector<16xf32>,
          %gather3A_941 = tpu.vector_load_idx %arg7[%broadcast_in_dim3A_33, %add3A_938] : memref<1x21504xf32, #tpu.memory_space<vmem>>[vector<16xi32>, vector<16xi32>], vector<16xf32>,
          %gather3A_942 = tpu.vector_load_idx %arg6[%broadcast_in_dim3A_33, %add3A_939] : memref<1x21504xf32, #tpu.memory_space<vmem>>[vector<16xi32>, vector<16xi32>], vector<16xf32>,
          %gather3A_943 = tpu.vector_load_idx %arg7[%broadcast_in_dim3A_33, %add3A_939] : memref<1x21504xf32, #tpu.memory_space<vmem>>[vector<16xi32>, vector<16xi32>], vector<16xf32>,
          %mul3A_944 = arith.mulf %mul3A_891, %gather3A_940 : vector<16xf32>
          %mul3A_945 = arith.mulf %mul3A_892, %gather3A_941 : vector<16xf32>
          %add3A_946 = arith.addf %mul3A_944, %mul3A_945 : vector<16xf32>
          %mul3A_947 = arith.mulf %mul3A_893, %gather3A_942 : vector<16xf32>
          %add3A_948 = arith.addf %add3A_946, %mul3A_947 : vector<16xf32>
          %mul3A_949 = arith.mulf %mul3A_894, %gather3A_943 : vector<16xf32>
          %add3A_950 = arith.addf %add3A_948, %mul3A_949 : vector<16xf32>
          %add3A_951 = arith.addi %mul3A_905, %broadcast_in_dim3A_937 : vector<16xi32>
          tpu.vector_store_idx %arg10[%add3A_951], %add3A_950 : memref<10752xf32, #tpu.memory_space<vmem>>[vector<16xi32>], vector<16xf32>,
          %scan3A_952 = arith.constant 2 : i32
          %scan3A_953 = arith.addi %scan3A_911, %scan3A_952 : i32
          %mul3A_954 = arith.constant 1 : i32
          %mul3A_955 = arith.muli %scan3A_953, %mul3A_954 : i32
          %add3A_956 = arith.constant 0 : i32
          %add3A_957 = arith.addi %add3A_956, %mul3A_955 : i32
          %broadcast_in_dim3A_958 = vector.broadcast %add3A_957 : i32 to vector<16xi32>
          %add3A_959 = arith.addi %mul3A_897, %broadcast_in_dim3A_958 : vector<16xi32>
          %add3A_960 = arith.addi %mul3A_900, %broadcast_in_dim3A_958 : vector<16xi32>
          %gather3A_961 = tpu.vector_load_idx %arg6[%broadcast_in_dim3A_33, %add3A_959] : memref<1x21504xf32, #tpu.memory_space<vmem>>[vector<16xi32>, vector<16xi32>], vector<16xf32>,
          %gather3A_962 = tpu.vector_load_idx %arg7[%broadcast_in_dim3A_33, %add3A_959] : memref<1x21504xf32, #tpu.memory_space<vmem>>[vector<16xi32>, vector<16xi32>], vector<16xf32>,
          %gather3A_963 = tpu.vector_load_idx %arg6[%broadcast_in_dim3A_33, %add3A_960] : memref<1x21504xf32, #tpu.memory_space<vmem>>[vector<16xi32>, vector<16xi32>], vector<16xf32>,
          %gather3A_964 = tpu.vector_load_idx %arg7[%broadcast_in_dim3A_33, %add3A_960] : memref<1x21504xf32, #tpu.memory_space<vmem>>[vector<16xi32>, vector<16xi32>], vector<16xf32>,
          %mul3A_965 = arith.mulf %mul3A_891, %gather3A_961 : vector<16xf32>
          %mul3A_966 = arith.mulf %mul3A_892, %gather3A_962 : vector<16xf32>
          %add3A_967 = arith.addf %mul3A_965, %mul3A_966 : vector<16xf32>
          %mul3A_968 = arith.mulf %mul3A_893, %gather3A_963 : vector<16xf32>
          %add3A_969 = arith.addf %add3A_967, %mul3A_968 : vector<16xf32>
          %mul3A_970 = arith.mulf %mul3A_894, %gather3A_964 : vector<16xf32>
          %add3A_971 = arith.addf %add3A_969, %mul3A_970 : vector<16xf32>
          %add3A_972 = arith.addi %mul3A_905, %broadcast_in_dim3A_958 : vector<16xi32>
          tpu.vector_store_idx %arg10[%add3A_972], %add3A_971 : memref<10752xf32, #tpu.memory_space<vmem>>[vector<16xi32>], vector<16xf32>,
          %scan3A_973 = arith.constant 3 : i32
          %scan3A_974 = arith.addi %scan3A_911, %scan3A_973 : i32
          %mul3A_975 = arith.constant 1 : i32
          %mul3A_976 = arith.muli %scan3A_974, %mul3A_975 : i32
          %add3A_977 = arith.constant 0 : i32
          %add3A_978 = arith.addi %add3A_977, %mul3A_976 : i32
          %broadcast_in_dim3A_979 = vector.broadcast %add3A_978 : i32 to vector<16xi32>
          %add3A_980 = arith.addi %mul3A_897, %broadcast_in_dim3A_979 : vector<16xi32>
          %add3A_981 = arith.addi %mul3A_900, %broadcast_in_dim3A_979 : vector<16xi32>
          %gather3A_982 = tpu.vector_load_idx %arg6[%broadcast_in_dim3A_33, %add3A_980] : memref<1x21504xf32, #tpu.memory_space<vmem>>[vector<16xi32>, vector<16xi32>], vector<16xf32>,
          %gather3A_983 = tpu.vector_load_idx %arg7[%broadcast_in_dim3A_33, %add3A_980] : memref<1x21504xf32, #tpu.memory_space<vmem>>[vector<16xi32>, vector<16xi32>], vector<16xf32>,
          %gather3A_984 = tpu.vector_load_idx %arg6[%broadcast_in_dim3A_33, %add3A_981] : memref<1x21504xf32, #tpu.memory_space<vmem>>[vector<16xi32>, vector<16xi32>], vector<16xf32>,
          %gather3A_985 = tpu.vector_load_idx %arg7[%broadcast_in_dim3A_33, %add3A_981] : memref<1x21504xf32, #tpu.memory_space<vmem>>[vector<16xi32>, vector<16xi32>], vector<16xf32>,
          %mul3A_986 = arith.mulf %mul3A_891, %gather3A_982 : vector<16xf32>
          %mul3A_987 = arith.mulf %mul3A_892, %gather3A_983 : vector<16xf32>
          %add3A_988 = arith.addf %mul3A_986, %mul3A_987 : vector<16xf32>
          %mul3A_989 = arith.mulf %mul3A_893, %gather3A_984 : vector<16xf32>
          %add3A_990 = arith.addf %add3A_988, %mul3A_989 : vector<16xf32>
          %mul3A_991 = arith.mulf %mul3A_894, %gather3A_985 : vector<16xf32>
          %add3A_992 = arith.addf %add3A_990, %mul3A_991 : vector<16xf32>
          %add3A_993 = arith.addi %mul3A_905, %broadcast_in_dim3A_979 : vector<16xi32>
          tpu.vector_store_idx %arg10[%add3A_993], %add3A_992 : memref<10752xf32, #tpu.memory_space<vmem>>[vector<16xi32>], vector<16xf32>,
          %scan3A_994 = arith.constant 4 : i32
          %scan3A_995 = arith.addi %scan3A_911, %scan3A_994 : i32
          %mul3A_996 = arith.constant 1 : i32
          %mul3A_997 = arith.muli %scan3A_995, %mul3A_996 : i32
          %add3A_998 = arith.constant 0 : i32
          %add3A_999 = arith.addi %add3A_998, %mul3A_997 : i32
          %broadcast_in_dim3A_1000 = vector.broadcast %add3A_999 : i32 to vector<16xi32>
          %add3A_1001 = arith.addi %mul3A_897, %broadcast_in_dim3A_1000 : vector<16xi32>
          %add3A_1002 = arith.addi %mul3A_900, %broadcast_in_dim3A_1000 : vector<16xi32>
          %gather3A_1003 = tpu.vector_load_idx %arg6[%broadcast_in_dim3A_33, %add3A_1001] : memref<1x21504xf32, #tpu.memory_space<vmem>>[vector<16xi32>, vector<16xi32>], vector<16xf32>,
          %gather3A_1004 = tpu.vector_load_idx %arg7[%broadcast_in_dim3A_33, %add3A_1001] : memref<1x21504xf32, #tpu.memory_space<vmem>>[vector<16xi32>, vector<16xi32>], vector<16xf32>,
          %gather3A_1005 = tpu.vector_load_idx %arg6[%broadcast_in_dim3A_33, %add3A_1002] : memref<1x21504xf32, #tpu.memory_space<vmem>>[vector<16xi32>, vector<16xi32>], vector<16xf32>,
          %gather3A_1006 = tpu.vector_load_idx %arg7[%broadcast_in_dim3A_33, %add3A_1002] : memref<1x21504xf32, #tpu.memory_space<vmem>>[vector<16xi32>, vector<16xi32>], vector<16xf32>,
          %mul3A_1007 = arith.mulf %mul3A_891, %gather3A_1003 : vector<16xf32>
          %mul3A_1008 = arith.mulf %mul3A_892, %gather3A_1004 : vector<16xf32>
          %add3A_1009 = arith.addf %mul3A_1007, %mul3A_1008 : vector<16xf32>
          %mul3A_1010 = arith.mulf %mul3A_893, %gather3A_1005 : vector<16xf32>
          %add3A_1011 = arith.addf %add3A_1009, %mul3A_1010 : vector<16xf32>
          %mul3A_1012 = arith.mulf %mul3A_894, %gather3A_1006 : vector<16xf32>
          %add3A_1013 = arith.addf %add3A_1011, %mul3A_1012 : vector<16xf32>
          %add3A_1014 = arith.addi %mul3A_905, %broadcast_in_dim3A_1000 : vector<16xi32>
          tpu.vector_store_idx %arg10[%add3A_1014], %add3A_1013 : memref<10752xf32, #tpu.memory_space<vmem>>[vector<16xi32>], vector<16xf32>,
          %scan3A_1015 = arith.constant 5 : i32
          %scan3A_1016 = arith.addi %scan3A_911, %scan3A_1015 : i32
          %mul3A_1017 = arith.constant 1 : i32
          %mul3A_1018 = arith.muli %scan3A_1016, %mul3A_1017 : i32
          %add3A_1019 = arith.constant 0 : i32
          %add3A_1020 = arith.addi %add3A_1019, %mul3A_1018 : i32
          %broadcast_in_dim3A_1021 = vector.broadcast %add3A_1020 : i32 to vector<16xi32>
          %add3A_1022 = arith.addi %mul3A_897, %broadcast_in_dim3A_1021 : vector<16xi32>
          %add3A_1023 = arith.addi %mul3A_900, %broadcast_in_dim3A_1021 : vector<16xi32>
          %gather3A_1024 = tpu.vector_load_idx %arg6[%broadcast_in_dim3A_33, %add3A_1022] : memref<1x21504xf32, #tpu.memory_space<vmem>>[vector<16xi32>, vector<16xi32>], vector<16xf32>,
          %gather3A_1025 = tpu.vector_load_idx %arg7[%broadcast_in_dim3A_33, %add3A_1022] : memref<1x21504xf32, #tpu.memory_space<vmem>>[vector<16xi32>, vector<16xi32>], vector<16xf32>,
          %gather3A_1026 = tpu.vector_load_idx %arg6[%broadcast_in_dim3A_33, %add3A_1023] : memref<1x21504xf32, #tpu.memory_space<vmem>>[vector<16xi32>, vector<16xi32>], vector<16xf32>,
          %gather3A_1027 = tpu.vector_load_idx %arg7[%broadcast_in_dim3A_33, %add3A_1023] : memref<1x21504xf32, #tpu.memory_space<vmem>>[vector<16xi32>, vector<16xi32>], vector<16xf32>,
          %mul3A_1028 = arith.mulf %mul3A_891, %gather3A_1024 : vector<16xf32>
          %mul3A_1029 = arith.mulf %mul3A_892, %gather3A_1025 : vector<16xf32>
          %add3A_1030 = arith.addf %mul3A_1028, %mul3A_1029 : vector<16xf32>
          %mul3A_1031 = arith.mulf %mul3A_893, %gather3A_1026 : vector<16xf32>
          %add3A_1032 = arith.addf %add3A_1030, %mul3A_1031 : vector<16xf32>
          %mul3A_1033 = arith.mulf %mul3A_894, %gather3A_1027 : vector<16xf32>
          %add3A_1034 = arith.addf %add3A_1032, %mul3A_1033 : vector<16xf32>
          %add3A_1035 = arith.addi %mul3A_905, %broadcast_in_dim3A_1021 : vector<16xi32>
          tpu.vector_store_idx %arg10[%add3A_1035], %add3A_1034 : memref<10752xf32, #tpu.memory_space<vmem>>[vector<16xi32>], vector<16xf32>,
          %scan3A_1036 = arith.constant 6 : i32
          %scan3A_1037 = arith.addi %scan3A_911, %scan3A_1036 : i32
          %mul3A_1038 = arith.constant 1 : i32
          %mul3A_1039 = arith.muli %scan3A_1037, %mul3A_1038 : i32
          %add3A_1040 = arith.constant 0 : i32
          %add3A_1041 = arith.addi %add3A_1040, %mul3A_1039 : i32
          %broadcast_in_dim3A_1042 = vector.broadcast %add3A_1041 : i32 to vector<16xi32>
          %add3A_1043 = arith.addi %mul3A_897, %broadcast_in_dim3A_1042 : vector<16xi32>
          %add3A_1044 = arith.addi %mul3A_900, %broadcast_in_dim3A_1042 : vector<16xi32>
          %gather3A_1045 = tpu.vector_load_idx %arg6[%broadcast_in_dim3A_33, %add3A_1043] : memref<1x21504xf32, #tpu.memory_space<vmem>>[vector<16xi32>, vector<16xi32>], vector<16xf32>,
          %gather3A_1046 = tpu.vector_load_idx %arg7[%broadcast_in_dim3A_33, %add3A_1043] : memref<1x21504xf32, #tpu.memory_space<vmem>>[vector<16xi32>, vector<16xi32>], vector<16xf32>,
          %gather3A_1047 = tpu.vector_load_idx %arg6[%broadcast_in_dim3A_33, %add3A_1044] : memref<1x21504xf32, #tpu.memory_space<vmem>>[vector<16xi32>, vector<16xi32>], vector<16xf32>,
          %gather3A_1048 = tpu.vector_load_idx %arg7[%broadcast_in_dim3A_33, %add3A_1044] : memref<1x21504xf32, #tpu.memory_space<vmem>>[vector<16xi32>, vector<16xi32>], vector<16xf32>,
          %mul3A_1049 = arith.mulf %mul3A_891, %gather3A_1045 : vector<16xf32>
          %mul3A_1050 = arith.mulf %mul3A_892, %gather3A_1046 : vector<16xf32>
          %add3A_1051 = arith.addf %mul3A_1049, %mul3A_1050 : vector<16xf32>
          %mul3A_1052 = arith.mulf %mul3A_893, %gather3A_1047 : vector<16xf32>
          %add3A_1053 = arith.addf %add3A_1051, %mul3A_1052 : vector<16xf32>
          %mul3A_1054 = arith.mulf %mul3A_894, %gather3A_1048 : vector<16xf32>
          %add3A_1055 = arith.addf %add3A_1053, %mul3A_1054 : vector<16xf32>
          %add3A_1056 = arith.addi %mul3A_905, %broadcast_in_dim3A_1042 : vector<16xi32>
          tpu.vector_store_idx %arg10[%add3A_1056], %add3A_1055 : memref<10752xf32, #tpu.memory_space<vmem>>[vector<16xi32>], vector<16xf32>,
          %scan3A_1057 = arith.constant 7 : i32
          %scan3A_1058 = arith.addi %scan3A_911, %scan3A_1057 : i32
          %mul3A_1059 = arith.constant 1 : i32
          %mul3A_1060 = arith.muli %scan3A_1058, %mul3A_1059 : i32
          %add3A_1061 = arith.constant 0 : i32
          %add3A_1062 = arith.addi %add3A_1061, %mul3A_1060 : i32
          %broadcast_in_dim3A_1063 = vector.broadcast %add3A_1062 : i32 to vector<16xi32>
          %add3A_1064 = arith.addi %mul3A_897, %broadcast_in_dim3A_1063 : vector<16xi32>
          %add3A_1065 = arith.addi %mul3A_900, %broadcast_in_dim3A_1063 : vector<16xi32>
          %gather3A_1066 = tpu.vector_load_idx %arg6[%broadcast_in_dim3A_33, %add3A_1064] : memref<1x21504xf32, #tpu.memory_space<vmem>>[vector<16xi32>, vector<16xi32>], vector<16xf32>,
          %gather3A_1067 = tpu.vector_load_idx %arg7[%broadcast_in_dim3A_33, %add3A_1064] : memref<1x21504xf32, #tpu.memory_space<vmem>>[vector<16xi32>, vector<16xi32>], vector<16xf32>,
          %gather3A_1068 = tpu.vector_load_idx %arg6[%broadcast_in_dim3A_33, %add3A_1065] : memref<1x21504xf32, #tpu.memory_space<vmem>>[vector<16xi32>, vector<16xi32>], vector<16xf32>,
          %gather3A_1069 = tpu.vector_load_idx %arg7[%broadcast_in_dim3A_33, %add3A_1065] : memref<1x21504xf32, #tpu.memory_space<vmem>>[vector<16xi32>, vector<16xi32>], vector<16xf32>,
          %mul3A_1070 = arith.mulf %mul3A_891, %gather3A_1066 : vector<16xf32>
          %mul3A_1071 = arith.mulf %mul3A_892, %gather3A_1067 : vector<16xf32>
          %add3A_1072 = arith.addf %mul3A_1070, %mul3A_1071 : vector<16xf32>
          %mul3A_1073 = arith.mulf %mul3A_893, %gather3A_1068 : vector<16xf32>
          %add3A_1074 = arith.addf %add3A_1072, %mul3A_1073 : vector<16xf32>
          %mul3A_1075 = arith.mulf %mul3A_894, %gather3A_1069 : vector<16xf32>
          %add3A_1076 = arith.addf %add3A_1074, %mul3A_1075 : vector<16xf32>
          %add3A_1077 = arith.addi %mul3A_905, %broadcast_in_dim3A_1063 : vector<16xi32>
          tpu.vector_store_idx %arg10[%add3A_1077], %add3A_1076 : memref<10752xf32, #tpu.memory_space<vmem>>[vector<16xi32>], vector<16xf32>,
        }
        %scan3A_910 = arith.constant 96 : i32
      }
      %scan3A_771 = arith.constant 7 : i32
      %mul3A_772 = arith.constant 28 : i32
      %mul3A_773 = arith.muli %add3A, %mul3A_772 : i32
      %add3A_774 = arith.addi %mul3A_773, %add3A_702 : i32
      %dma_start3A_775 = arith.constant 0 : i32
      %dma_start3A_776 = tpu.memref_slice %arg5[%add3A_774, %dma_start3A_775] : memref<896x10752xf32, #tpu.memory_space<hbm>> -> memref<1x10752xf32, #tpu.memory_space<hbm>>
      %dma_start3A_777 = tpu.memref_squeeze %dma_start3A_776 : memref<1x10752xf32, #tpu.memory_space<hbm>> -> memref<10752xf32, #tpu.memory_space<hbm>>
      %dma_start3A_778 = arith.constant 0 : i32
      %dma_start3A_779 = tpu.memref_slice %arg5[%add3A_774, %dma_start3A_778] : memref<896x10752xf32, #tpu.memory_space<hbm>> -> memref<1x10752xf32, #tpu.memory_space<hbm>>
      %dma_start3A_780 = tpu.memref_squeeze %dma_start3A_779 : memref<1x10752xf32, #tpu.memory_space<hbm>> -> memref<10752xf32, #tpu.memory_space<hbm>>
      tpu.enqueue_dma source(%arg10 : memref<10752xf32, #tpu.memory_space<vmem>>) target(%dma_start3A_780 : memref<10752xf32, #tpu.memory_space<hbm>>) target_semaphore(%arg22 : memref<!tpu.dma_semaphore, #tpu.memory_space<semaphore_mem>>)
      %add3A_781 = arith.constant 2 : i32
      %add3A_782 = arith.addi %add3A_702, %add3A_781 : i32
      %lt3A_783 = arith.constant 28 : i32
      %lt3A_784 = arith.cmpi slt, %add3A_782, %lt3A_783 : i32
      %convert_element_type3A_785 = arith.extui %lt3A_784 : i1 to i32
      %cond3A_786 = arith.constant 0 : i32
      %cond3A_787 = arith.cmpi ne, %convert_element_type3A_785, %cond3A_786 : i32
      scf.if %cond3A_787 {
        %add3A_877 = arith.constant 2 : i32
        %add3A_878 = arith.addi %add3A_702, %add3A_877 : i32
        %add3A_879 = arith.addi %mul3A_32, %add3A_878 : i32
        %broadcast_in_dim3A_880 = vector.broadcast %add3A_879 : i32 to vector<16xi32>
        %convert_element_type3A_881 = arith.sitofp %broadcast_in_dim3A_880 : vector<16xi32> to vector<16xf32>
        %mul3A_882 = vector.broadcast %scan3A : f32 to vector<16xf32>
        %mul3A_883 = arith.mulf %convert_element_type3A_881, %mul3A_882 : vector<16xf32>
        %sub3A_884 = vector.broadcast %scan3A_676 : f32 to vector<16xf32>
        %sub3A_885 = arith.subf %mul3A_883, %sub3A_884 : vector<16xf32>
        %bitcast3A_886 = vector.bitcast %sub3A_885 : vector<16xf32> to vector<16xi32>
        %add3A_887 = arith.constant 32767 : i32
        %add3A_888 = vector.broadcast %add3A_887 : i32 to vector<16xi32>
        %add3A_889 = arith.addi %bitcast3A_886, %add3A_888 : vector<16xi32>
        %shift_right_arithmetic3A_890 = arith.constant 16 : i32
        %shift_right_arithmetic3A_891 = vector.broadcast %shift_right_arithmetic3A_890 : i32 to vector<16xi32>
        %shift_right_arithmetic3A_892 = arith.shrsi %bitcast3A_886, %shift_right_arithmetic3A_891 : vector<16xi32>
        %and3A_893 = arith.constant 1 : i32
        %and3A_894 = vector.broadcast %and3A_893 : i32 to vector<16xi32>
        %and3A_895 = arith.andi %shift_right_arithmetic3A_892, %and3A_894 : vector<16xi32>
        %add3A_896 = arith.addi %add3A_889, %and3A_895 : vector<16xi32>
        %and3A_897 = arith.constant -65536 : i32
        %and3A_898 = vector.broadcast %and3A_897 : i32 to vector<16xi32>
        %and3A_899 = arith.andi %add3A_896, %and3A_898 : vector<16xi32>
        %bitcast3A_900 = vector.bitcast %and3A_899 : vector<16xi32> to vector<16xf32>
        %mul3A_901 = arith.mulf %bitcast3A_47, %bitcast3A_900 : vector<16xf32>
        %add3A_902 = arith.addf %mul3A_901, %bitcast3A_88 : vector<16xf32>
        %add3A_903 = vector.broadcast %scan3A_676 : f32 to vector<16xf32>
        %add3A_904 = arith.addf %add3A_902, %add3A_903 : vector<16xf32>
        %mul3A_905 = vector.broadcast %scan3A_677 : f32 to vector<16xf32>
        %mul3A_906 = arith.mulf %mul3A_905, %add3A_904 : vector<16xf32>
        %mul3A_907 = arith.constant 2.240000e+02 : f32
        %mul3A_908 = vector.broadcast %mul3A_907 : f32 to vector<16xf32>
        %mul3A_909 = arith.mulf %mul3A_906, %mul3A_908 : vector<16xf32>
        %convert_element_type3A_910 = arith.fptosi %mul3A_909 : vector<16xf32> to vector<16xi32>
        %jit3A_911 = arith.constant 0 : i32
        %jit3A_912 = arith.constant 223 : i32
        %max3A_913 = vector.broadcast %jit3A_911 : i32 to vector<16xi32>
        %max3A_914 = arith.maxsi %max3A_913, %convert_element_type3A_910 : vector<16xi32>
        %min3A_915 = vector.broadcast %jit3A_912 : i32 to vector<16xi32>
        %min3A_916 = arith.minsi %min3A_915, %max3A_914 : vector<16xi32>
        %add3A_917 = arith.constant 1 : i32
        %add3A_918 = vector.broadcast %add3A_917 : i32 to vector<16xi32>
        %add3A_919 = arith.addi %convert_element_type3A_910, %add3A_918 : vector<16xi32>
        %jit3A_920 = arith.constant 0 : i32
        %jit3A_921 = arith.constant 223 : i32
        %max3A_922 = vector.broadcast %jit3A_920 : i32 to vector<16xi32>
        %max3A_923 = arith.maxsi %max3A_922, %add3A_919 : vector<16xi32>
        %min3A_924 = vector.broadcast %jit3A_921 : i32 to vector<16xi32>
        %min3A_925 = arith.minsi %min3A_924, %max3A_923 : vector<16xi32>
        %lt3A_926 = arith.constant 8 : i32
        %lt3A_927 = vector.broadcast %lt3A_926 : i32 to vector<16xi32>
        %lt3A_928 = arith.cmpi slt, %iota3A, %lt3A_927 : vector<16xi32>
        %select_n3A_929 = arith.select %lt3A_928, %min3A_916, %min3A_925 : vector<16xi1>, vector<16xi32>
        %mul3A_930 = arith.constant 224 : i32
        %mul3A_931 = vector.broadcast %mul3A_930 : i32 to vector<16xi32>
        %mul3A_932 = arith.muli %broadcast_in_dim3A_34, %mul3A_931 : vector<16xi32>
        %add3A_933 = arith.addi %select_n3A_929, %mul3A_932 : vector<16xi32>
        %swap3A_934 = arith.constant 0 : index
        %swap3A_935 = tpu.vector_load %arg12[%swap3A_934] {strides = array<i32>} : memref<16xi32, #tpu.memory_space<vmem>>, vector<16xi32>,
        tpu.vector_store %arg12[%swap3A_934], %add3A_933 {strides = array<i32>} : memref<16xi32, #tpu.memory_space<vmem>>, vector<16xi32>,
        %dma_start3A_936 = arith.constant 0 : i32
        %dma_start3A_937 = tpu.memref_slice %arg12[%dma_start3A_936] : memref<16xi32, #tpu.memory_space<vmem>> -> memref<1xi32, #tpu.memory_space<vmem>>
        %dma_start3A_938 = arith.constant 0 : i32
        %dma_start3A_939 = arith.constant 0 : i32
        %dma_start3A_940 = tpu.memref_slice %arg2[%dma_start3A_938, %dma_start3A_939] : memref<1792x21504xf32, #tpu.memory_space<hbm>> -> memref<1792x21504xf32, #tpu.memory_space<hbm>>
        tpu.enqueue_indirect_dma source(%dma_start3A_940 : memref<1792x21504xf32, #tpu.memory_space<hbm>>) target(%arg6 : memref<1x21504xf32, #tpu.memory_space<vmem>>) offsets(%dma_start3A_937 : memref<1xi32, #tpu.memory_space<vmem>>) semaphore(%arg20 : memref<!tpu.dma_semaphore, #tpu.memory_space<semaphore_mem>>)
        %dma_start3A_941 = arith.constant 8 : i32
        %dma_start3A_942 = tpu.memref_slice %arg12[%dma_start3A_941] : memref<16xi32, #tpu.memory_space<vmem>> -> memref<1xi32, #tpu.memory_space<vmem>>
        %dma_start3A_943 = arith.constant 0 : i32
        %dma_start3A_944 = arith.constant 0 : i32
        %dma_start3A_945 = tpu.memref_slice %arg2[%dma_start3A_943, %dma_start3A_944] : memref<1792x21504xf32, #tpu.memory_space<hbm>> -> memref<1792x21504xf32, #tpu.memory_space<hbm>>
        tpu.enqueue_indirect_dma source(%dma_start3A_945 : memref<1792x21504xf32, #tpu.memory_space<hbm>>) target(%arg7 : memref<1x21504xf32, #tpu.memory_space<vmem>>) offsets(%dma_start3A_942 : memref<1xi32, #tpu.memory_space<vmem>>) semaphore(%arg20 : memref<!tpu.dma_semaphore, #tpu.memory_space<semaphore_mem>>)
      } else {
      }
      %add3A_788 = arith.constant 1 : i32
      %add3A_789 = arith.addi %add3A_700, %add3A_788 : i32
      %gt3A_790 = arith.constant 0 : i32
      %gt3A_791 = arith.cmpi sgt, %add3A_700, %gt3A_790 : i32
      %convert_element_type3A_792 = arith.extui %gt3A_791 : i1 to i32
      %cond3A_793 = arith.constant 0 : i32
      %cond3A_794 = arith.cmpi ne, %convert_element_type3A_792, %cond3A_793 : i32
      scf.if %cond3A_794 {
        %dma_wait3A_877 = arith.constant 0 : i32
        %dma_wait3A_878 = arith.constant 0 : i32
        %dma_wait3A_879 = tpu.memref_slice %arg5[%dma_wait3A_877, %dma_wait3A_878] : memref<896x10752xf32, #tpu.memory_space<hbm>> -> memref<1x10752xf32, #tpu.memory_space<hbm>>
        %dma_wait3A_880 = tpu.memref_squeeze %dma_wait3A_879 : memref<1x10752xf32, #tpu.memory_space<hbm>> -> memref<10752xf32, #tpu.memory_space<hbm>>
        %dma_wait3A_881 = arith.constant 0 : i32
        %dma_wait3A_882 = tpu.memref_slice %arg5[%dma_wait3A_877, %dma_wait3A_881] : memref<896x10752xf32, #tpu.memory_space<hbm>> -> memref<1x10752xf32, #tpu.memory_space<hbm>>
        %dma_wait3A_883 = tpu.memref_squeeze %dma_wait3A_882 : memref<1x10752xf32, #tpu.memory_space<hbm>> -> memref<10752xf32, #tpu.memory_space<hbm>>
        tpu.wait_dma2 semaphore(%arg23 : memref<!tpu.dma_semaphore, #tpu.memory_space<semaphore_mem>>) src(%arg11 : memref<10752xf32, #tpu.memory_space<vmem>>) dst(%dma_wait3A_883 : memref<10752xf32, #tpu.memory_space<hbm>>)
      } else {
      }
      %dma_wait3A_795 = arith.constant 0 : i32
      %dma_wait3A_796 = tpu.memref_slice %arg13[%dma_wait3A_795] : memref<16xi32, #tpu.memory_space<vmem>> -> memref<1xi32, #tpu.memory_space<vmem>>
      %dma_wait3A_797 = arith.constant 0 : i32
      %dma_wait3A_798 = arith.constant 0 : i32
      %dma_wait3A_799 = tpu.memref_slice %arg2[%dma_wait3A_797, %dma_wait3A_798] : memref<1792x21504xf32, #tpu.memory_space<hbm>> -> memref<1792x21504xf32, #tpu.memory_space<hbm>>
      tpu.wait_indirect_dma semaphore(%arg21 : memref<!tpu.dma_semaphore, #tpu.memory_space<semaphore_mem>>) src(%dma_wait3A_799 : memref<1792x21504xf32, #tpu.memory_space<hbm>>) dst(%arg8 : memref<1x21504xf32, #tpu.memory_space<vmem>>)
      %dma_wait3A_800 = arith.constant 8 : i32
      %dma_wait3A_801 = tpu.memref_slice %arg13[%dma_wait3A_800] : memref<16xi32, #tpu.memory_space<vmem>> -> memref<1xi32, #tpu.memory_space<vmem>>
      %dma_wait3A_802 = arith.constant 0 : i32
      %dma_wait3A_803 = arith.constant 0 : i32
      %dma_wait3A_804 = tpu.memref_slice %arg2[%dma_wait3A_802, %dma_wait3A_803] : memref<1792x21504xf32, #tpu.memory_space<hbm>> -> memref<1792x21504xf32, #tpu.memory_space<hbm>>
      tpu.wait_indirect_dma semaphore(%arg21 : memref<!tpu.dma_semaphore, #tpu.memory_space<semaphore_mem>>) src(%dma_wait3A_804 : memref<1792x21504xf32, #tpu.memory_space<hbm>>) dst(%arg9 : memref<1x21504xf32, #tpu.memory_space<vmem>>)
      %add3A_805 = arith.addi %mul3A_32, %add3A_789 : i32
      %broadcast_in_dim3A_806 = vector.broadcast %add3A_805 : i32 to vector<16xi32>
      %convert_element_type3A_807 = arith.sitofp %broadcast_in_dim3A_806 : vector<16xi32> to vector<16xf32>
      %mul3A_808 = vector.broadcast %scan3A : f32 to vector<16xf32>
      %mul3A_809 = arith.mulf %convert_element_type3A_807, %mul3A_808 : vector<16xf32>
      %sub3A_810 = vector.broadcast %scan3A_676 : f32 to vector<16xf32>
      %sub3A_811 = arith.subf %mul3A_809, %sub3A_810 : vector<16xf32>
      %bitcast3A_812 = vector.bitcast %sub3A_811 : vector<16xf32> to vector<16xi32>
      %add3A_813 = arith.constant 32767 : i32
      %add3A_814 = vector.broadcast %add3A_813 : i32 to vector<16xi32>
      %add3A_815 = arith.addi %bitcast3A_812, %add3A_814 : vector<16xi32>
      %shift_right_arithmetic3A_816 = arith.constant 16 : i32
      %shift_right_arithmetic3A_817 = vector.broadcast %shift_right_arithmetic3A_816 : i32 to vector<16xi32>
      %shift_right_arithmetic3A_818 = arith.shrsi %bitcast3A_812, %shift_right_arithmetic3A_817 : vector<16xi32>
      %and3A_819 = arith.constant 1 : i32
      %and3A_820 = vector.broadcast %and3A_819 : i32 to vector<16xi32>
      %and3A_821 = arith.andi %shift_right_arithmetic3A_818, %and3A_820 : vector<16xi32>
      %add3A_822 = arith.addi %add3A_815, %and3A_821 : vector<16xi32>
      %and3A_823 = arith.constant -65536 : i32
      %and3A_824 = vector.broadcast %and3A_823 : i32 to vector<16xi32>
      %and3A_825 = arith.andi %add3A_822, %and3A_824 : vector<16xi32>
      %bitcast3A_826 = vector.bitcast %and3A_825 : vector<16xi32> to vector<16xf32>
      %mul3A_827 = arith.mulf %bitcast3A_47, %bitcast3A_826 : vector<16xf32>
      %add3A_828 = arith.addf %mul3A_827, %bitcast3A_88 : vector<16xf32>
      %add3A_829 = vector.broadcast %scan3A_676 : f32 to vector<16xf32>
      %add3A_830 = arith.addf %add3A_828, %add3A_829 : vector<16xf32>
      %mul3A_831 = vector.broadcast %scan3A_677 : f32 to vector<16xf32>
      %mul3A_832 = arith.mulf %mul3A_831, %add3A_830 : vector<16xf32>
      %mul3A_833 = arith.constant 2.240000e+02 : f32
      %mul3A_834 = vector.broadcast %mul3A_833 : f32 to vector<16xf32>
      %mul3A_835 = arith.mulf %mul3A_832, %mul3A_834 : vector<16xf32>
      %convert_element_type3A_836 = arith.fptosi %mul3A_835 : vector<16xf32> to vector<16xi32>
      %jit3A_837 = arith.constant 0 : i32
      %jit3A_838 = arith.constant 223 : i32
      %max3A_839 = vector.broadcast %jit3A_837 : i32 to vector<16xi32>
      %max3A_840 = arith.maxsi %max3A_839, %convert_element_type3A_836 : vector<16xi32>
      %min3A_841 = vector.broadcast %jit3A_838 : i32 to vector<16xi32>
      %min3A_842 = arith.minsi %min3A_841, %max3A_840 : vector<16xi32>
      %add3A_843 = arith.constant 1 : i32
      %add3A_844 = vector.broadcast %add3A_843 : i32 to vector<16xi32>
      %add3A_845 = arith.addi %convert_element_type3A_836, %add3A_844 : vector<16xi32>
      %jit3A_846 = arith.constant 0 : i32
      %jit3A_847 = arith.constant 223 : i32
      %max3A_848 = vector.broadcast %jit3A_846 : i32 to vector<16xi32>
      %max3A_849 = arith.maxsi %max3A_848, %add3A_845 : vector<16xi32>
      %min3A_850 = vector.broadcast %jit3A_847 : i32 to vector<16xi32>
      %min3A_851 = arith.minsi %min3A_850, %max3A_849 : vector<16xi32>
      %convert_element_type3A_852 = arith.sitofp %min3A_851 : vector<16xi32> to vector<16xf32>
      %sub3A_853 = arith.subf %convert_element_type3A_852, %mul3A_835 : vector<16xf32>
      %convert_element_type3A_854 = arith.sitofp %min3A_842 : vector<16xi32> to vector<16xf32>
      %sub3A_855 = arith.subf %mul3A_835, %convert_element_type3A_854 : vector<16xf32>
      %scan3A_856 = arith.constant 0 : i32
      %scan3A_857 = arith.constant 7 : i32
      %scan3A_858 = arith.addi %scan3A_856, %scan3A_857 : i32
      %scan3A_859 = arith.constant 1 : i32
      scf.for %scan3A_877 = %scan3A_856 to %scan3A_858 step %scan3A_859  : i32 {
        %mul3A_878 = arith.constant 1 : i32
        %mul3A_879 = arith.muli %scan3A_877, %mul3A_878 : i32
        %add3A_880 = arith.constant 0 : i32
        %add3A_881 = arith.addi %add3A_880, %mul3A_879 : i32
        %mul3A_882 = arith.constant 16 : i32
        %mul3A_883 = arith.muli %add3A_881, %mul3A_882 : i32
        %get3A = arith.index_cast %mul3A_883 : i32 to index
        %get3A_884 = tpu.vector_load %arg14[%get3A] {strides = array<i32>} : memref<112xi32, #tpu.memory_space<vmem>>, vector<16xi32>,
        %get3A_885 = arith.index_cast %mul3A_883 : i32 to index
        %get3A_886 = tpu.vector_load %arg15[%get3A_885] {strides = array<i32>} : memref<112xi32, #tpu.memory_space<vmem>>, vector<16xi32>,
        %get3A_887 = arith.index_cast %mul3A_883 : i32 to index
        %get3A_888 = tpu.vector_load %arg16[%get3A_887] {strides = array<i32>} : memref<112xf32, #tpu.memory_space<vmem>>, vector<16xf32>,
        %get3A_889 = arith.index_cast %mul3A_883 : i32 to index
        %get3A_890 = tpu.vector_load %arg17[%get3A_889] {strides = array<i32>} : memref<112xf32, #tpu.memory_space<vmem>>, vector<16xf32>,
        %mul3A_891 = arith.mulf %get3A_888, %sub3A_853 : vector<16xf32>
        %mul3A_892 = arith.mulf %get3A_888, %sub3A_855 : vector<16xf32>
        %mul3A_893 = arith.mulf %get3A_890, %sub3A_853 : vector<16xf32>
        %mul3A_894 = arith.mulf %get3A_890, %sub3A_855 : vector<16xf32>
        %mul3A_895 = arith.constant 96 : i32
        %mul3A_896 = vector.broadcast %mul3A_895 : i32 to vector<16xi32>
        %mul3A_897 = arith.muli %get3A_884, %mul3A_896 : vector<16xi32>
        %mul3A_898 = arith.constant 96 : i32
        %mul3A_899 = vector.broadcast %mul3A_898 : i32 to vector<16xi32>
        %mul3A_900 = arith.muli %get3A_886, %mul3A_899 : vector<16xi32>
        %add3A_901 = vector.broadcast %mul3A_883 : i32 to vector<16xi32>
        %add3A_902 = arith.addi %iota3A, %add3A_901 : vector<16xi32>
        %mul3A_903 = arith.constant 96 : i32
        %mul3A_904 = vector.broadcast %mul3A_903 : i32 to vector<16xi32>
        %mul3A_905 = arith.muli %add3A_902, %mul3A_904 : vector<16xi32>
        %scan3A_906 = arith.constant 0 : i32
        %scan3A_907 = arith.constant 96 : i32
        %scan3A_908 = arith.addi %scan3A_906, %scan3A_907 : i32
        %scan3A_909 = arith.constant 8 : i32
        scf.for %scan3A_911 = %scan3A_906 to %scan3A_908 step %scan3A_909  : i32 {
          %mul3A_912 = arith.constant 1 : i32
          %mul3A_913 = arith.muli %scan3A_911, %mul3A_912 : i32
          %add3A_914 = arith.constant 0 : i32
          %add3A_915 = arith.addi %add3A_914, %mul3A_913 : i32
          %broadcast_in_dim3A_916 = vector.broadcast %add3A_915 : i32 to vector<16xi32>
          %add3A_917 = arith.addi %mul3A_897, %broadcast_in_dim3A_916 : vector<16xi32>
          %add3A_918 = arith.addi %mul3A_900, %broadcast_in_dim3A_916 : vector<16xi32>
          %gather3A_919 = tpu.vector_load_idx %arg8[%broadcast_in_dim3A_33, %add3A_917] : memref<1x21504xf32, #tpu.memory_space<vmem>>[vector<16xi32>, vector<16xi32>], vector<16xf32>,
          %gather3A_920 = tpu.vector_load_idx %arg9[%broadcast_in_dim3A_33, %add3A_917] : memref<1x21504xf32, #tpu.memory_space<vmem>>[vector<16xi32>, vector<16xi32>], vector<16xf32>,
          %gather3A_921 = tpu.vector_load_idx %arg8[%broadcast_in_dim3A_33, %add3A_918] : memref<1x21504xf32, #tpu.memory_space<vmem>>[vector<16xi32>, vector<16xi32>], vector<16xf32>,
          %gather3A_922 = tpu.vector_load_idx %arg9[%broadcast_in_dim3A_33, %add3A_918] : memref<1x21504xf32, #tpu.memory_space<vmem>>[vector<16xi32>, vector<16xi32>], vector<16xf32>,
          %mul3A_923 = arith.mulf %mul3A_891, %gather3A_919 : vector<16xf32>
          %mul3A_924 = arith.mulf %mul3A_892, %gather3A_920 : vector<16xf32>
          %add3A_925 = arith.addf %mul3A_923, %mul3A_924 : vector<16xf32>
          %mul3A_926 = arith.mulf %mul3A_893, %gather3A_921 : vector<16xf32>
          %add3A_927 = arith.addf %add3A_925, %mul3A_926 : vector<16xf32>
          %mul3A_928 = arith.mulf %mul3A_894, %gather3A_922 : vector<16xf32>
          %add3A_929 = arith.addf %add3A_927, %mul3A_928 : vector<16xf32>
          %add3A_930 = arith.addi %mul3A_905, %broadcast_in_dim3A_916 : vector<16xi32>
          tpu.vector_store_idx %arg11[%add3A_930], %add3A_929 : memref<10752xf32, #tpu.memory_space<vmem>>[vector<16xi32>], vector<16xf32>,
          %scan3A_931 = arith.constant 1 : i32
          %scan3A_932 = arith.addi %scan3A_911, %scan3A_931 : i32
          %mul3A_933 = arith.constant 1 : i32
          %mul3A_934 = arith.muli %scan3A_932, %mul3A_933 : i32
          %add3A_935 = arith.constant 0 : i32
          %add3A_936 = arith.addi %add3A_935, %mul3A_934 : i32
          %broadcast_in_dim3A_937 = vector.broadcast %add3A_936 : i32 to vector<16xi32>
          %add3A_938 = arith.addi %mul3A_897, %broadcast_in_dim3A_937 : vector<16xi32>
          %add3A_939 = arith.addi %mul3A_900, %broadcast_in_dim3A_937 : vector<16xi32>
          %gather3A_940 = tpu.vector_load_idx %arg8[%broadcast_in_dim3A_33, %add3A_938] : memref<1x21504xf32, #tpu.memory_space<vmem>>[vector<16xi32>, vector<16xi32>], vector<16xf32>,
          %gather3A_941 = tpu.vector_load_idx %arg9[%broadcast_in_dim3A_33, %add3A_938] : memref<1x21504xf32, #tpu.memory_space<vmem>>[vector<16xi32>, vector<16xi32>], vector<16xf32>,
          %gather3A_942 = tpu.vector_load_idx %arg8[%broadcast_in_dim3A_33, %add3A_939] : memref<1x21504xf32, #tpu.memory_space<vmem>>[vector<16xi32>, vector<16xi32>], vector<16xf32>,
          %gather3A_943 = tpu.vector_load_idx %arg9[%broadcast_in_dim3A_33, %add3A_939] : memref<1x21504xf32, #tpu.memory_space<vmem>>[vector<16xi32>, vector<16xi32>], vector<16xf32>,
          %mul3A_944 = arith.mulf %mul3A_891, %gather3A_940 : vector<16xf32>
          %mul3A_945 = arith.mulf %mul3A_892, %gather3A_941 : vector<16xf32>
          %add3A_946 = arith.addf %mul3A_944, %mul3A_945 : vector<16xf32>
          %mul3A_947 = arith.mulf %mul3A_893, %gather3A_942 : vector<16xf32>
          %add3A_948 = arith.addf %add3A_946, %mul3A_947 : vector<16xf32>
          %mul3A_949 = arith.mulf %mul3A_894, %gather3A_943 : vector<16xf32>
          %add3A_950 = arith.addf %add3A_948, %mul3A_949 : vector<16xf32>
          %add3A_951 = arith.addi %mul3A_905, %broadcast_in_dim3A_937 : vector<16xi32>
          tpu.vector_store_idx %arg11[%add3A_951], %add3A_950 : memref<10752xf32, #tpu.memory_space<vmem>>[vector<16xi32>], vector<16xf32>,
          %scan3A_952 = arith.constant 2 : i32
          %scan3A_953 = arith.addi %scan3A_911, %scan3A_952 : i32
          %mul3A_954 = arith.constant 1 : i32
          %mul3A_955 = arith.muli %scan3A_953, %mul3A_954 : i32
          %add3A_956 = arith.constant 0 : i32
          %add3A_957 = arith.addi %add3A_956, %mul3A_955 : i32
          %broadcast_in_dim3A_958 = vector.broadcast %add3A_957 : i32 to vector<16xi32>
          %add3A_959 = arith.addi %mul3A_897, %broadcast_in_dim3A_958 : vector<16xi32>
          %add3A_960 = arith.addi %mul3A_900, %broadcast_in_dim3A_958 : vector<16xi32>
          %gather3A_961 = tpu.vector_load_idx %arg8[%broadcast_in_dim3A_33, %add3A_959] : memref<1x21504xf32, #tpu.memory_space<vmem>>[vector<16xi32>, vector<16xi32>], vector<16xf32>,
          %gather3A_962 = tpu.vector_load_idx %arg9[%broadcast_in_dim3A_33, %add3A_959] : memref<1x21504xf32, #tpu.memory_space<vmem>>[vector<16xi32>, vector<16xi32>], vector<16xf32>,
          %gather3A_963 = tpu.vector_load_idx %arg8[%broadcast_in_dim3A_33, %add3A_960] : memref<1x21504xf32, #tpu.memory_space<vmem>>[vector<16xi32>, vector<16xi32>], vector<16xf32>,
          %gather3A_964 = tpu.vector_load_idx %arg9[%broadcast_in_dim3A_33, %add3A_960] : memref<1x21504xf32, #tpu.memory_space<vmem>>[vector<16xi32>, vector<16xi32>], vector<16xf32>,
          %mul3A_965 = arith.mulf %mul3A_891, %gather3A_961 : vector<16xf32>
          %mul3A_966 = arith.mulf %mul3A_892, %gather3A_962 : vector<16xf32>
          %add3A_967 = arith.addf %mul3A_965, %mul3A_966 : vector<16xf32>
          %mul3A_968 = arith.mulf %mul3A_893, %gather3A_963 : vector<16xf32>
          %add3A_969 = arith.addf %add3A_967, %mul3A_968 : vector<16xf32>
          %mul3A_970 = arith.mulf %mul3A_894, %gather3A_964 : vector<16xf32>
          %add3A_971 = arith.addf %add3A_969, %mul3A_970 : vector<16xf32>
          %add3A_972 = arith.addi %mul3A_905, %broadcast_in_dim3A_958 : vector<16xi32>
          tpu.vector_store_idx %arg11[%add3A_972], %add3A_971 : memref<10752xf32, #tpu.memory_space<vmem>>[vector<16xi32>], vector<16xf32>,
          %scan3A_973 = arith.constant 3 : i32
          %scan3A_974 = arith.addi %scan3A_911, %scan3A_973 : i32
          %mul3A_975 = arith.constant 1 : i32
          %mul3A_976 = arith.muli %scan3A_974, %mul3A_975 : i32
          %add3A_977 = arith.constant 0 : i32
          %add3A_978 = arith.addi %add3A_977, %mul3A_976 : i32
          %broadcast_in_dim3A_979 = vector.broadcast %add3A_978 : i32 to vector<16xi32>
          %add3A_980 = arith.addi %mul3A_897, %broadcast_in_dim3A_979 : vector<16xi32>
          %add3A_981 = arith.addi %mul3A_900, %broadcast_in_dim3A_979 : vector<16xi32>
          %gather3A_982 = tpu.vector_load_idx %arg8[%broadcast_in_dim3A_33, %add3A_980] : memref<1x21504xf32, #tpu.memory_space<vmem>>[vector<16xi32>, vector<16xi32>], vector<16xf32>,
          %gather3A_983 = tpu.vector_load_idx %arg9[%broadcast_in_dim3A_33, %add3A_980] : memref<1x21504xf32, #tpu.memory_space<vmem>>[vector<16xi32>, vector<16xi32>], vector<16xf32>,
          %gather3A_984 = tpu.vector_load_idx %arg8[%broadcast_in_dim3A_33, %add3A_981] : memref<1x21504xf32, #tpu.memory_space<vmem>>[vector<16xi32>, vector<16xi32>], vector<16xf32>,
          %gather3A_985 = tpu.vector_load_idx %arg9[%broadcast_in_dim3A_33, %add3A_981] : memref<1x21504xf32, #tpu.memory_space<vmem>>[vector<16xi32>, vector<16xi32>], vector<16xf32>,
          %mul3A_986 = arith.mulf %mul3A_891, %gather3A_982 : vector<16xf32>
          %mul3A_987 = arith.mulf %mul3A_892, %gather3A_983 : vector<16xf32>
          %add3A_988 = arith.addf %mul3A_986, %mul3A_987 : vector<16xf32>
          %mul3A_989 = arith.mulf %mul3A_893, %gather3A_984 : vector<16xf32>
          %add3A_990 = arith.addf %add3A_988, %mul3A_989 : vector<16xf32>
          %mul3A_991 = arith.mulf %mul3A_894, %gather3A_985 : vector<16xf32>
          %add3A_992 = arith.addf %add3A_990, %mul3A_991 : vector<16xf32>
          %add3A_993 = arith.addi %mul3A_905, %broadcast_in_dim3A_979 : vector<16xi32>
          tpu.vector_store_idx %arg11[%add3A_993], %add3A_992 : memref<10752xf32, #tpu.memory_space<vmem>>[vector<16xi32>], vector<16xf32>,
          %scan3A_994 = arith.constant 4 : i32
          %scan3A_995 = arith.addi %scan3A_911, %scan3A_994 : i32
          %mul3A_996 = arith.constant 1 : i32
          %mul3A_997 = arith.muli %scan3A_995, %mul3A_996 : i32
          %add3A_998 = arith.constant 0 : i32
          %add3A_999 = arith.addi %add3A_998, %mul3A_997 : i32
          %broadcast_in_dim3A_1000 = vector.broadcast %add3A_999 : i32 to vector<16xi32>
          %add3A_1001 = arith.addi %mul3A_897, %broadcast_in_dim3A_1000 : vector<16xi32>
          %add3A_1002 = arith.addi %mul3A_900, %broadcast_in_dim3A_1000 : vector<16xi32>
          %gather3A_1003 = tpu.vector_load_idx %arg8[%broadcast_in_dim3A_33, %add3A_1001] : memref<1x21504xf32, #tpu.memory_space<vmem>>[vector<16xi32>, vector<16xi32>], vector<16xf32>,
          %gather3A_1004 = tpu.vector_load_idx %arg9[%broadcast_in_dim3A_33, %add3A_1001] : memref<1x21504xf32, #tpu.memory_space<vmem>>[vector<16xi32>, vector<16xi32>], vector<16xf32>,
          %gather3A_1005 = tpu.vector_load_idx %arg8[%broadcast_in_dim3A_33, %add3A_1002] : memref<1x21504xf32, #tpu.memory_space<vmem>>[vector<16xi32>, vector<16xi32>], vector<16xf32>,
          %gather3A_1006 = tpu.vector_load_idx %arg9[%broadcast_in_dim3A_33, %add3A_1002] : memref<1x21504xf32, #tpu.memory_space<vmem>>[vector<16xi32>, vector<16xi32>], vector<16xf32>,
          %mul3A_1007 = arith.mulf %mul3A_891, %gather3A_1003 : vector<16xf32>
          %mul3A_1008 = arith.mulf %mul3A_892, %gather3A_1004 : vector<16xf32>
          %add3A_1009 = arith.addf %mul3A_1007, %mul3A_1008 : vector<16xf32>
          %mul3A_1010 = arith.mulf %mul3A_893, %gather3A_1005 : vector<16xf32>
          %add3A_1011 = arith.addf %add3A_1009, %mul3A_1010 : vector<16xf32>
          %mul3A_1012 = arith.mulf %mul3A_894, %gather3A_1006 : vector<16xf32>
          %add3A_1013 = arith.addf %add3A_1011, %mul3A_1012 : vector<16xf32>
          %add3A_1014 = arith.addi %mul3A_905, %broadcast_in_dim3A_1000 : vector<16xi32>
          tpu.vector_store_idx %arg11[%add3A_1014], %add3A_1013 : memref<10752xf32, #tpu.memory_space<vmem>>[vector<16xi32>], vector<16xf32>,
          %scan3A_1015 = arith.constant 5 : i32
          %scan3A_1016 = arith.addi %scan3A_911, %scan3A_1015 : i32
          %mul3A_1017 = arith.constant 1 : i32
          %mul3A_1018 = arith.muli %scan3A_1016, %mul3A_1017 : i32
          %add3A_1019 = arith.constant 0 : i32
          %add3A_1020 = arith.addi %add3A_1019, %mul3A_1018 : i32
          %broadcast_in_dim3A_1021 = vector.broadcast %add3A_1020 : i32 to vector<16xi32>
          %add3A_1022 = arith.addi %mul3A_897, %broadcast_in_dim3A_1021 : vector<16xi32>
          %add3A_1023 = arith.addi %mul3A_900, %broadcast_in_dim3A_1021 : vector<16xi32>
          %gather3A_1024 = tpu.vector_load_idx %arg8[%broadcast_in_dim3A_33, %add3A_1022] : memref<1x21504xf32, #tpu.memory_space<vmem>>[vector<16xi32>, vector<16xi32>], vector<16xf32>,
          %gather3A_1025 = tpu.vector_load_idx %arg9[%broadcast_in_dim3A_33, %add3A_1022] : memref<1x21504xf32, #tpu.memory_space<vmem>>[vector<16xi32>, vector<16xi32>], vector<16xf32>,
          %gather3A_1026 = tpu.vector_load_idx %arg8[%broadcast_in_dim3A_33, %add3A_1023] : memref<1x21504xf32, #tpu.memory_space<vmem>>[vector<16xi32>, vector<16xi32>], vector<16xf32>,
          %gather3A_1027 = tpu.vector_load_idx %arg9[%broadcast_in_dim3A_33, %add3A_1023] : memref<1x21504xf32, #tpu.memory_space<vmem>>[vector<16xi32>, vector<16xi32>], vector<16xf32>,
          %mul3A_1028 = arith.mulf %mul3A_891, %gather3A_1024 : vector<16xf32>
          %mul3A_1029 = arith.mulf %mul3A_892, %gather3A_1025 : vector<16xf32>
          %add3A_1030 = arith.addf %mul3A_1028, %mul3A_1029 : vector<16xf32>
          %mul3A_1031 = arith.mulf %mul3A_893, %gather3A_1026 : vector<16xf32>
          %add3A_1032 = arith.addf %add3A_1030, %mul3A_1031 : vector<16xf32>
          %mul3A_1033 = arith.mulf %mul3A_894, %gather3A_1027 : vector<16xf32>
          %add3A_1034 = arith.addf %add3A_1032, %mul3A_1033 : vector<16xf32>
          %add3A_1035 = arith.addi %mul3A_905, %broadcast_in_dim3A_1021 : vector<16xi32>
          tpu.vector_store_idx %arg11[%add3A_1035], %add3A_1034 : memref<10752xf32, #tpu.memory_space<vmem>>[vector<16xi32>], vector<16xf32>,
          %scan3A_1036 = arith.constant 6 : i32
          %scan3A_1037 = arith.addi %scan3A_911, %scan3A_1036 : i32
          %mul3A_1038 = arith.constant 1 : i32
          %mul3A_1039 = arith.muli %scan3A_1037, %mul3A_1038 : i32
          %add3A_1040 = arith.constant 0 : i32
          %add3A_1041 = arith.addi %add3A_1040, %mul3A_1039 : i32
          %broadcast_in_dim3A_1042 = vector.broadcast %add3A_1041 : i32 to vector<16xi32>
          %add3A_1043 = arith.addi %mul3A_897, %broadcast_in_dim3A_1042 : vector<16xi32>
          %add3A_1044 = arith.addi %mul3A_900, %broadcast_in_dim3A_1042 : vector<16xi32>
          %gather3A_1045 = tpu.vector_load_idx %arg8[%broadcast_in_dim3A_33, %add3A_1043] : memref<1x21504xf32, #tpu.memory_space<vmem>>[vector<16xi32>, vector<16xi32>], vector<16xf32>,
          %gather3A_1046 = tpu.vector_load_idx %arg9[%broadcast_in_dim3A_33, %add3A_1043] : memref<1x21504xf32, #tpu.memory_space<vmem>>[vector<16xi32>, vector<16xi32>], vector<16xf32>,
          %gather3A_1047 = tpu.vector_load_idx %arg8[%broadcast_in_dim3A_33, %add3A_1044] : memref<1x21504xf32, #tpu.memory_space<vmem>>[vector<16xi32>, vector<16xi32>], vector<16xf32>,
          %gather3A_1048 = tpu.vector_load_idx %arg9[%broadcast_in_dim3A_33, %add3A_1044] : memref<1x21504xf32, #tpu.memory_space<vmem>>[vector<16xi32>, vector<16xi32>], vector<16xf32>,
          %mul3A_1049 = arith.mulf %mul3A_891, %gather3A_1045 : vector<16xf32>
          %mul3A_1050 = arith.mulf %mul3A_892, %gather3A_1046 : vector<16xf32>
          %add3A_1051 = arith.addf %mul3A_1049, %mul3A_1050 : vector<16xf32>
          %mul3A_1052 = arith.mulf %mul3A_893, %gather3A_1047 : vector<16xf32>
          %add3A_1053 = arith.addf %add3A_1051, %mul3A_1052 : vector<16xf32>
          %mul3A_1054 = arith.mulf %mul3A_894, %gather3A_1048 : vector<16xf32>
          %add3A_1055 = arith.addf %add3A_1053, %mul3A_1054 : vector<16xf32>
          %add3A_1056 = arith.addi %mul3A_905, %broadcast_in_dim3A_1042 : vector<16xi32>
          tpu.vector_store_idx %arg11[%add3A_1056], %add3A_1055 : memref<10752xf32, #tpu.memory_space<vmem>>[vector<16xi32>], vector<16xf32>,
          %scan3A_1057 = arith.constant 7 : i32
          %scan3A_1058 = arith.addi %scan3A_911, %scan3A_1057 : i32
          %mul3A_1059 = arith.constant 1 : i32
          %mul3A_1060 = arith.muli %scan3A_1058, %mul3A_1059 : i32
          %add3A_1061 = arith.constant 0 : i32
          %add3A_1062 = arith.addi %add3A_1061, %mul3A_1060 : i32
          %broadcast_in_dim3A_1063 = vector.broadcast %add3A_1062 : i32 to vector<16xi32>
          %add3A_1064 = arith.addi %mul3A_897, %broadcast_in_dim3A_1063 : vector<16xi32>
          %add3A_1065 = arith.addi %mul3A_900, %broadcast_in_dim3A_1063 : vector<16xi32>
          %gather3A_1066 = tpu.vector_load_idx %arg8[%broadcast_in_dim3A_33, %add3A_1064] : memref<1x21504xf32, #tpu.memory_space<vmem>>[vector<16xi32>, vector<16xi32>], vector<16xf32>,
          %gather3A_1067 = tpu.vector_load_idx %arg9[%broadcast_in_dim3A_33, %add3A_1064] : memref<1x21504xf32, #tpu.memory_space<vmem>>[vector<16xi32>, vector<16xi32>], vector<16xf32>,
          %gather3A_1068 = tpu.vector_load_idx %arg8[%broadcast_in_dim3A_33, %add3A_1065] : memref<1x21504xf32, #tpu.memory_space<vmem>>[vector<16xi32>, vector<16xi32>], vector<16xf32>,
          %gather3A_1069 = tpu.vector_load_idx %arg9[%broadcast_in_dim3A_33, %add3A_1065] : memref<1x21504xf32, #tpu.memory_space<vmem>>[vector<16xi32>, vector<16xi32>], vector<16xf32>,
          %mul3A_1070 = arith.mulf %mul3A_891, %gather3A_1066 : vector<16xf32>
          %mul3A_1071 = arith.mulf %mul3A_892, %gather3A_1067 : vector<16xf32>
          %add3A_1072 = arith.addf %mul3A_1070, %mul3A_1071 : vector<16xf32>
          %mul3A_1073 = arith.mulf %mul3A_893, %gather3A_1068 : vector<16xf32>
          %add3A_1074 = arith.addf %add3A_1072, %mul3A_1073 : vector<16xf32>
          %mul3A_1075 = arith.mulf %mul3A_894, %gather3A_1069 : vector<16xf32>
          %add3A_1076 = arith.addf %add3A_1074, %mul3A_1075 : vector<16xf32>
          %add3A_1077 = arith.addi %mul3A_905, %broadcast_in_dim3A_1063 : vector<16xi32>
          tpu.vector_store_idx %arg11[%add3A_1077], %add3A_1076 : memref<10752xf32, #tpu.memory_space<vmem>>[vector<16xi32>], vector<16xf32>,
        }
        %scan3A_910 = arith.constant 96 : i32
      }
      %scan3A_860 = arith.constant 7 : i32
      %mul3A_861 = arith.constant 28 : i32
      %mul3A_862 = arith.muli %add3A, %mul3A_861 : i32
      %add3A_863 = arith.addi %mul3A_862, %add3A_789 : i32
      %dma_start3A_864 = arith.constant 0 : i32
      %dma_start3A_865 = tpu.memref_slice %arg5[%add3A_863, %dma_start3A_864] : memref<896x10752xf32, #tpu.memory_space<hbm>> -> memref<1x10752xf32, #tpu.memory_space<hbm>>
      %dma_start3A_866 = tpu.memref_squeeze %dma_start3A_865 : memref<1x10752xf32, #tpu.memory_space<hbm>> -> memref<10752xf32, #tpu.memory_space<hbm>>
      %dma_start3A_867 = arith.constant 0 : i32
      %dma_start3A_868 = tpu.memref_slice %arg5[%add3A_863, %dma_start3A_867] : memref<896x10752xf32, #tpu.memory_space<hbm>> -> memref<1x10752xf32, #tpu.memory_space<hbm>>
      %dma_start3A_869 = tpu.memref_squeeze %dma_start3A_868 : memref<1x10752xf32, #tpu.memory_space<hbm>> -> memref<10752xf32, #tpu.memory_space<hbm>>
      tpu.enqueue_dma source(%arg11 : memref<10752xf32, #tpu.memory_space<vmem>>) target(%dma_start3A_869 : memref<10752xf32, #tpu.memory_space<hbm>>) target_semaphore(%arg23 : memref<!tpu.dma_semaphore, #tpu.memory_space<semaphore_mem>>)
      %add3A_870 = arith.constant 2 : i32
      %add3A_871 = arith.addi %add3A_789, %add3A_870 : i32
      %lt3A_872 = arith.constant 28 : i32
      %lt3A_873 = arith.cmpi slt, %add3A_871, %lt3A_872 : i32
      %convert_element_type3A_874 = arith.extui %lt3A_873 : i1 to i32
      %cond3A_875 = arith.constant 0 : i32
      %cond3A_876 = arith.cmpi ne, %convert_element_type3A_874, %cond3A_875 : i32
      scf.if %cond3A_876 {
        %add3A_877 = arith.constant 2 : i32
        %add3A_878 = arith.addi %add3A_789, %add3A_877 : i32
        %add3A_879 = arith.addi %mul3A_32, %add3A_878 : i32
        %broadcast_in_dim3A_880 = vector.broadcast %add3A_879 : i32 to vector<16xi32>
        %convert_element_type3A_881 = arith.sitofp %broadcast_in_dim3A_880 : vector<16xi32> to vector<16xf32>
        %mul3A_882 = vector.broadcast %scan3A : f32 to vector<16xf32>
        %mul3A_883 = arith.mulf %convert_element_type3A_881, %mul3A_882 : vector<16xf32>
        %sub3A_884 = vector.broadcast %scan3A_676 : f32 to vector<16xf32>
        %sub3A_885 = arith.subf %mul3A_883, %sub3A_884 : vector<16xf32>
        %bitcast3A_886 = vector.bitcast %sub3A_885 : vector<16xf32> to vector<16xi32>
        %add3A_887 = arith.constant 32767 : i32
        %add3A_888 = vector.broadcast %add3A_887 : i32 to vector<16xi32>
        %add3A_889 = arith.addi %bitcast3A_886, %add3A_888 : vector<16xi32>
        %shift_right_arithmetic3A_890 = arith.constant 16 : i32
        %shift_right_arithmetic3A_891 = vector.broadcast %shift_right_arithmetic3A_890 : i32 to vector<16xi32>
        %shift_right_arithmetic3A_892 = arith.shrsi %bitcast3A_886, %shift_right_arithmetic3A_891 : vector<16xi32>
        %and3A_893 = arith.constant 1 : i32
        %and3A_894 = vector.broadcast %and3A_893 : i32 to vector<16xi32>
        %and3A_895 = arith.andi %shift_right_arithmetic3A_892, %and3A_894 : vector<16xi32>
        %add3A_896 = arith.addi %add3A_889, %and3A_895 : vector<16xi32>
        %and3A_897 = arith.constant -65536 : i32
        %and3A_898 = vector.broadcast %and3A_897 : i32 to vector<16xi32>
        %and3A_899 = arith.andi %add3A_896, %and3A_898 : vector<16xi32>
        %bitcast3A_900 = vector.bitcast %and3A_899 : vector<16xi32> to vector<16xf32>
        %mul3A_901 = arith.mulf %bitcast3A_47, %bitcast3A_900 : vector<16xf32>
        %add3A_902 = arith.addf %mul3A_901, %bitcast3A_88 : vector<16xf32>
        %add3A_903 = vector.broadcast %scan3A_676 : f32 to vector<16xf32>
        %add3A_904 = arith.addf %add3A_902, %add3A_903 : vector<16xf32>
        %mul3A_905 = vector.broadcast %scan3A_677 : f32 to vector<16xf32>
        %mul3A_906 = arith.mulf %mul3A_905, %add3A_904 : vector<16xf32>
        %mul3A_907 = arith.constant 2.240000e+02 : f32
        %mul3A_908 = vector.broadcast %mul3A_907 : f32 to vector<16xf32>
        %mul3A_909 = arith.mulf %mul3A_906, %mul3A_908 : vector<16xf32>
        %convert_element_type3A_910 = arith.fptosi %mul3A_909 : vector<16xf32> to vector<16xi32>
        %jit3A_911 = arith.constant 0 : i32
        %jit3A_912 = arith.constant 223 : i32
        %max3A_913 = vector.broadcast %jit3A_911 : i32 to vector<16xi32>
        %max3A_914 = arith.maxsi %max3A_913, %convert_element_type3A_910 : vector<16xi32>
        %min3A_915 = vector.broadcast %jit3A_912 : i32 to vector<16xi32>
        %min3A_916 = arith.minsi %min3A_915, %max3A_914 : vector<16xi32>
        %add3A_917 = arith.constant 1 : i32
        %add3A_918 = vector.broadcast %add3A_917 : i32 to vector<16xi32>
        %add3A_919 = arith.addi %convert_element_type3A_910, %add3A_918 : vector<16xi32>
        %jit3A_920 = arith.constant 0 : i32
        %jit3A_921 = arith.constant 223 : i32
        %max3A_922 = vector.broadcast %jit3A_920 : i32 to vector<16xi32>
        %max3A_923 = arith.maxsi %max3A_922, %add3A_919 : vector<16xi32>
        %min3A_924 = vector.broadcast %jit3A_921 : i32 to vector<16xi32>
        %min3A_925 = arith.minsi %min3A_924, %max3A_923 : vector<16xi32>
        %lt3A_926 = arith.constant 8 : i32
        %lt3A_927 = vector.broadcast %lt3A_926 : i32 to vector<16xi32>
        %lt3A_928 = arith.cmpi slt, %iota3A, %lt3A_927 : vector<16xi32>
        %select_n3A_929 = arith.select %lt3A_928, %min3A_916, %min3A_925 : vector<16xi1>, vector<16xi32>
        %mul3A_930 = arith.constant 224 : i32
        %mul3A_931 = vector.broadcast %mul3A_930 : i32 to vector<16xi32>
        %mul3A_932 = arith.muli %broadcast_in_dim3A_34, %mul3A_931 : vector<16xi32>
        %add3A_933 = arith.addi %select_n3A_929, %mul3A_932 : vector<16xi32>
        %swap3A_934 = arith.constant 0 : index
        %swap3A_935 = tpu.vector_load %arg13[%swap3A_934] {strides = array<i32>} : memref<16xi32, #tpu.memory_space<vmem>>, vector<16xi32>,
        tpu.vector_store %arg13[%swap3A_934], %add3A_933 {strides = array<i32>} : memref<16xi32, #tpu.memory_space<vmem>>, vector<16xi32>,
        %dma_start3A_936 = arith.constant 0 : i32
        %dma_start3A_937 = tpu.memref_slice %arg13[%dma_start3A_936] : memref<16xi32, #tpu.memory_space<vmem>> -> memref<1xi32, #tpu.memory_space<vmem>>
        %dma_start3A_938 = arith.constant 0 : i32
        %dma_start3A_939 = arith.constant 0 : i32
        %dma_start3A_940 = tpu.memref_slice %arg2[%dma_start3A_938, %dma_start3A_939] : memref<1792x21504xf32, #tpu.memory_space<hbm>> -> memref<1792x21504xf32, #tpu.memory_space<hbm>>
        tpu.enqueue_indirect_dma source(%dma_start3A_940 : memref<1792x21504xf32, #tpu.memory_space<hbm>>) target(%arg8 : memref<1x21504xf32, #tpu.memory_space<vmem>>) offsets(%dma_start3A_937 : memref<1xi32, #tpu.memory_space<vmem>>) semaphore(%arg21 : memref<!tpu.dma_semaphore, #tpu.memory_space<semaphore_mem>>)
        %dma_start3A_941 = arith.constant 8 : i32
        %dma_start3A_942 = tpu.memref_slice %arg13[%dma_start3A_941] : memref<16xi32, #tpu.memory_space<vmem>> -> memref<1xi32, #tpu.memory_space<vmem>>
        %dma_start3A_943 = arith.constant 0 : i32
        %dma_start3A_944 = arith.constant 0 : i32
        %dma_start3A_945 = tpu.memref_slice %arg2[%dma_start3A_943, %dma_start3A_944] : memref<1792x21504xf32, #tpu.memory_space<hbm>> -> memref<1792x21504xf32, #tpu.memory_space<hbm>>
        tpu.enqueue_indirect_dma source(%dma_start3A_945 : memref<1792x21504xf32, #tpu.memory_space<hbm>>) target(%arg9 : memref<1x21504xf32, #tpu.memory_space<vmem>>) offsets(%dma_start3A_942 : memref<1xi32, #tpu.memory_space<vmem>>) semaphore(%arg21 : memref<!tpu.dma_semaphore, #tpu.memory_space<semaphore_mem>>)
      } else {
      }
    }
    %scan3A_682 = arith.constant 14 : i32
    %dma_wait3A = arith.constant 0 : i32
    %dma_wait3A_683 = arith.constant 0 : i32
    %dma_wait3A_684 = tpu.memref_slice %arg5[%dma_wait3A, %dma_wait3A_683] : memref<896x10752xf32, #tpu.memory_space<hbm>> -> memref<1x10752xf32, #tpu.memory_space<hbm>>
    %dma_wait3A_685 = tpu.memref_squeeze %dma_wait3A_684 : memref<1x10752xf32, #tpu.memory_space<hbm>> -> memref<10752xf32, #tpu.memory_space<hbm>>
    %dma_wait3A_686 = arith.constant 0 : i32
    %dma_wait3A_687 = tpu.memref_slice %arg5[%dma_wait3A, %dma_wait3A_686] : memref<896x10752xf32, #tpu.memory_space<hbm>> -> memref<1x10752xf32, #tpu.memory_space<hbm>>
    %dma_wait3A_688 = tpu.memref_squeeze %dma_wait3A_687 : memref<1x10752xf32, #tpu.memory_space<hbm>> -> memref<10752xf32, #tpu.memory_space<hbm>>
    tpu.wait_dma2 semaphore(%arg22 : memref<!tpu.dma_semaphore, #tpu.memory_space<semaphore_mem>>) src(%arg10 : memref<10752xf32, #tpu.memory_space<vmem>>) dst(%dma_wait3A_688 : memref<10752xf32, #tpu.memory_space<hbm>>)
    %dma_wait3A_689 = arith.constant 0 : i32
    %dma_wait3A_690 = arith.constant 0 : i32
    %dma_wait3A_691 = tpu.memref_slice %arg5[%dma_wait3A_689, %dma_wait3A_690] : memref<896x10752xf32, #tpu.memory_space<hbm>> -> memref<1x10752xf32, #tpu.memory_space<hbm>>
    %dma_wait3A_692 = tpu.memref_squeeze %dma_wait3A_691 : memref<1x10752xf32, #tpu.memory_space<hbm>> -> memref<10752xf32, #tpu.memory_space<hbm>>
    %dma_wait3A_693 = arith.constant 0 : i32
    %dma_wait3A_694 = tpu.memref_slice %arg5[%dma_wait3A_689, %dma_wait3A_693] : memref<896x10752xf32, #tpu.memory_space<hbm>> -> memref<1x10752xf32, #tpu.memory_space<hbm>>
    %dma_wait3A_695 = tpu.memref_squeeze %dma_wait3A_694 : memref<1x10752xf32, #tpu.memory_space<hbm>> -> memref<10752xf32, #tpu.memory_space<hbm>>
    tpu.wait_dma2 semaphore(%arg23 : memref<!tpu.dma_semaphore, #tpu.memory_space<semaphore_mem>>) src(%arg11 : memref<10752xf32, #tpu.memory_space<vmem>>) dst(%dma_wait3A_695 : memref<10752xf32, #tpu.memory_space<hbm>>)
    return
  }
}

</mosaic_0001>

<sc_bundles>
// kernel: kernel.3.cloned.1.call-start
scs
__scs_entry_jumppad:
0x0: {  	(pc) =	sbr.rel $0x88, $3  }
0x1: {  	(tag) =	ssettag $0x0;
	lr =	simm.s32 $0x1  }
0x2: {  	[smem:$0x3F9E] =	sst lr;
	_ =	strace $0xD0000000  }
0x3: {  	_ = 	snop  }
0x4: {  	_ = 	snop  }
0x5: {  	_ = 	snop  }
0x6: {  	_ = 	snop  }
0x7: {  	_ = 	snop  }
__scs_overlays_trampoline_lowered:
0x8: {  	[smem:$0x3FAD] =	sst s0  }
0x9: {  	[smem:$0x3FAE] =	sst s1  }
0xa: {  	[smem:$0x3FAF] =	sst s2  }
0xb: {  	[smem:$0x3FB0] =	sst s3  }
0xc: {  	[smem:$0x3FB1] =	sst s4  }
0xd: {  	[smem:$0x3FB2] =	sst s5  }
0xe: {  	[smem:$0x3FB3] =	sst s6  }
0xf: {  	[smem:$0x3FB4] =	sst s7  }
0x10: {  	[smem:$0x3FB5] =	sst s8  }
0x11: {  	[smem:$0x3FB6] =	sst s9;
	s0 =	simm.s32 @!p0 $0x0  }
0x12: {  	s1 =	sld [smem:$0x3F9C];
	s0 =	simm.s32 @p0 $0x1  }
0x13: {  	[smem:$0x3FB7] =	sst s0;
	s0 =	simm.s32 @!p1 $0x0  }
0x14: {  	s2 =	sld [smem:$0x3F9B];
	s0 =	simm.s32 @p1 $0x1  }
0x15: {  	[smem:$0x3FB8] =	sst s0;
	s0 =	simm.s32 @!p2 $0x0  }
0x16: {  	s3 =	sld [smem:$0x3FDB];
	s0 =	simm.s32 @p2 $0x1  }
0x17: {  	s4 =	simm.s32 $0x1BF5;
	[smem:$0x3FBA] =	sst s0  }
0x18: {  	s0 =	sld [smem:$0x3F9D];
	_ =	swait.ge [sflag:s4], $0x0  }
0x19: {  	s7 =	sld [smem:$0x3F9E]  }
0x1a: {  	s8 =	sadd.s32 $0xFFFFE003, lr  }
0x1b: {  	s9 =	sadd.s32 $0xFFFFFEF7, lr;
	s5 =	simm.s32 $0xFFFFFFFF;
	p2 =	slt.u32 s8, $0xFFFFF086  }
0x1c: {  	p1 =	slt.u32 s9, $0xF7A;
	s5 =	simm.s32 @!p2 $0x0  }
0x1d: {  	s5 =	simm.s32 @p1 $0x1;
	p0 =	seq.s32 s7, s2  }
0x1e: {  	s7 =	smul.u32 @!p0 $0xF7A, s2;
	p2 =	seq.s32 @!p0 s5, $0x0  }
0x1f: {  	s9 =	smul.u32 $0xF7A, s1;
	s8 =	simm.s32 @!p0 $0x1BF5;
	p2 =	por !p2, p0  }
0x20: {  	[sflag:s8] =	ssyncset.s32 @!p0 $0xFFFFF086;
	s6 =	sadd.s32 @!p0 s3, s7;
	s7 =	simm.s32 @!p0 $0x108  }
0x21: {  	s3 =	sadd.s32 s3, s9;
	s6 =	sadd.s32 @!p0 $0x88, s6;
	s7 =	simm.s32 @p2 $0x1082  }
0x22: {  	[simem:s7], [sflag:s8] =	dma.local @!p0 [hbm:s6], $0xF7A  }
0x23: {  	s9 =	sor.u32 $0xD0000000, s2;
	s6 =	simm.s32 $0x108;
	_ =	swait.ge @!p0 [sflag:s8], $0x0  }
0x24: {  	s3 =	sadd.s32 $0x88, s3;
	s6 =	simm.s32 @!p1 $0x1082;
	[sflag:s4] =	ssyncset.s32 $0xFFFFF086  }
0x25: {  	[simem:s6], [sflag:s4] =	dma.local [hbm:s3], $0xF7A  }
0x26: {  	[smem:$0x3F9E] =	sst s1;
	(tag) =	ssettag s2;
	_ =	strace s9  }
0x27: {  	s1 =	sld [smem:$0x3FAE]  }
0x28: {  	s2 =	sld [smem:$0x3FAF]  }
0x29: {  	s4 =	sld [smem:$0x3FB1]  }
0x2a: {  	p0 =	seq.s32 s5, $0x0;
	s5 =	sld [smem:$0x3FB2]  }
0x2b: {  	s6 =	sld [smem:$0x3FB3]  }
0x2c: {  	s7 =	sld [smem:$0x3FB4]  }
0x2d: {  	s3 =	simm.s32 $0x108;
	s8 =	sld [smem:$0x3FB5]  }
0x2e: {  	s3 =	simm.s32 @!p0 $0x1082;
	s9 =	sld [smem:$0x3FB6]  }
0x2f: {  	lr =	sadd.s32 s0, s3;
	s0 =	sld [smem:$0x3FAD]  }
0x30: {  	s3 =	sld [smem:$0x3FB0]  }
0x31: {  	[smem:$0x3FB9] =	sst s10  }
0x32: {  	s10 =	sld [smem:$0x3FB7];
	_ =	sdelay $0x3  }
0x33: {  	p0 =	seq.s32 s10, $0x1;
	s10 =	sld [smem:$0x3FB9];
	_ =	sdelay $0x3  }
0x34: {  	[smem:$0x3FB9] =	sst s10  }
0x35: {  	s10 =	sld [smem:$0x3FB8];
	_ =	sdelay $0x3  }
0x36: {  	p1 =	seq.s32 s10, $0x1;
	s10 =	sld [smem:$0x3FB9];
	_ =	sdelay $0x3  }
0x37: {  	[smem:$0x3FB9] =	sst s10  }
0x38: {  	s10 =	sld [smem:$0x3FBA]  }
0x39: {  	_ = 	snop;
	(pc) =	sbr.ind lr, $3  }
0x3a: {  	_ = 	snop  }
0x3b: {  	_ = 	snop  }
0x3c: {  	p2 =	seq.s32 s10, $0x1;
	s10 =	sld [smem:$0x3FB9]  }
0x3d: {  	_ =	shalt  }
0x3e: {  	_ =	shalt  }
0x3f: {  	_ =	shalt  }
0x40: {  	_ =	shalt  }
0x41: {  	_ =	shalt  }
0x42: {  	_ =	shalt  }
0x43: {  	_ =	shalt  }
0x44: {  	_ =	shalt  }
0x45: {  	_ =	shalt  }
0x46: {  	_ =	shalt  }
0x47: {  	_ =	shalt  }
0x48: {  	_ =	shalt  }
0x49: {  	_ =	shalt  }
0x4a: {  	_ =	shalt  }
0x4b: {  	_ =	shalt  }
0x4c: {  	_ =	shalt  }
0x4d: {  	_ =	shalt  }
0x4e: {  	_ =	shalt  }
0x4f: {  	_ =	shalt  }
0x50: {  	_ =	shalt  }
0x51: {  	_ =	shalt  }
0x52: {  	_ =	shalt  }
0x53: {  	_ =	shalt  }
0x54: {  	_ =	shalt  }
0x55: {  	_ =	shalt  }
0x56: {  	_ =	shalt  }
0x57: {  	_ =	shalt  }
0x58: {  	_ =	shalt  }
0x59: {  	_ =	shalt  }
0x5a: {  	_ =	shalt  }
0x5b: {  	_ =	shalt  }
0x5c: {  	_ =	shalt  }
0x5d: {  	_ =	shalt  }
0x5e: {  	_ =	shalt  }
0x5f: {  	_ =	shalt  }
0x60: {  	_ =	shalt  }
0x61: {  	_ =	shalt  }
0x62: {  	_ =	shalt  }
0x63: {  	_ =	shalt  }
0x64: {  	_ =	shalt  }
0x65: {  	_ =	shalt  }
0x66: {  	_ =	shalt  }
0x67: {  	_ =	shalt  }
0x68: {  	_ =	shalt  }
0x69: {  	_ =	shalt  }
0x6a: {  	_ =	shalt  }
0x6b: {  	_ =	shalt  }
0x6c: {  	_ =	shalt  }
0x6d: {  	_ =	shalt  }
0x6e: {  	_ =	shalt  }
0x6f: {  	_ =	shalt  }
0x70: {  	_ =	shalt  }
0x71: {  	_ =	shalt  }
0x72: {  	_ =	shalt  }
0x73: {  	_ =	shalt  }
0x74: {  	_ =	shalt  }
0x75: {  	_ =	shalt  }
0x76: {  	_ =	shalt  }
0x77: {  	_ =	shalt  }
0x78: {  	_ =	shalt  }
0x79: {  	_ =	shalt  }
0x7a: {  	_ =	shalt  }
0x7b: {  	_ =	shalt  }
0x7c: {  	_ =	shalt  }
0x7d: {  	_ =	shalt  }
0x7e: {  	_ =	shalt  }
0x7f: {  	_ =	shalt  }
0x80: {  	_ =	shalt  }
0x81: {  	_ =	shalt  }
0x82: {  	_ =	shalt  }
0x83: {  	_ =	shalt  }
0x84: {  	_ =	shalt  }
0x85: {  	_ =	shalt  }
0x86: {  	_ =	shalt  }
0x87: {  	_ =	shalt  }
.Lfunc_end0:
.L_simem_size_0:
called_computation.2_lowered:
.L_overlay_start_0:
0x88: {  	s2 =	sld [smem:$0x3FD9]  }
0x89: {  	s3 =	sld [smem:$0x3FFE];
	_ =	sdelay $0x1  }
0x8a: {  	s1 =	srdreg.scid  }
0x8b: {  	s0 =	sand.u32 $0x1, s1  }
0x8c: {  	s17 =	sshll.u32 s0, $0xA;
	s2 =	sadd.s32 s3, s2  }
0x8d: {  	s2 =	sadd.s32 s2, s17  }
0x8e: {  	[smem:$0x3FC5] =	sst s2  }
0x8f: {  	_ = 	snop  }
0x90: {  	s2 =	sld [smem:$0x3FD0];
	(tm) =	ssettm $0x1  }
0x91: {  	s18 =	sld [smem:$0x3FFB];
	_ =	sdelay $0x3  }
0x92: {  	_ =	strace s18  }
0x93: {  	s3 =	sld [smem:$0x3FFC];
	_ =	sdelay $0x3  }
0x94: {  	_ =	strace s3  }
0x95: {  	s3 =	sld [smem:$0x3FFD];
	_ =	sdelay $0x3  }
0x96: {  	_ =	strace s3  }
0x97: {  	_ =	strace $0x8FFFFFFF  }
0x98: {  	s19 =	sld [smem:$0x3FDB];
	_ =	sdelay $0x1  }
0x99: {  	s4 =	simm.s32 $_scs_section_size  }
0x9a: {  	s5 =	simm.s32 $_size__tile_overlayer_lowered;
	s6 =	simm.s32 $_tile_overlayer_lowered  }
0x9b: {  	s22 =	simm.s32 $0x1BFF;
	s21 =	sshll.u32 s6, $0x1;
	s3 =	sadd.s32 s4, s19  }
0x9c: {  	s7 =	simm.s32 $0x0;
	s20 =	sshll.u32 s5, $0x1;
	s5 =	sadd.s32 s21, s3  }
0x9d: {  	[timem:s7], [sflag:s22] =	dma.local [hbm:s5], s20  }
0x9e: {  	_ =	swait.ge [sflag:s22], s20  }
0x9f: {  	s4 =	ssub.s32 $0x0, s20;
	[sflag:s22] =	ssyncset.done $0x0  }
0xa0: {  	[sflag:s22] =	ssyncadd.s32 s4;
	_ =	sdelay $0x1  }
0xa1: {  	s23 =	simm.s32 $0x1B8B  }
0xa2: {  	_ =	swait.ge [sflag:s23], $0x1  }
0xa3: {  	[sflag:s23] =	ssyncset.done $0x0  }
0xa4: {  	s25 =	simm.s32 $0x1B8E;
	s24 =	sld [smem:$0x3FFE];
	[sflag:s23] =	ssyncadd.s32 $0xFFFFFFFF  }
0xa5: {  	s26 =	simm.s32 $execute0_lowered;
	[smem:$0x3FD2] =	sst s25  }
0xa6: {  	s5 =	sshll.u32 s26, $0x1;
	_ =	strace $0x80000049;
	[dreg:$0x1] =	wrdreg $0xFFFFFFFF  }
0xa7: {  	s28 =	simm.s32 $_size_execute0_lowered;
	s3 =	sadd.s32 s3, s5;
	[dreg:$0x0] =	wrdreg $0x0  }
0xa8: {  	s5 =	sshll.u32 s28, $0x1;
	[dreg:$0x2] =	wrdreg s3  }
0xa9: {  	[dreg:$0x3] =	wrdreg s5  }
0xaa: {  	[dreg:$0x4] =	wrdreg $0xC0  }
0xab: {  	_ =	task [dreg:s7], $0x5FFFF  }
0xac: {  	[dreg:$0x1] =	wrdreg $0xFFFFFFFF  }
0xad: {  	[dreg:$0x0] =	wrdreg $0x60  }
0xae: {  	[dreg:$0x2] =	wrdreg s24  }
0xaf: {  	[dreg:$0x3] =	wrdreg s2  }
0xb0: {  	[dreg:$0x4] =	wrdreg $0x9  }
0xb1: {  	_ =	task.clear_ibuf [dreg:s7], $0x5FFFF;
	_ =	strace $0x90000049  }
0xb2: {  	s29 =	simm.s32 $0x9;
	_ =	strace $0x8000004B  }
0xb3: {  	_ =	swait.ge [sflag:s29], $0x1  }
0xb4: {  	[sflag:s29] =	ssyncadd.s32 $0xFFFFFFFF  }
0xb5: {  	_ =	strace $0x9000004B  }
0xb6: {  	_ =	sfence  }
0xb7: {  	s30 =	sld [smem:$0x0];
	_ =	sdelay $0x2  }
0xb8: {  	s31 =	sshll.u32 s1, $0xD;
	s1 =	sshrl.u32 s1, $0x2  }
0xb9: {  	s3 =	sand.u32 $0x4000, s31;
	s1 =	sadd.s32 s1, s30  }
0xba: {  	s0 =	sor.u32 s3, s0;
	s1 =	sshll.u32 s1, $0x11  }
0xbb: {  	s0 =	sor.u32 s1, s0  }
0xbc: {  	s0 =	sadd.s32 $0x8F2B, s0  }
0xbd: {  	[sflag:s0] =	ssyncadd.remote.s32 $0x1  }
0xbe: {  	_ =	sfence.sel $0xFFFF  }
0xbf: {  	[dreg:$0x0] =	wrdreg $0xFFFFFFFF;
	(pc) =	sbr.abs _section_cstart, $3  }
0xc0: {  	[dreg:$0x1] =	wrdreg $0xFFFFFFFF  }
0xc1: {  	_ =	task.clear_ibuf [dreg:s7], $0x2FFFF;
	_ =	strace $0x9FFFFFFF  }
0xc2: {  	(tm) =	ssettm $0x7FFFFFFF  }
0xc3: {  	_ =	shalt  }
tec
execute0_lowered:
.L_overlay_start_1:
0x0: {  	(tag) =	ssettag $0x1  }
0x1: {  	v5 =	vimm.f32 $-7.304687500e-01;
	vm15 =	vcmask $0x300;
	vm14 =	vcmask $0x704  }
0x2: {  	vm13 =	vcmask $0xB08;
	vm12 =	vcmask $0xF0C;
	vm11 =	vcmask $0x1310  }
0x3: {  	vm10 =	vcmask $0x1714;
	vm9 =	vcmask $0x1B18;
	vm8 =	vcmask $0x1F1C  }
0x4: {  	vm7 =	vcmask $0x2320;
	vm6 =	vcmask $0x2724;
	vm5 =	vcmask $0x2B28  }
0x5: {  	vm4 =	vcmask $0x2F2C;
	vm3 =	vcmask $0x3330;
	vm2 =	vcmask $0x3734  }
0x6: {  	vm1 =	vcmask $0x3B38;
	vm0 =	vmmov $0xffff;
	v8 =	vimm.f32 $-4.414062500e-01  }
0x7: {  	v9 =	vimm.f32 $-1.533203130e-01;
	v10 =	vimm.f32 $1.347656250e-01;
	v11 =	vimm.f32 $4.238281250e-01  }
0x8: {  	v12 =	vimm.f32 $7.109375000e-01;
	v13 =	vimm.f32 $1.000000000e+00;
	v5 =	vsel vm15, $0xBF800000, v5  }
0x9: {  	v8 =	vsel vm15, $0xBF360000, v8;
	v9 =	vsel vm15, $0xBED90000, v9;
	v10 =	vsel vm15, $0xBE0A0000, v10  }
0xa: {  	v11 =	vsel vm15, $0x3E1D0000, v11;
	v12 =	vsel vm15, $0x3EE20000, v12;
	v13 =	vsel vm15, $0x3F3B0000, v13  }
0xb: {  	v5 =	vsel vm14, $0xBF7B0000, v5;
	v8 =	vsel vm14, $0xBF320000, v8;
	v9 =	vsel vm14, $0xBED00000, v9  }
0xc: {  	v10 =	vsel vm14, $0xBDF00000, v10;
	v11 =	vsel vm14, $0x3E2F0000, v11;
	v12 =	vsel vm14, $0x3EEB0000, v12  }
0xd: {  	s0 =	srdreg.scid;
	s3 =	stileid.u32;
	v13 =	vsel vm14, $0x3F3F0000, v13;
	v8 =	vsel vm13, $0xBF2D0000, v8;
	v9 =	vsel vm13, $0xBEC60000, v9  }
0xe: {  	s2 =	sand.u32 $0x1, s0;
	s21 =	sshll.u32 s3, $0x1;
	v10 =	vsel vm13, $0xBDCB0000, v10;
	v11 =	vsel vm13, $0x3E420000, v11;
	v12 =	vsel vm13, $0x3EF40000, v12  }
0xf: {  	s0 =	sor.u32 s2, s21;
	v13 =	vsel vm13, $0x3F440000, v13;
	v8 =	vsel vm12, $0xBF280000, v8;
	v9 =	vsel vm12, $0xBEBD0000, v9  }
0x10: {  	s1 =	sand.u32 $0x3, s0;
	v10 =	vsel vm12, $0xBDA60000, v10;
	v11 =	vsel vm12, $0x3E540000, v11;
	v12 =	vsel vm12, $0x3EFE0000, v12  }
0x11: {  	s1 =	smul.u32 $0x1C, s1;
	v13 =	vsel vm12, $0x3F490000, v13;
	v8 =	vsel vm11, $0xBF240000, v8;
	v9 =	vsel vm11, $0xBEB40000, v9  }
0x12: {  	v10 =	vsel vm11, $0xBD810000, v10;
	v11 =	vsel vm11, $0x3E670000, v11;
	v12 =	vsel vm11, $0x3F030000, v12  }
0x13: {  	v13 =	vsel vm11, $0x3F4D0000, v13;
	v0 =	vmov s1;
	v8 =	vsel vm10, $0xBF1F0000, v8  }
0x14: {  	v9 =	vsel vm10, $0xBEAB0000, v9;
	v10 =	vsel vm10, $0xBD390000, v10;
	v11 =	vsel vm10, $0x3E790000, v11  }
0x15: {  	s22 =	sor.u32 $0x1, s1;
	v12 =	vsel vm10, $0x3F080000, v12;
	v13 =	vsel vm10, $0x3F520000, v13;
	v0 =	vcvt.s32.f32 v0  }
0x16: {  	v6 =	vmov s22;
	v8 =	vsel vm9, $0xBF1B0000, v8;
	v9 =	vsel vm9, $0xBEA10000, v9  }
0x17: {  	v10 =	vsel vm9, $0xBCDD0000, v10;
	v11 =	vsel vm9, $0x3E860000, v11;
	v12 =	vsel vm9, $0x3F0D0000, v12  }
0x18: {  	v13 =	vsel vm9, $0x3F560000, v13;
	v6 =	vcvt.s32.f32 v6;
	v8 =	vsel vm8, $0xBF160000, v8  }
0x19: {  	v9 =	vsel vm8, $0xBE980000, v9;
	v10 =	vsel vm8, $0xBC140000, v10;
	v11 =	vsel vm8, $0x3E8F0000, v11  }
0x1a: {  	v12 =	vsel vm8, $0x3F110000, v12;
	v13 =	vsel vm8, $0x3F5B0000, v13;
	v0 =	vmul.f32 $1.801801850e-02, v0  }
0x1b: {  	v8 =	vsel vm7, $0xBF110000, v8;
	v9 =	vsel vm7, $0xBE8F0000, v9;
	v10 =	vsel vm7, $0x3C140000, v10  }
0x1c: {  	v11 =	vsel vm7, $0x3E980000, v11;
	v12 =	vsel vm7, $0x3F160000, v12;
	v13 =	vsel vm7, $0x3F600000, v13  }
0x1d: {  	v8 =	vsel vm6, $0xBF0D0000, v8;
	v9 =	vsel vm6, $0xBE860000, v9;
	v10 =	vsel vm6, $0x3CDD0000, v10  }
0x1e: {  	s3 =	sshrl.u32 s3, $0x1;
	v11 =	vsel vm6, $0x3EA10000, v11;
	v12 =	vsel vm6, $0x3F1B0000, v12;
	v13 =	vsel vm6, $0x3F640000, v13  }
0x1f: {  	v1 =	vadd.f32 $-1.000000000e+00, v0;
	v0 =	vmov s3;
	v8 =	vsel vm5, $0xBF080000, v8  }
0x20: {  	v9 =	vsel vm5, $0xBE790000, v9;
	v10 =	vsel vm5, $0x3D390000, v10;
	v11 =	vsel vm5, $0x3EAB0000, v11  }
0x21: {  	v12 =	vsel vm5, $0x3F1F0000, v12;
	v13 =	vsel vm5, $0x3F690000, v13;
	v8 =	vsel vm4, $0xBF030000, v8  }
0x22: {  	v9 =	vsel vm4, $0xBE670000, v9;
	v10 =	vsel vm4, $0x3D810000, v10;
	v11 =	vsel vm4, $0x3EB40000, v11  }
0x23: {  	v12 =	vsel vm4, $0x3F240000, v12;
	v13 =	vsel vm4, $0x3F6E0000, v13;
	v3 =	vbroadcast v1, $0x0  }
0x24: {  	v1 =	vshll.u32 v0, $0x1;
	v8 =	vsel vm3, $0xBEFE0000, v8;
	v9 =	vsel vm3, $0xBE540000, v9  }
0x25: {  	s23 =	rddreg [dreg:$0x0];
	v10 =	vsel vm3, $0x3DA60000, v10;
	v11 =	vsel vm3, $0x3EBD0000, v11;
	v12 =	vsel vm3, $0x3F280000, v12  }
0x26: {  	s5 =	sadd.s32 $0x621400, s23;
	s6 =	sadd.s32 $0x621200, s23;
	v13 =	vsel vm3, $0x3F720000, v13;
	v2 =	vor.u32 $0x1, v1;
	v4 =	vshrl.u32 v3, $0x10  }
0x27: {  	s7 =	sadd.s32 $0x621C00, s23;
	s8 =	sadd.s32 $0x622400, s23;
	v8 =	vsel vm2, $0xBEF40000, v8;
	v9 =	vsel vm2, $0xBE420000, v9;
	v4 =	vand.u32 $0x1, v4  }
0x28: {  	s9 =	sadd.s32 $0x622C00, s23;
	s10 =	sadd.s32 $0x623400, s23;
	v10 =	vsel vm2, $0x3DCB0000, v10;
	v3 =	vadd.s32 v4, v3;
	v4 =	vsel vm13, $0xBF770000, v5  }
0x29: {  	s29 =	simm.s32 $0x17A00;
	s11 =	sadd.s32 $0x623C00, s23;
	v11 =	vsel vm2, $0x3EC60000, v11;
	v12 =	vsel vm2, $0x3F2D0000, v12;
	v4 =	vsel vm12, $0xBF720000, v4  }
0x2a: {  	s4 =	simm.s32 $0x0;
	s12 =	sadd.s32 $0x624400, s23;
	v14 =	vsel vm2, $0x3F770000, v13;
	v5 =	vmul.f32 $1.801801850e-02, v6;
	v4 =	vsel vm11, $0xBF6E0000, v4  }
0x2b: {  	s28 =	simm.s32 $0x5400;
	s13 =	sadd.s32 $0x624C00, s23;
	s14 =	sadd.s32 $0x625400, s23;
	v13 =	vlaneseq.u32;
	v8 =	vsel vm1, $0xBEEB0000, v8;
	v4 =	vsel vm10, $0xBF690000, v4  }
0x2c: {  	[smem:$0x7FF] =	sst s4;
	s15 =	sadd.s32 $0x621000, s23;
	s16 =	sadd.s32 $0x625C00, s23;
	v9 =	vsel vm1, $0xBE2F0000, v9;
	v5 =	vadd.f32 $-1.000000000e+00, v5;
	v4 =	vsel vm9, $0xBF640000, v4  }
0x2d: {  	s30 =	rddreg [dreg:$0x1];
	s17 =	sadd.s32 $0x626400, s23;
	s23 =	simm.s32 $0x15000;
	v10 =	vsel vm1, $0x3DF00000, v10;
	v11 =	vsel vm1, $0x3ED00000, v11;
	v6 =	vsel vm8, $0xBF600000, v4  }
0x2e: {  	_ =	strace $0x8000004A;
	[dreg:$0x3] =	wrdreg s6;
	s2 =	ssub.s32 $0x2, s2;
	v12 =	vsel vm1, $0x3F320000, v12;
	v5 =	vbroadcast v5, $0x0;
	v6 =	vsel vm7, $0xBF5B0000, v6  }
0x2f: {  	[dreg:$0x4] =	wrdreg s15;
	s21 =	simm.s32 $0x1;
	s24 =	sshrl.u32 s2, $0x1;
	v14 =	vsel vm1, $0x3F7B0000, v14;
	v15 =	vmul.u32 $0x8, v13;
	v6 =	vsel vm6, $0xBF560000, v6  }
.Ltmp0:
0x30: {  	s15 =	simm.s32 $0x0;
	s2 =	ssub.s32 s2, s24;
	v3 =	vadd.s32 $0x7FFF, v3;
	v7 =	vshrl.u32 v5, $0x10;
	v6 =	vsel vm5, $0xBF520000, v6;
	(pc) =	sbr.rel .LBB2_1-.Ltmp0, $4  }
0x31: {  	s18 =	smul.u32 $0x1C, s0;
	s0 =	simm.s32 $0x80;
	s31 =	smax.u32 s2, $0x1;
	v3 =	vand.u32 $0xFFFF0000, v3;
	v7 =	vand.u32 $0x1, v7;
	v6 =	vsel vm4, $0xBF4D0000, v6  }
0x32: {  	s24 =	simm.s32 $0xFC00;
	s25 =	sor.u32 $0x2, s1;
	[dreg:$0x7] =	wrdreg s31;
	v4 =	vmul.u32 $0xE0, v0;
	v5 =	vadd.s32 v7, v5;
	v6 =	vsel vm3, $0xBF490000, v6  }
0x33: {  	s2 =	simm.s32 $0xA800;
	s26 =	sor.u32 $0x3, s1;
	[dreg:$0x5] =	wrdreg s25;
	v7 =	vimm.s32 $0x0;
	v5 =	vadd.s32 $0x7FFF, v5;
	v6 =	vsel vm2, $0xBF440000, v6  }
0x34: {  	[dreg:$0x6] =	wrdreg s26;
	s25 =	simm.s32 $0x400;
	s26 =	simm.s32 $0x2;
	v5 =	vand.u32 $0xFFFF0000, v5;
	v6 =	vsel vm1, $0xBF3F0000, v6;
	vm1 =	vmmov $0xff  }
.LBB2_14:
0x35: {  	s3 =	simm.s32 $0x3  }
0x36: {  	_ =	swait.ge [sflag:s3], $0x2A00  }
0x37: {  	[sflag:s3] =	ssyncset.done $0x0  }
0x38: {  	s6 =	simm.s32 $0x4;
	[sflag:s3] =	ssyncadd.s32 $0xFFFFD600  }
0x39: {  	_ =	swait.ge [sflag:s6], $0x2A00  }
0x3a: {  	s15 =	rddreg [dreg:$0x8]  }
0x3b: {  	s31 =	rddreg [dreg:$0x7];
	s15 =	sadd.s32 $0x1, s15  }
0x3c: {  	p0 =	sne.s32 s15, s31  }
.Ltmp1:
0x3d: {  	_ = 	snop;
	(pc) =	sbr.rel @!p0 .LBB2_15-.Ltmp1, $3  }
0x3e: {  	_ =	sdelay $0x1  }
0x3f: {  	[sflag:s6] =	ssyncset.done $0x0  }
0x40: {  	[sflag:s6] =	ssyncadd.s32 $0xFFFFD600  }
.LBB2_1:
0x41: {  	[dreg:$0x8] =	wrdreg s15  }
0x42: {  	s3 =	rddreg [dreg:$0x3];
	s6 =	simm.s32 $0x1A700;
	s20 =	simm.s32 $0x5  }
0x43: {  	[tilespmem:s6], [sflag:$0x5] =	stream.linear.gather [hbm4b:s3+s4], $0x80, $0x38;
	[tilespmem:$0x1A800] =	vst v63  }
0x44: {  	_ =	swait.ge [sflag:s20], $0x80  }
0x45: {  	[sflag:s20] =	ssyncset.done $0x0  }
0x46: {  	s19 =	simm.s32 $0x1A780;
	s22 =	rddreg [dreg:$0x4];
	[sflag:s20] =	ssyncadd.s32 $0xFFFFFF80  }
0x47: {  	[tilespmem:s19], [sflag:$0x5] =	stream.linear.gather [hbm4b:s22+s4], $0x80, $0x38;
	[tilespmem:$0x1A800] =	vst v63  }
0x48: {  	_ =	swait.ge [sflag:s20], $0x80  }
0x49: {  	[sflag:s20] =	ssyncset.done $0x0  }
0x4a: {  	[sflag:s20] =	ssyncadd.s32 $0xFFFFFF80  }
0x4b: {  	v16 =	vld.idx.msk [tilespmem:v0+s6+$0x0], $0xffff;
	_ =	sdelay $0x1  }
0x4c: {  	v17 =	vld.idx.msk [tilespmem:v1+s19+$0x0], $0xffff;
	_ =	sdelay $0x2  }
0x4d: {  	v18 =	vshrl.u32 v16, $0x10  }
0x4e: {  	v18 =	vand.u32 $0x1, v18  }
0x4f: {  	v16 =	vadd.s32 v18, v16;
	v18 =	vshrl.u32 v17, $0x10  }
0x50: {  	v16 =	vadd.s32 $0x7FFF, v16;
	v18 =	vand.u32 $0x1, v18  }
0x51: {  	v16 =	vand.u32 $0xFFFF0000, v16;
	v17 =	vadd.s32 v18, v17  }
0x52: {  	v17 =	vadd.s32 $0x7FFF, v17;
	v18 =	vmul.f32 v6, v16  }
0x53: {  	v29 =	vmul.f32 v11, v16;
	v19 =	vand.u32 $0xFFFF0000, v17  }
0x54: {  	v17 =	vadd.f32 v19, v18  }
0x55: {  	v18 =	vld.idx.msk [tilespmem:v2+s19+$0x0], $0xffff;
	v29 =	vadd.f32 v19, v29  }
0x56: {  	v17 =	vadd.f32 $1.000000000e+00, v17  }
0x57: {  	v20 =	vmul.f32 v8, v16;
	v24 =	vmul.f32 v9, v16;
	v29 =	vadd.f32 $1.000000000e+00, v29  }
0x58: {  	v55 =	vmul.f32 v10, v16;
	v17 =	vmul.f32 $5.000000000e-01, v17  }
0x59: {  	v33 =	vmul.f32 v16, v3;
	v29 =	vmul.f32 $5.000000000e-01, v29  }
0x5a: {  	v22 =	vshrl.u32 v18, $0x10;
	v21 =	vmul.f32 $2.240000000e+02, v17;
	v17 =	vadd.f32 v19, v20  }
0x5b: {  	v37 =	vmul.f32 v12, v16;
	v63 =	vmul.f32 v14, v16;
	v22 =	vand.u32 $0x1, v22  }
0x5c: {  	v29 =	vmul.f32 $2.240000000e+02, v29;
	v49 =	vtrunc.f32 v21;
	v17 =	vadd.f32 $1.000000000e+00, v17  }
0x5d: {  	v59 =	vadd.f32 v19, v37;
	v18 =	vadd.s32 v22, v18;
	v20 =	vcvt.f32.s32 v49  }
0x5e: {  	v18 =	vadd.s32 $0x7FFF, v18;
	v35 =	vtrunc.f32 v29;
	v17 =	vmul.f32 $5.000000000e-01, v17  }
0x5f: {  	v35 =	vcvt.f32.s32 v35;
	v23 =	vadd.s32 $0x1, v20;
	vm2 =	vgt.s32 v20, $0x0  }
0x60: {  	vm3 =	vgt.s32 v23, $0x0;
	v51 =	vmul.f32 $2.240000000e+02, v17;
	v17 =	vadd.f32 v19, v24  }
0x61: {  	v62 =	vadd.s32 $0x1, v35;
	v20 =	vnsel vm2, $0x0, v20;
	v50 =	vnsel vm3, $0x0, v23  }
0x62: {  	v22 =	vmin.u32 v50, $0xDF;
	v25 =	vtrunc.f32 v51;
	v26 =	vadd.f32 $1.000000000e+00, v17  }
0x63: {  	v17 =	vand.u32 $0xFFFF0000, v18;
	v18 =	vmin.u32 v20, $0xDF;
	v52 =	vcvt.s32.f32 v22  }
0x64: {  	v53 =	vcvt.f32.s32 v25;
	v27 =	vcvt.s32.f32 v18;
	v33 =	vadd.f32 v17, v33  }
0x65: {  	[tilespmem:$0x1A580] =	vst v22;
	v22 =	vadd.f32 $1.000000000e+00, v59;
	v54 =	vmul.f32 $5.000000000e-01, v26;
	v26 =	vadd.f32 v19, v55  }
0x66: {  	v19 =	vadd.f32 v19, v63;
	v24 =	vsub.f32 v52, v21;
	vm2 =	vgt.s32 v53, $0x0  }
0x67: {  	v28 =	vadd.s32 $0x1, v53;
	v21 =	vsub.f32 v21, v27;
	v33 =	vadd.f32 $1.000000000e+00, v33  }
0x68: {  	v22 =	vmul.f32 $5.000000000e-01, v22;
	vm3 =	vgt.s32 v28, $0x0;
	v25 =	vmul.f32 $2.240000000e+02, v54  }
0x69: {  	v20 =	vnsel vm2, $0x0, v53;
	v26 =	vadd.f32 $1.000000000e+00, v26;
	v19 =	vadd.f32 $1.000000000e+00, v19  }
0x6a: {  	v28 =	vnsel vm3, $0x0, v28;
	v33 =	vmul.f32 $5.000000000e-01, v33;
	v22 =	vmul.f32 $2.240000000e+02, v22  }
0x6b: {  	v20 =	vmin.u32 v20, $0xDF;
	v30 =	vtrunc.f32 v25;
	v26 =	vmul.f32 $5.000000000e-01, v26  }
0x6c: {  	v28 =	vmin.u32 v28, $0xDF;
	v32 =	vcvt.s32.f32 v20;
	v19 =	vmul.f32 $5.000000000e-01, v19  }
0x6d: {  	vm3 =	vgt.s32 v35, $0x0;
	v31 =	vcvt.s32.f32 v28;
	v30 =	vcvt.f32.s32 v30  }
0x6e: {  	v61 =	vnsel vm3, $0x0, v35;
	v42 =	vtrunc.f32 v22;
	v26 =	vmul.f32 $2.240000000e+02, v26  }
0x6f: {  	v33 =	vmul.f32 $2.240000000e+02, v33;
	v23 =	vsub.f32 v51, v32;
	v43 =	vcvt.f32.s32 v42  }
0x70: {  	v56 =	vsub.f32 v31, v51;
	v57 =	vadd.s32 $0x1, v30;
	v58 =	vtrunc.f32 v26  }
0x71: {  	[tilespmem:$0x1A500] =	vst v18;
	v33 =	vtrunc.f32 v33;
	vm2 =	vgt.s32 v57, $0x0;
	v32 =	vcvt.f32.s32 v58  }
0x72: {  	[tilespmem:$0x1A600] =	vst v24;
	v33 =	vcvt.f32.s32 v33;
	v31 =	vnsel vm2, $0x0, v57;
	vm2 =	vgt.s32 v30, $0x0  }
0x73: {  	[tilespmem:$0x1A680] =	vst v21;
	v30 =	vnsel vm2, $0x0, v30;
	vm2 =	vgt.s32 v32, $0x0;
	v36 =	vadd.s32 $0x1, v32  }
0x74: {  	[tilespmem:$0x1A510] =	vst v20;
	v31 =	vmin.u32 v31, $0xDF;
	v32 =	vnsel vm2, $0x0, v32;
	vm2 =	vgt.s32 v36, $0x0  }
0x75: {  	[tilespmem:$0x1A590] =	vst v28;
	v37 =	vadd.s32 $0x1, v33;
	v60 =	vnsel vm2, $0x0, v36;
	vm2 =	vgt.s32 v62, $0x0  }
0x76: {  	[tilespmem:$0x1A690] =	vst v23;
	v34 =	vcvt.s32.f32 v31;
	v21 =	vnsel vm2, $0x0, v62;
	vm2 =	vgt.s32 v33, $0x0  }
0x77: {  	[tilespmem:$0x1A610] =	vst v56;
	v30 =	vmin.u32 v30, $0xDF;
	v39 =	vnsel vm2, $0x0, v33;
	vm2 =	vgt.s32 v37, $0x0  }
0x78: {  	[tilespmem:$0x1A5A0] =	vst v31;
	v18 =	vcvt.s32.f32 v30;
	v34 =	vsub.f32 v34, v25;
	v20 =	vnsel vm2, $0x0, v37  }
0x79: {  	[tilespmem:$0x1A520] =	vst v30;
	v36 =	vmin.u32 v32, $0xDF;
	v24 =	vmin.u32 v39, $0xDF;
	v20 =	vmin.u32 v20, $0xDF  }
0x7a: {  	v19 =	vmul.f32 $2.240000000e+02, v19;
	v46 =	vadd.s32 $0x1, v43;
	[tilespmem:$0x1A530] =	vst v36;
	v20 =	vsel vm1, v24, v20  }
0x7b: {  	v18 =	vsub.f32 v25, v18;
	v38 =	vmin.u32 v60, $0xDF;
	[tilespmem:$0x1A620] =	vst v34;
	v20 =	vadd.s32 v4, v20  }
0x7c: {  	v50 =	vtrunc.f32 v19;
	v25 =	vmin.u32 v61, $0xDF;
	v40 =	vcvt.s32.f32 v38;
	[tilespmem:$0x1A400] =	vst v20  }
0x7d: {  	v41 =	vcvt.s32.f32 v36;
	v48 =	vcvt.s32.f32 v25;
	[tilespmem:$0x1A6A0] =	vst v18;
	v18 =	vmin.u32 v21, $0xDF;
	v47 =	vld.msk [tilespmem:$0x1A400], $0x1  }
0x7e: {  	[tilespmem:$0x1A5B0] =	vst v38;
	vm2 =	vgt.s32 v46, $0x0;
	v44 =	vsub.f32 v40, v26;
	v45 =	vcvt.s32.f32 v18  }
0x7f: {  	[tilespmem:$0x1A540] =	vst v25;
	v26 =	vsub.f32 v26, v41;
	v49 =	vnsel vm2, $0x0, v46;
	vm2 =	vgt.s32 v43, $0x0  }
0x80: {  	[tilespmem:$0x1A5C0] =	vst v18;
	v18 =	vsub.f32 v29, v48;
	v21 =	vnsel vm2, $0x0, v43;
	v24 =	vmin.u32 v49, $0xDF  }
0x81: {  	[tilespmem:$0x1A6B0] =	vst v26;
	v21 =	vmin.u32 v21, $0xDF;
	v51 =	vcvt.s32.f32 v24;
	v26 =	vcvt.f32.s32 v50  }
0x82: {  	[tilespmem:$0x1A630] =	vst v44;
	v20 =	vsub.f32 v45, v29;
	v52 =	vcvt.s32.f32 v21;
	v53 =	vshrl.u32 v47, $0x3  }
0x83: {  	[tilespmem:$0x1A6C0] =	vst v18;
	v54 =	vsub.f32 v51, v22;
	v55 =	vadd.s32 $0x1, v26;
	v27 =	vmul.u32 $0x540, v53  }
0x84: {  	[tilespmem:$0x1A5D0] =	vst v24;
	v18 =	vsub.f32 v22, v52;
	vm2 =	vgt.s32 v55, $0x0;
	v56 =	vand.u32 $0x7, v47  }
0x85: {  	[tilespmem:$0x1A550] =	vst v21;
	v58 =	vnsel vm2, $0x0, v55;
	vm2 =	vgt.s32 v26, $0x0;
	v57 =	vor.u32 v56, v27  }
0x86: {  	[tilespmem:$0x1A640] =	vst v20;
	v59 =	vnsel vm2, $0x0, v26;
	v22 =	vmin.u32 v58, $0xDF;
	v21 =	vperm.xlane v57, v7  }
0x87: {  	[tilespmem:$0x1A650] =	vst v54;
	v60 =	vmin.u32 v59, $0xDF;
	v61 =	vcvt.s32.f32 v22  }
0x88: {  	[tilespmem:$0x1A6D0] =	vst v18;
	v18 =	vcvt.s32.f32 v60;
	v21 =	vadd.s32 v15, v21  }
0x89: {  	[tilespmem:$0x1A5E0] =	vst v22;
	v62 =	vsub.f32 v61, v19  }
0x8a: {  	[tilespmem:$0x1A560] =	vst v60;
	v18 =	vsub.f32 v19, v18  }
0x8b: {  	[tilespmem:$0x1A660] =	vst v62  }
0x8c: {  	[tilespmem:$0x1A6E0] =	vst v18  }
0x8d: {  	[tilespmem:s4], [sflag:$0x1] =	stream.indirect_vreg.gather [hbm4b:s5+s4], $0x80, v21, vm0, $0xb8;
	[tilespmem:$0x1A800] =	vst v63  }
0x8e: {  	s6 =	simm.s32 $0x800  }
0x8f: {  	[tilespmem:s6], [sflag:$0x1] =	stream.indirect_vreg.gather [hbm4b:s7+s4], $0x80, v21, vm0, $0xb8;
	[tilespmem:$0x1A800] =	vst v63  }
0x90: {  	s15 =	simm.s32 $0x1000  }
0x91: {  	[tilespmem:s15], [sflag:$0x1] =	stream.indirect_vreg.gather [hbm4b:s8+s4], $0x80, v21, vm0, $0xb8;
	[tilespmem:$0x1A800] =	vst v63  }
0x92: {  	s19 =	simm.s32 $0x1800  }
0x93: {  	[tilespmem:s19], [sflag:$0x1] =	stream.indirect_vreg.gather [hbm4b:s9+s4], $0x80, v21, vm0, $0xb8;
	[tilespmem:$0x1A800] =	vst v63  }
0x94: {  	s20 =	simm.s32 $0x2000  }
0x95: {  	[tilespmem:s20], [sflag:$0x1] =	stream.indirect_vreg.gather [hbm4b:s10+s4], $0x80, v21, vm0, $0xb8;
	[tilespmem:$0x1A800] =	vst v63  }
0x96: {  	s22 =	simm.s32 $0x2800  }
0x97: {  	[tilespmem:s22], [sflag:$0x1] =	stream.indirect_vreg.gather [hbm4b:s11+s4], $0x80, v21, vm0, $0xb8;
	[tilespmem:$0x1A800] =	vst v63  }
0x98: {  	s6 =	simm.s32 $0x3000  }
0x99: {  	[tilespmem:s6], [sflag:$0x1] =	stream.indirect_vreg.gather [hbm4b:s12+s4], $0x80, v21, vm0, $0xb8;
	[tilespmem:$0x1A800] =	vst v63  }
0x9a: {  	s15 =	simm.s32 $0x3800  }
0x9b: {  	[tilespmem:s15], [sflag:$0x1] =	stream.indirect_vreg.gather [hbm4b:s13+s4], $0x80, v21, vm0, $0xb8;
	[tilespmem:$0x1A800] =	vst v63  }
0x9c: {  	s19 =	simm.s32 $0x4000  }
0x9d: {  	[tilespmem:s19], [sflag:$0x1] =	stream.indirect_vreg.gather [hbm4b:s14+s4], $0x80, v21, vm0, $0xb8;
	[tilespmem:$0x1A800] =	vst v63  }
0x9e: {  	s20 =	simm.s32 $0x4800  }
0x9f: {  	[tilespmem:s20], [sflag:$0x1] =	stream.indirect_vreg.gather [hbm4b:s16+s4], $0x80, v21, vm0, $0xb8;
	[tilespmem:$0x1A800] =	vst v63  }
0xa0: {  	s22 =	simm.s32 $0x5000  }
0xa1: {  	[tilespmem:s22], [sflag:$0x1] =	stream.indirect_vreg.gather [hbm4b:s17+s4], $0x80, v21, vm1, $0xb8;
	[tilespmem:$0x1A800] =	vst v63  }
0xa2: {  	v18 =	vld.msk [tilespmem:$0x1A408], $0x1;
	_ =	sdelay $0x4  }
0xa3: {  	v19 =	vshrl.u32 v18, $0x3  }
0xa4: {  	v19 =	vmul.u32 $0x540, v19  }
0xa5: {  	v18 =	vand.u32 $0x7, v18  }
0xa6: {  	v18 =	vor.u32 v18, v19  }
0xa7: {  	v18 =	vperm.xlane v18, v7;
	_ =	sdelay $0x1  }
0xa8: {  	v18 =	vadd.s32 v15, v18;
	_ =	sdelay $0x4  }
0xa9: {  	[tilespmem:s28], [sflag:$0x1] =	stream.indirect_vreg.gather [hbm4b:s5+s4], $0x80, v18, vm0, $0xb8;
	[tilespmem:$0x1A800] =	vst v63  }
0xaa: {  	s6 =	simm.s32 $0x5C00  }
0xab: {  	v19 =	vmul.f32 v16, v5;
	[tilespmem:s6], [sflag:$0x1] =	stream.indirect_vreg.gather [hbm4b:s7+s4], $0x80, v18, vm0, $0xb8;
	[tilespmem:$0x1A800] =	vst v63  }
0xac: {  	s15 =	simm.s32 $0x6400  }
0xad: {  	v19 =	vadd.f32 v17, v19;
	[tilespmem:s15], [sflag:$0x1] =	stream.indirect_vreg.gather [hbm4b:s8+s4], $0x80, v18, vm0, $0xb8;
	[tilespmem:$0x1A800] =	vst v63  }
0xae: {  	s19 =	simm.s32 $0x6C00  }
0xaf: {  	v19 =	vadd.f32 $1.000000000e+00, v19;
	[tilespmem:s19], [sflag:$0x1] =	stream.indirect_vreg.gather [hbm4b:s9+s4], $0x80, v18, vm0, $0xb8;
	[tilespmem:$0x1A800] =	vst v63  }
0xb0: {  	s20 =	simm.s32 $0x7400  }
0xb1: {  	v19 =	vmul.f32 $5.000000000e-01, v19;
	[tilespmem:s20], [sflag:$0x1] =	stream.indirect_vreg.gather [hbm4b:s10+s4], $0x80, v18, vm0, $0xb8;
	[tilespmem:$0x1A800] =	vst v63  }
0xb2: {  	s22 =	simm.s32 $0x7C00  }
0xb3: {  	v19 =	vmul.f32 $2.240000000e+02, v19;
	[tilespmem:s22], [sflag:$0x1] =	stream.indirect_vreg.gather [hbm4b:s11+s4], $0x80, v18, vm0, $0xb8;
	[tilespmem:$0x1A800] =	vst v63  }
0xb4: {  	s6 =	simm.s32 $0x8400  }
0xb5: {  	v19 =	vtrunc.f32 v19;
	[tilespmem:s6], [sflag:$0x1] =	stream.indirect_vreg.gather [hbm4b:s12+s4], $0x80, v18, vm0, $0xb8;
	[tilespmem:$0x1A800] =	vst v63  }
0xb6: {  	v19 =	vcvt.f32.s32 v19;
	s15 =	simm.s32 $0x8C00  }
0xb7: {  	[tilespmem:s15], [sflag:$0x1] =	stream.indirect_vreg.gather [hbm4b:s13+s4], $0x80, v18, vm0, $0xb8;
	[tilespmem:$0x1A800] =	vst v63  }
0xb8: {  	v63 =	vadd.s32 $0x1, v19;
	s19 =	simm.s32 $0x9400  }
0xb9: {  	vm2 =	vgt.s32 v19, $0x0;
	vm3 =	vgt.s32 v63, $0x0;
	[tilespmem:s19], [sflag:$0x1] =	stream.indirect_vreg.gather [hbm4b:s14+s4], $0x80, v18, vm0, $0xb8;
	[tilespmem:$0x1A800] =	vst v63  }
0xba: {  	v19 =	vnsel vm2, $0x0, v19;
	v20 =	vnsel vm3, $0x0, v63;
	s20 =	simm.s32 $0x9C00  }
0xbb: {  	v19 =	vmin.u32 v19, $0xDF;
	v20 =	vmin.u32 v20, $0xDF;
	[tilespmem:s20], [sflag:$0x1] =	stream.indirect_vreg.gather [hbm4b:s16+s4], $0x80, v18, vm0, $0xb8;
	[tilespmem:$0x1A800] =	vst v63  }
0xbc: {  	v19 =	vsel vm1, v19, v20;
	s22 =	simm.s32 $0xA400  }
0xbd: {  	[tilespmem:s22], [sflag:$0x1] =	stream.indirect_vreg.gather [hbm4b:s17+s4], $0x80, v18, vm1, $0xb8;
	v18 =	vadd.s32 v4, v19;
	[tilespmem:$0x1A800] =	vst v63  }
0xbe: {  	[tilespmem:$0x1A480] =	vst v18  }
0xbf: {  	v18 =	vld.msk [tilespmem:$0x1A480], $0x1;
	_ =	sdelay $0x4  }
0xc0: {  	v19 =	vshrl.u32 v18, $0x3  }
0xc1: {  	v19 =	vmul.u32 $0x540, v19  }
0xc2: {  	v18 =	vand.u32 $0x7, v18  }
0xc3: {  	v18 =	vor.u32 v18, v19  }
0xc4: {  	v18 =	vperm.xlane v18, v7;
	_ =	sdelay $0x1  }
0xc5: {  	v18 =	vadd.s32 v15, v18;
	_ =	sdelay $0x4  }
0xc6: {  	[tilespmem:s2], [sflag:$0x2] =	stream.indirect_vreg.gather [hbm4b:s5+s4], $0x80, v18, vm0, $0xb8;
	[tilespmem:$0x1A800] =	vst v63  }
0xc7: {  	s6 =	simm.s32 $0xB000  }
0xc8: {  	[tilespmem:s6], [sflag:$0x2] =	stream.indirect_vreg.gather [hbm4b:s7+s4], $0x80, v18, vm0, $0xb8;
	[tilespmem:$0x1A800] =	vst v63  }
0xc9: {  	s15 =	simm.s32 $0xB800  }
0xca: {  	[tilespmem:s15], [sflag:$0x2] =	stream.indirect_vreg.gather [hbm4b:s8+s4], $0x80, v18, vm0, $0xb8;
	[tilespmem:$0x1A800] =	vst v63  }
0xcb: {  	s19 =	simm.s32 $0xC000  }
0xcc: {  	[tilespmem:s19], [sflag:$0x2] =	stream.indirect_vreg.gather [hbm4b:s9+s4], $0x80, v18, vm0, $0xb8;
	[tilespmem:$0x1A800] =	vst v63  }
0xcd: {  	s20 =	simm.s32 $0xC800  }
0xce: {  	[tilespmem:s20], [sflag:$0x2] =	stream.indirect_vreg.gather [hbm4b:s10+s4], $0x80, v18, vm0, $0xb8;
	[tilespmem:$0x1A800] =	vst v63  }
0xcf: {  	s22 =	simm.s32 $0xD000  }
0xd0: {  	[tilespmem:s22], [sflag:$0x2] =	stream.indirect_vreg.gather [hbm4b:s11+s4], $0x80, v18, vm0, $0xb8;
	[tilespmem:$0x1A800] =	vst v63  }
0xd1: {  	s6 =	simm.s32 $0xD800  }
0xd2: {  	[tilespmem:s6], [sflag:$0x2] =	stream.indirect_vreg.gather [hbm4b:s12+s4], $0x80, v18, vm0, $0xb8;
	[tilespmem:$0x1A800] =	vst v63  }
0xd3: {  	s15 =	simm.s32 $0xE000  }
0xd4: {  	[tilespmem:s15], [sflag:$0x2] =	stream.indirect_vreg.gather [hbm4b:s13+s4], $0x80, v18, vm0, $0xb8;
	[tilespmem:$0x1A800] =	vst v63  }
0xd5: {  	s19 =	simm.s32 $0xE800  }
0xd6: {  	[tilespmem:s19], [sflag:$0x2] =	stream.indirect_vreg.gather [hbm4b:s14+s4], $0x80, v18, vm0, $0xb8;
	[tilespmem:$0x1A800] =	vst v63  }
0xd7: {  	s20 =	simm.s32 $0xF000  }
0xd8: {  	[tilespmem:s20], [sflag:$0x2] =	stream.indirect_vreg.gather [hbm4b:s16+s4], $0x80, v18, vm0, $0xb8;
	[tilespmem:$0x1A800] =	vst v63  }
0xd9: {  	s22 =	simm.s32 $0xF800  }
0xda: {  	[tilespmem:s22], [sflag:$0x2] =	stream.indirect_vreg.gather [hbm4b:s17+s4], $0x80, v18, vm1, $0xb8;
	[tilespmem:$0x1A800] =	vst v63  }
0xdb: {  	v18 =	vld.msk [tilespmem:$0x1A488], $0x1;
	_ =	sdelay $0x4  }
0xdc: {  	v19 =	vshrl.u32 v18, $0x3  }
0xdd: {  	v19 =	vmul.u32 $0x540, v19  }
0xde: {  	v18 =	vand.u32 $0x7, v18  }
0xdf: {  	v18 =	vor.u32 v18, v19  }
0xe0: {  	v18 =	vperm.xlane v18, v7;
	_ =	sdelay $0x1  }
0xe1: {  	v18 =	vadd.s32 v15, v18;
	_ =	sdelay $0x4  }
0xe2: {  	[tilespmem:s24], [sflag:$0x2] =	stream.indirect_vreg.gather [hbm4b:s5+s4], $0x80, v18, vm0, $0xb8;
	[tilespmem:$0x1A800] =	vst v63  }
0xe3: {  	s6 =	simm.s32 $0x10400  }
0xe4: {  	[tilespmem:s6], [sflag:$0x2] =	stream.indirect_vreg.gather [hbm4b:s7+s4], $0x80, v18, vm0, $0xb8;
	[tilespmem:$0x1A800] =	vst v63  }
0xe5: {  	s15 =	simm.s32 $0x10C00  }
0xe6: {  	[tilespmem:s15], [sflag:$0x2] =	stream.indirect_vreg.gather [hbm4b:s8+s4], $0x80, v18, vm0, $0xb8;
	[tilespmem:$0x1A800] =	vst v63  }
0xe7: {  	s19 =	simm.s32 $0x11400  }
0xe8: {  	[tilespmem:s19], [sflag:$0x2] =	stream.indirect_vreg.gather [hbm4b:s9+s4], $0x80, v18, vm0, $0xb8;
	[tilespmem:$0x1A800] =	vst v63  }
0xe9: {  	s20 =	simm.s32 $0x11C00  }
0xea: {  	[tilespmem:s20], [sflag:$0x2] =	stream.indirect_vreg.gather [hbm4b:s10+s4], $0x80, v18, vm0, $0xb8;
	[tilespmem:$0x1A800] =	vst v63  }
0xeb: {  	s22 =	simm.s32 $0x12400  }
0xec: {  	[tilespmem:s22], [sflag:$0x2] =	stream.indirect_vreg.gather [hbm4b:s11+s4], $0x80, v18, vm0, $0xb8;
	[tilespmem:$0x1A800] =	vst v63  }
0xed: {  	s6 =	simm.s32 $0x12C00  }
0xee: {  	[tilespmem:s6], [sflag:$0x2] =	stream.indirect_vreg.gather [hbm4b:s12+s4], $0x80, v18, vm0, $0xb8;
	[tilespmem:$0x1A800] =	vst v63  }
0xef: {  	s15 =	simm.s32 $0x13400  }
0xf0: {  	[tilespmem:s15], [sflag:$0x2] =	stream.indirect_vreg.gather [hbm4b:s13+s4], $0x80, v18, vm0, $0xb8;
	[tilespmem:$0x1A800] =	vst v63  }
0xf1: {  	s19 =	simm.s32 $0x13C00  }
0xf2: {  	[tilespmem:s19], [sflag:$0x2] =	stream.indirect_vreg.gather [hbm4b:s14+s4], $0x80, v18, vm0, $0xb8;
	[tilespmem:$0x1A800] =	vst v63  }
0xf3: {  	s20 =	simm.s32 $0x14400  }
0xf4: {  	[tilespmem:s20], [sflag:$0x2] =	stream.indirect_vreg.gather [hbm4b:s16+s4], $0x80, v18, vm0, $0xb8;
	[tilespmem:$0x1A800] =	vst v63  }
0xf5: {  	s31 =	simm.s32 $0x0;
	s22 =	simm.s32 $0x14C00  }
0xf6: {  	[tilespmem:s22], [sflag:$0x2] =	stream.indirect_vreg.gather [hbm4b:s17+s4], $0x80, v18, vm1, $0xb8;
	[tilespmem:$0x1A800] =	vst v63  }
.LBB2_2:
0xf7: {  	s6 =	sshll.u32 s31, $0x1  }
0xf8: {  	s3 =	sadd.s32 s1, s6  }
0xf9: {  	v18 =	vmov s3  }
0xfa: {  	v18 =	vcvt.s32.f32 v18;
	_ =	sdelay $0x1  }
0xfb: {  	v18 =	vmul.f32 $1.801801850e-02, v18;
	_ =	sdelay $0x1  }
0xfc: {  	v18 =	vadd.f32 $-1.000000000e+00, v18;
	_ =	sdelay $0x1  }
0xfd: {  	v18 =	vbroadcast v18, $0x0;
	_ =	sdelay $0x1  }
0xfe: {  	v19 =	vshrl.u32 v18, $0x10  }
0xff: {  	v19 =	vand.u32 $0x1, v19  }
0x100: {  	v18 =	vadd.s32 v19, v18  }
0x101: {  	v18 =	vadd.s32 $0x7FFF, v18  }
0x102: {  	v18 =	vand.u32 $0xFFFF0000, v18  }
0x103: {  	v18 =	vmul.f32 v18, v16;
	_ =	sdelay $0x1  }
0x104: {  	v18 =	vadd.f32 v17, v18;
	_ =	sdelay $0x1  }
0x105: {  	v18 =	vadd.f32 $1.000000000e+00, v18;
	_ =	sdelay $0x1  }
0x106: {  	v18 =	vmul.f32 $5.000000000e-01, v18;
	_ =	sdelay $0x1  }
0x107: {  	v18 =	vmul.f32 $2.240000000e+02, v18  }
0x108: {  	p0 =	seq.s32 s31, $0x0  }
0x109: {  	s3 =	simm.s32 @!p0 $0x3;
	v19 =	vtrunc.f32 v18  }
0x10a: {  	_ =	swait.ge @!p0 [sflag:s3], $0x2A00;
	v19 =	vcvt.f32.s32 v19  }
0x10b: {  	[sflag:s3] =	ssyncset.done @!p0 $0x0  }
0x10c: {  	[sflag:s3] =	ssyncadd.s32 @!p0 $0xFFFFD600;
	v20 =	vadd.s32 $0x1, v19  }
0x10d: {  	_ =	swait.ge [sflag:s21], $0x5400;
	vm2 =	vgt.s32 v19, $0x0;
	vm3 =	vgt.s32 v20, $0x0  }
0x10e: {  	[sflag:s21] =	ssyncset.done $0x0;
	v19 =	vnsel vm2, $0x0, v19;
	v20 =	vnsel vm3, $0x0, v20  }
0x10f: {  	[sflag:s21] =	ssyncadd.s32 $0xFFFFAC00;
	v19 =	vmin.u32 v19, $0xDF;
	v20 =	vmin.u32 v20, $0xDF  }
0x110: {  	_ =	swait.ge [sflag:s21], $0x5400;
	v21 =	vcvt.s32.f32 v19;
	v20 =	vcvt.s32.f32 v20  }
0x111: {  	[sflag:s21] =	ssyncset.done $0x0  }
0x112: {  	s22 =	simm.s32 $0x0;
	s15 =	simm.s32 $0x0;
	[sflag:s21] =	ssyncadd.s32 $0xFFFFAC00;
	v19 =	vsub.f32 v20, v18;
	v20 =	vsub.f32 v18, v21  }
.LBB2_3:
0x113: {  	s3 =	sshll.u32 s15, $0x4  }
0x114: {  	v18 =	vld [tilespmem:s3+$0x1A500];
	_ =	sdelay $0x2  }
0x115: {  	v22 =	vld [tilespmem:s3+$0x1A580];
	_ =	sdelay $0x1  }
0x116: {  	v21 =	vmul.u32 $0x60, v18;
	_ =	sdelay $0x1  }
0x117: {  	v18 =	vadd.s32 s22, v21  }
0x118: {  	v22 =	vmul.u32 $0x60, v22;
	_ =	sdelay $0x1  }
0x119: {  	v23 =	vld [tilespmem:s3+$0x1A600];
	v26 =	vadd.s32 s22, v22  }
0x11a: {  	v27 =	vld [tilespmem:s3+$0x1A680]  }
0x11b: {  	v28 =	vld.idx.msk [tilespmem:v18+s4+$0x0], $0xffff  }
0x11c: {  	v29 =	vld.idx.msk [tilespmem:v18+s28+$0x0], $0xffff  }
0x11d: {  	v18 =	vmov s3  }
0x11e: {  	v30 =	vld.idx.msk [tilespmem:v26+s4+$0x0], $0xffff;
	v18 =	vmul.u32 $0x60, v18  }
0x11f: {  	v24 =	vmul.f32 v23, v19;
	v25 =	vmul.f32 v23, v20  }
0x120: {  	v23 =	vmul.f32 v27, v19;
	v32 =	vld.idx.msk [tilespmem:v26+s28+$0x0], $0xffff;
	v31 =	vbroadcast v18, $0x0  }
0x121: {  	v18 =	vmul.u32 $0x60, v13;
	v28 =	vmul.f32 v28, v24;
	v29 =	vmul.f32 v29, v25  }
0x122: {  	v26 =	vmul.f32 v27, v20  }
0x123: {  	v27 =	vadd.s32 v18, v31;
	v28 =	vadd.f32 v29, v28;
	v29 =	vmul.f32 v30, v23  }
0x124: {  	s19 =	simm.s32 $0x1;
	v30 =	vadd.s32 s22, v27  }
0x125: {  	v31 =	vmul.f32 v32, v26;
	v28 =	vadd.f32 v29, v28;
	v29 =	vadd.s32 s19, v21;
	_ =	sdelay $0x1  }
0x126: {  	v28 =	vadd.f32 v31, v28  }
0x127: {  	v31 =	vadd.s32 s19, v22  }
0x128: {  	[tilespmem:v30+s23+$0x0] =	vst.idx.msk $0xffff, v28  }
0x129: {  	v28 =	vld.idx.msk [tilespmem:v29+s4+$0x0], $0xffff  }
0x12a: {  	v29 =	vld.idx.msk [tilespmem:v29+s28+$0x0], $0xffff;
	_ =	sdelay $0x1  }
0x12b: {  	v30 =	vld.idx.msk [tilespmem:v31+s4+$0x0], $0xffff;
	_ =	sdelay $0x1  }
0x12c: {  	v31 =	vld.idx.msk [tilespmem:v31+s28+$0x0], $0xffff  }
0x12d: {  	v28 =	vmul.f32 v28, v24;
	v29 =	vmul.f32 v29, v25;
	_ =	sdelay $0x1  }
0x12e: {  	v28 =	vadd.f32 v29, v28;
	v29 =	vmul.f32 v30, v23  }
0x12f: {  	s20 =	simm.s32 $0x2;
	v30 =	vadd.s32 s19, v27  }
0x130: {  	v28 =	vadd.f32 v29, v28;
	v29 =	vmul.f32 v31, v26;
	v31 =	vadd.s32 s20, v21;
	_ =	sdelay $0x1  }
0x131: {  	v28 =	vadd.f32 v29, v28  }
0x132: {  	v29 =	vadd.s32 s20, v22  }
0x133: {  	[tilespmem:v30+s23+$0x0] =	vst.idx.msk $0xffff, v28  }
0x134: {  	v28 =	vld.idx.msk [tilespmem:v31+s4+$0x0], $0xffff  }
0x135: {  	v30 =	vld.idx.msk [tilespmem:v31+s28+$0x0], $0xffff;
	_ =	sdelay $0x1  }
0x136: {  	v31 =	vld.idx.msk [tilespmem:v29+s4+$0x0], $0xffff;
	_ =	sdelay $0x1  }
0x137: {  	v29 =	vld.idx.msk [tilespmem:v29+s28+$0x0], $0xffff  }
0x138: {  	v28 =	vmul.f32 v28, v24;
	v30 =	vmul.f32 v30, v25;
	_ =	sdelay $0x1  }
0x139: {  	v28 =	vadd.f32 v30, v28;
	v30 =	vmul.f32 v31, v23  }
0x13a: {  	s19 =	simm.s32 $0x3;
	v31 =	vadd.s32 s20, v27  }
0x13b: {  	v29 =	vmul.f32 v29, v26;
	v28 =	vadd.f32 v30, v28;
	v30 =	vadd.s32 s19, v21;
	_ =	sdelay $0x1  }
0x13c: {  	v28 =	vadd.f32 v29, v28  }
0x13d: {  	v29 =	vadd.s32 s19, v22  }
0x13e: {  	[tilespmem:v31+s23+$0x0] =	vst.idx.msk $0xffff, v28  }
0x13f: {  	v28 =	vld.idx.msk [tilespmem:v30+s4+$0x0], $0xffff  }
0x140: {  	v30 =	vld.idx.msk [tilespmem:v30+s28+$0x0], $0xffff;
	_ =	sdelay $0x1  }
0x141: {  	v31 =	vld.idx.msk [tilespmem:v29+s4+$0x0], $0xffff;
	_ =	sdelay $0x1  }
0x142: {  	v29 =	vld.idx.msk [tilespmem:v29+s28+$0x0], $0xffff  }
0x143: {  	v28 =	vmul.f32 v28, v24;
	v30 =	vmul.f32 v30, v25;
	_ =	sdelay $0x1  }
0x144: {  	v28 =	vadd.f32 v30, v28;
	v30 =	vmul.f32 v31, v23  }
0x145: {  	s20 =	simm.s32 $0x4;
	v31 =	vadd.s32 s19, v27  }
0x146: {  	v29 =	vmul.f32 v29, v26;
	v28 =	vadd.f32 v30, v28;
	v30 =	vadd.s32 s20, v21;
	_ =	sdelay $0x1  }
0x147: {  	v28 =	vadd.f32 v29, v28  }
0x148: {  	v29 =	vadd.s32 s20, v22  }
0x149: {  	[tilespmem:v31+s23+$0x0] =	vst.idx.msk $0xffff, v28  }
0x14a: {  	v28 =	vld.idx.msk [tilespmem:v30+s4+$0x0], $0xffff  }
0x14b: {  	v30 =	vld.idx.msk [tilespmem:v30+s28+$0x0], $0xffff;
	_ =	sdelay $0x1  }
0x14c: {  	v31 =	vld.idx.msk [tilespmem:v29+s4+$0x0], $0xffff;
	_ =	sdelay $0x1  }
0x14d: {  	v29 =	vld.idx.msk [tilespmem:v29+s28+$0x0], $0xffff  }
0x14e: {  	v28 =	vmul.f32 v28, v24;
	v30 =	vmul.f32 v30, v25;
	_ =	sdelay $0x1  }
0x14f: {  	v28 =	vadd.f32 v30, v28;
	v30 =	vmul.f32 v31, v23  }
0x150: {  	s19 =	simm.s32 $0x5;
	v31 =	vadd.s32 s20, v27  }
0x151: {  	v29 =	vmul.f32 v29, v26;
	v28 =	vadd.f32 v30, v28;
	v30 =	vadd.s32 s19, v21;
	_ =	sdelay $0x1  }
0x152: {  	v28 =	vadd.f32 v29, v28  }
0x153: {  	v29 =	vadd.s32 s19, v22  }
0x154: {  	[tilespmem:v31+s23+$0x0] =	vst.idx.msk $0xffff, v28  }
0x155: {  	v28 =	vld.idx.msk [tilespmem:v30+s28+$0x0], $0xffff  }
0x156: {  	v30 =	vld.idx.msk [tilespmem:v30+s4+$0x0], $0xffff;
	_ =	sdelay $0x1  }
0x157: {  	v31 =	vld.idx.msk [tilespmem:v29+s4+$0x0], $0xffff;
	_ =	sdelay $0x1  }
0x158: {  	v29 =	vld.idx.msk [tilespmem:v29+s28+$0x0], $0xffff  }
0x159: {  	v28 =	vmul.f32 v28, v25;
	v30 =	vmul.f32 v30, v24;
	_ =	sdelay $0x1  }
0x15a: {  	v28 =	vadd.f32 v28, v30;
	v30 =	vmul.f32 v31, v23  }
0x15b: {  	s20 =	simm.s32 $0x6;
	v31 =	vadd.s32 s19, v27  }
0x15c: {  	v29 =	vmul.f32 v29, v26;
	v28 =	vadd.f32 v30, v28;
	v30 =	vadd.s32 s20, v21;
	_ =	sdelay $0x1  }
0x15d: {  	v28 =	vadd.f32 v29, v28  }
0x15e: {  	v29 =	vadd.s32 s20, v22  }
0x15f: {  	[tilespmem:v31+s23+$0x0] =	vst.idx.msk $0xffff, v28  }
0x160: {  	v28 =	vld.idx.msk [tilespmem:v30+s4+$0x0], $0xffff  }
0x161: {  	v30 =	vld.idx.msk [tilespmem:v30+s28+$0x0], $0xffff;
	_ =	sdelay $0x1  }
0x162: {  	v31 =	vld.idx.msk [tilespmem:v29+s4+$0x0], $0xffff;
	_ =	sdelay $0x1  }
0x163: {  	v29 =	vld.idx.msk [tilespmem:v29+s28+$0x0], $0xffff  }
0x164: {  	v28 =	vmul.f32 v28, v24;
	v30 =	vmul.f32 v30, v25;
	_ =	sdelay $0x1  }
0x165: {  	v28 =	vadd.f32 v30, v28;
	v30 =	vmul.f32 v31, v23;
	_ =	sdelay $0x1  }
0x166: {  	v29 =	vmul.f32 v29, v26;
	v28 =	vadd.f32 v30, v28  }
0x167: {  	s19 =	simm.s32 $0x7;
	v31 =	vadd.s32 s20, v27  }
0x168: {  	v30 =	vadd.f32 v29, v28;
	v29 =	vadd.s32 s19, v21;
	_ =	sdelay $0x2  }
0x169: {  	v28 =	vadd.s32 s19, v22  }
0x16a: {  	s3 =	simm.s32 $0x8;
	[tilespmem:v31+s23+$0x0] =	vst.idx.msk $0xffff, v30  }
.LBB2_4:
0x16b: {  	p0 =	slt.u32 s3, $0x58;
	v30 =	vld.idx.msk [tilespmem:v29+s28+$0x0], $0xffff;
	s20 =	smov.u32 s3;
	s3 =	sadd.s32 $0x8, s3  }
0x16c: {  	v29 =	vld.idx.msk [tilespmem:v29+s4+$0x0], $0xffff;
	_ =	sdelay $0x1  }
0x16d: {  	v31 =	vld.idx.msk [tilespmem:v28+s4+$0x0], $0xffff  }
0x16e: {  	v32 =	vadd.s32 s20, v21  }
0x16f: {  	v28 =	vld.idx.msk [tilespmem:v28+s28+$0x0], $0xffff  }
0x170: {  	v33 =	vadd.s32 s20, v22  }
0x171: {  	v30 =	vmul.f32 v30, v25;
	v29 =	vmul.f32 v29, v24;
	_ =	sdelay $0x1  }
0x172: {  	v29 =	vadd.f32 v30, v29;
	v30 =	vmul.f32 v31, v23  }
0x173: {  	v31 =	vadd.s32 s19, v27  }
0x174: {  	v29 =	vadd.f32 v30, v29;
	v28 =	vmul.f32 v28, v26;
	_ =	sdelay $0x1  }
0x175: {  	v28 =	vadd.f32 v28, v29;
	_ =	sdelay $0x1  }
0x176: {  	[tilespmem:v31+s23+$0x0] =	vst.idx.msk $0xffff, v28  }
0x177: {  	v28 =	vld.idx.msk [tilespmem:v32+s4+$0x0], $0xffff  }
0x178: {  	v29 =	vld.idx.msk [tilespmem:v32+s28+$0x0], $0xffff  }
0x179: {  	v30 =	vld.idx.msk [tilespmem:v33+s4+$0x0], $0xffff  }
0x17a: {  	v31 =	vld.idx.msk [tilespmem:v33+s28+$0x0], $0xffff;
	_ =	sdelay $0x2  }
0x17b: {  	v28 =	vmul.f32 v28, v24  }
0x17c: {  	v29 =	vmul.f32 v29, v25;
	_ =	sdelay $0x1  }
0x17d: {  	v28 =	vadd.f32 v29, v28;
	v29 =	vmul.f32 v30, v23;
	v30 =	vmul.f32 v31, v26  }
0x17e: {  	s19 =	sadd.s32 $0x1, s20;
	v31 =	vadd.s32 s20, v27  }
0x17f: {  	v28 =	vadd.f32 v29, v28;
	v29 =	vadd.s32 s19, v21;
	_ =	sdelay $0x1  }
0x180: {  	v28 =	vadd.f32 v30, v28  }
0x181: {  	v30 =	vadd.s32 s19, v22  }
0x182: {  	[tilespmem:v31+s23+$0x0] =	vst.idx.msk $0xffff, v28  }
0x183: {  	v28 =	vld.idx.msk [tilespmem:v29+s4+$0x0], $0xffff  }
0x184: {  	v29 =	vld.idx.msk [tilespmem:v29+s28+$0x0], $0xffff;
	_ =	sdelay $0x1  }
0x185: {  	v31 =	vld.idx.msk [tilespmem:v30+s4+$0x0], $0xffff;
	_ =	sdelay $0x1  }
0x186: {  	v30 =	vld.idx.msk [tilespmem:v30+s28+$0x0], $0xffff  }
0x187: {  	v28 =	vmul.f32 v28, v24  }
0x188: {  	v29 =	vmul.f32 v29, v25;
	_ =	sdelay $0x1  }
0x189: {  	v28 =	vadd.f32 v29, v28;
	v29 =	vmul.f32 v31, v23  }
0x18a: {  	v31 =	vadd.s32 s19, v27;
	s19 =	sadd.s32 $0x2, s20  }
0x18b: {  	v28 =	vadd.f32 v29, v28;
	v29 =	vmul.f32 v30, v26;
	v30 =	vadd.s32 s19, v21;
	_ =	sdelay $0x1  }
0x18c: {  	v28 =	vadd.f32 v29, v28  }
0x18d: {  	v29 =	vadd.s32 s19, v22  }
0x18e: {  	[tilespmem:v31+s23+$0x0] =	vst.idx.msk $0xffff, v28  }
0x18f: {  	v28 =	vld.idx.msk [tilespmem:v30+s4+$0x0], $0xffff  }
0x190: {  	v30 =	vld.idx.msk [tilespmem:v30+s28+$0x0], $0xffff;
	_ =	sdelay $0x1  }
0x191: {  	v31 =	vld.idx.msk [tilespmem:v29+s4+$0x0], $0xffff;
	_ =	sdelay $0x1  }
0x192: {  	v29 =	vld.idx.msk [tilespmem:v29+s28+$0x0], $0xffff  }
0x193: {  	v28 =	vmul.f32 v28, v24  }
0x194: {  	v30 =	vmul.f32 v30, v25;
	_ =	sdelay $0x1  }
0x195: {  	v28 =	vadd.f32 v30, v28;
	v30 =	vmul.f32 v31, v23  }
0x196: {  	v31 =	vadd.s32 s19, v27;
	s19 =	sadd.s32 $0x3, s20  }
0x197: {  	v28 =	vadd.f32 v30, v28;
	v29 =	vmul.f32 v29, v26;
	v30 =	vadd.s32 s19, v21;
	_ =	sdelay $0x1  }
0x198: {  	v28 =	vadd.f32 v29, v28  }
0x199: {  	v29 =	vadd.s32 s19, v22  }
0x19a: {  	[tilespmem:v31+s23+$0x0] =	vst.idx.msk $0xffff, v28  }
0x19b: {  	v28 =	vld.idx.msk [tilespmem:v30+s4+$0x0], $0xffff  }
0x19c: {  	v30 =	vld.idx.msk [tilespmem:v30+s28+$0x0], $0xffff;
	_ =	sdelay $0x1  }
0x19d: {  	v31 =	vld.idx.msk [tilespmem:v29+s4+$0x0], $0xffff;
	_ =	sdelay $0x1  }
0x19e: {  	v29 =	vld.idx.msk [tilespmem:v29+s28+$0x0], $0xffff  }
0x19f: {  	v28 =	vmul.f32 v28, v24  }
0x1a0: {  	v30 =	vmul.f32 v30, v25;
	_ =	sdelay $0x1  }
0x1a1: {  	v28 =	vadd.f32 v30, v28;
	v30 =	vmul.f32 v31, v23  }
0x1a2: {  	v31 =	vadd.s32 s19, v27;
	s19 =	sadd.s32 $0x4, s20  }
0x1a3: {  	v28 =	vadd.f32 v30, v28;
	v29 =	vmul.f32 v29, v26;
	v30 =	vadd.s32 s19, v21;
	_ =	sdelay $0x1  }
0x1a4: {  	v28 =	vadd.f32 v29, v28  }
0x1a5: {  	v29 =	vadd.s32 s19, v22  }
0x1a6: {  	[tilespmem:v31+s23+$0x0] =	vst.idx.msk $0xffff, v28  }
0x1a7: {  	v28 =	vld.idx.msk [tilespmem:v30+s4+$0x0], $0xffff  }
0x1a8: {  	v30 =	vld.idx.msk [tilespmem:v30+s28+$0x0], $0xffff;
	_ =	sdelay $0x1  }
0x1a9: {  	v31 =	vld.idx.msk [tilespmem:v29+s4+$0x0], $0xffff;
	_ =	sdelay $0x1  }
0x1aa: {  	v29 =	vld.idx.msk [tilespmem:v29+s28+$0x0], $0xffff  }
0x1ab: {  	v28 =	vmul.f32 v28, v24  }
0x1ac: {  	v30 =	vmul.f32 v30, v25;
	_ =	sdelay $0x1  }
0x1ad: {  	v28 =	vadd.f32 v30, v28;
	v30 =	vmul.f32 v31, v23  }
0x1ae: {  	v31 =	vadd.s32 s19, v27;
	s19 =	sadd.s32 $0x5, s20  }
0x1af: {  	v28 =	vadd.f32 v30, v28;
	v29 =	vmul.f32 v29, v26;
	v30 =	vadd.s32 s19, v21;
	_ =	sdelay $0x1  }
0x1b0: {  	v28 =	vadd.f32 v29, v28;
	v29 =	vadd.s32 s19, v22;
	_ =	sdelay $0x1  }
0x1b1: {  	[tilespmem:v31+s23+$0x0] =	vst.idx.msk $0xffff, v28  }
0x1b2: {  	v28 =	vld.idx.msk [tilespmem:v30+s28+$0x0], $0xffff  }
0x1b3: {  	v30 =	vld.idx.msk [tilespmem:v30+s4+$0x0], $0xffff  }
0x1b4: {  	v31 =	vld.idx.msk [tilespmem:v29+s4+$0x0], $0xffff  }
0x1b5: {  	v29 =	vld.idx.msk [tilespmem:v29+s28+$0x0], $0xffff;
	_ =	sdelay $0x2  }
0x1b6: {  	v28 =	vmul.f32 v28, v25  }
0x1b7: {  	v30 =	vmul.f32 v30, v24;
	_ =	sdelay $0x1  }
0x1b8: {  	v28 =	vadd.f32 v28, v30;
	v30 =	vmul.f32 v31, v23  }
0x1b9: {  	v31 =	vadd.s32 s19, v27;
	s19 =	sadd.s32 $0x6, s20  }
0x1ba: {  	v29 =	vmul.f32 v29, v26;
	v28 =	vadd.f32 v30, v28;
	v30 =	vadd.s32 s19, v21;
	_ =	sdelay $0x1  }
0x1bb: {  	v28 =	vadd.f32 v29, v28;
	v29 =	vadd.s32 s19, v22;
	_ =	sdelay $0x1  }
0x1bc: {  	[tilespmem:v31+s23+$0x0] =	vst.idx.msk $0xffff, v28  }
0x1bd: {  	v28 =	vld.idx.msk [tilespmem:v30+s4+$0x0], $0xffff  }
0x1be: {  	v30 =	vld.idx.msk [tilespmem:v30+s28+$0x0], $0xffff  }
0x1bf: {  	v31 =	vld.idx.msk [tilespmem:v29+s4+$0x0], $0xffff  }
0x1c0: {  	v29 =	vld.idx.msk [tilespmem:v29+s28+$0x0], $0xffff;
	_ =	sdelay $0x2  }
0x1c1: {  	v28 =	vmul.f32 v28, v24  }
0x1c2: {  	v30 =	vmul.f32 v30, v25;
	_ =	sdelay $0x1  }
0x1c3: {  	v28 =	vadd.f32 v30, v28;
	v30 =	vmul.f32 v31, v23  }
0x1c4: {  	v31 =	vadd.s32 s19, v27;
	s19 =	sadd.s32 $0x7, s20  }
.Ltmp2:
0x1c5: {  	v28 =	vadd.f32 v30, v28;
	v30 =	vmul.f32 v29, v26;
	v29 =	vadd.s32 s19, v21;
	(pc) =	sbr.rel @p0 .LBB2_4-.Ltmp2, $4  }
0x1c6: {  	_ = 	snop  }
0x1c7: {  	v30 =	vadd.f32 v30, v28  }
0x1c8: {  	v28 =	vadd.s32 s19, v22  }
0x1c9: {  	[tilespmem:v31+s23+$0x0] =	vst.idx.msk $0xffff, v30  }
0x1ca: {  	_ =	sdelay $0x3  }
0x1cb: {  	v21 =	vld.idx.msk [tilespmem:v29+s28+$0x0], $0xffff  }
0x1cc: {  	v22 =	vld.idx.msk [tilespmem:v29+s4+$0x0], $0xffff;
	_ =	sdelay $0x1  }
0x1cd: {  	v62 =	vld.idx.msk [tilespmem:v28+s4+$0x0], $0xffff;
	_ =	sdelay $0x1  }
0x1ce: {  	v63 =	vld.idx.msk [tilespmem:v28+s28+$0x0], $0xffff  }
0x1cf: {  	v22 =	vmul.f32 v22, v24;
	v21 =	vmul.f32 v21, v25;
	_ =	sdelay $0x1  }
0x1d0: {  	s15 =	sadd.s32 $0x1, s15;
	v21 =	vadd.f32 v21, v22;
	v22 =	vmul.f32 v62, v23  }
0x1d1: {  	p0 =	sne.s32 s15, $0x7;
	v23 =	vadd.s32 s19, v27  }
.Ltmp3:
0x1d2: {  	v21 =	vadd.f32 v22, v21;
	v22 =	vmul.f32 v63, v26;
	(pc) =	sbr.rel @p0 .LBB2_3-.Ltmp3, $3  }
0x1d3: {  	_ = 	snop  }
0x1d4: {  	v21 =	vadd.f32 v22, v21;
	_ =	sdelay $0x1  }
0x1d5: {  	[tilespmem:v23+s23+$0x0] =	vst.idx.msk $0xffff, v21  }
0x1d6: {  	p0 =	seq.s32 s31, $0xD;
	s3 =	rddreg [dreg:$0x5]  }
0x1d7: {  	s3 =	sadd.s32 @!p0 s6, s3  }
0x1d8: {  	v19 =	vmov @!p0 s3  }
0x1d9: {  	v19 =	vcvt.s32.f32 @!p0 v19;
	_ =	sdelay $0x1  }
0x1da: {  	v19 =	vmul.f32 @!p0 $1.801801850e-02, v19;
	_ =	sdelay $0x1  }
0x1db: {  	v19 =	vadd.f32 @!p0 $-1.000000000e+00, v19;
	_ =	sdelay $0x1  }
0x1dc: {  	v19 =	vbroadcast @!p0 v19, $0x0;
	_ =	sdelay $0x1  }
0x1dd: {  	v20 =	vshrl.u32 @!p0 v19, $0x10  }
0x1de: {  	v20 =	vand.u32 @!p0 $0x1, v20  }
0x1df: {  	v19 =	vadd.s32 @!p0 v20, v19  }
0x1e0: {  	v19 =	vadd.s32 @!p0 $0x7FFF, v19  }
0x1e1: {  	v19 =	vand.u32 @!p0 $0xFFFF0000, v19  }
0x1e2: {  	v19 =	vmul.f32 @!p0 v19, v16;
	_ =	sdelay $0x1  }
0x1e3: {  	v19 =	vadd.f32 @!p0 v17, v19;
	_ =	sdelay $0x1  }
0x1e4: {  	v19 =	vadd.f32 @!p0 $1.000000000e+00, v19;
	_ =	sdelay $0x1  }
0x1e5: {  	v19 =	vmul.f32 @!p0 $5.000000000e-01, v19;
	_ =	sdelay $0x1  }
0x1e6: {  	v19 =	vmul.f32 @!p0 $2.240000000e+02, v19;
	_ =	sdelay $0x1  }
0x1e7: {  	v19 =	vtrunc.f32 @!p0 v19  }
0x1e8: {  	s22 =	sadd.s32 s18, s6;
	v19 =	vcvt.f32.s32 @!p0 v19  }
0x1e9: {  	s15 =	sshrl.u32 s22, $0x3  }
0x1ea: {  	s15 =	smul.u32 $0x15000, s15;
	s3 =	sshll.u32 s22, $0x7;
	v20 =	vadd.s32 @!p0 $0x1, v19  }
0x1eb: {  	s3 =	sand.u32 $0x300, s3;
	vm2 =	vgt.s32 @!p0 v19, $0x0;
	vm3 =	vgt.s32 @!p0 v20, $0x0  }
0x1ec: {  	s3 =	sor.u32 s3, s15;
	v19 =	vnsel @!p0 vm2, $0x0, v19;
	v20 =	vnsel @!p0 vm3, $0x0, v20  }
0x1ed: {  	s3 =	sshrl.u32 s3, $0x3;
	vm2 =	vmmov @!p0 $0xff;
	v19 =	vmin.u32 @!p0 v19, $0xDF;
	v20 =	vmin.u32 @!p0 v20, $0xDF  }
0x1ee: {  	s3 =	sadd.s32 s30, s3;
	v19 =	vsel @!p0 vm2, v19, v20  }
0x1ef: {  	[hbm4b:s3+s0] =	stream.strided.scatter [tilespmem:s23], [sflag:$0x3], $0x2A00, s25, s0, $0x38;
	v19 =	vadd.s32 @!p0 v4, v19;
	[tilespmem:$0x1A800] =	vst v63  }
0x1f0: {  	[tilespmem:$0x1A400] =	vst @!p0 v19  }
0x1f1: {  	v19 =	vld.msk @!p0 [tilespmem:$0x1A400], $0x1;
	_ =	sdelay $0x4  }
0x1f2: {  	v20 =	vshrl.u32 @!p0 v19, $0x3  }
0x1f3: {  	v20 =	vmul.u32 @!p0 $0x540, v20  }
0x1f4: {  	v19 =	vand.u32 @!p0 $0x7, v19  }
0x1f5: {  	v21 =	vimm.s32 @!p0 $0x0;
	v19 =	vor.u32 @!p0 v19, v20;
	v20 =	vlaneseq.u32 @!p0  }
0x1f6: {  	v19 =	vperm.xlane @!p0 v19, v21;
	v20 =	vmul.u32 @!p0 $0x8, v20;
	_ =	sdelay $0x1  }
0x1f7: {  	v19 =	vadd.s32 @!p0 v20, v19;
	_ =	sdelay $0x3  }
0x1f8: {  	s3 =	simm.s32 @!p0 $0x0;
	vm3 =	vmmov @!p0 $0xffff  }
0x1f9: {  	[tilespmem:s3], [sflag:$0x1] =	stream.indirect_vreg.gather @!p0 [hbm4b:s5+s3], $0x80, v19, vm3, $0xb8;
	[tilespmem:$0x1A800] =	vst v63  }
0x1fa: {  	s15 =	simm.s32 @!p0 $0x800  }
0x1fb: {  	[tilespmem:s15], [sflag:$0x1] =	stream.indirect_vreg.gather @!p0 [hbm4b:s7+s3], $0x80, v19, vm3, $0xb8;
	[tilespmem:$0x1A800] =	vst v63  }
0x1fc: {  	s15 =	simm.s32 @!p0 $0x1000  }
0x1fd: {  	[tilespmem:s15], [sflag:$0x1] =	stream.indirect_vreg.gather @!p0 [hbm4b:s8+s3], $0x80, v19, vm3, $0xb8;
	[tilespmem:$0x1A800] =	vst v63  }
0x1fe: {  	s15 =	simm.s32 @!p0 $0x1800  }
0x1ff: {  	[tilespmem:s15], [sflag:$0x1] =	stream.indirect_vreg.gather @!p0 [hbm4b:s9+s3], $0x80, v19, vm3, $0xb8;
	[tilespmem:$0x1A800] =	vst v63  }
0x200: {  	s15 =	simm.s32 @!p0 $0x2000  }
0x201: {  	[tilespmem:s15], [sflag:$0x1] =	stream.indirect_vreg.gather @!p0 [hbm4b:s10+s3], $0x80, v19, vm3, $0xb8;
	[tilespmem:$0x1A800] =	vst v63  }
0x202: {  	s15 =	simm.s32 @!p0 $0x2800  }
0x203: {  	[tilespmem:s15], [sflag:$0x1] =	stream.indirect_vreg.gather @!p0 [hbm4b:s11+s3], $0x80, v19, vm3, $0xb8;
	[tilespmem:$0x1A800] =	vst v63  }
0x204: {  	s15 =	simm.s32 @!p0 $0x3000  }
0x205: {  	[tilespmem:s15], [sflag:$0x1] =	stream.indirect_vreg.gather @!p0 [hbm4b:s12+s3], $0x80, v19, vm3, $0xb8;
	[tilespmem:$0x1A800] =	vst v63  }
0x206: {  	s15 =	simm.s32 @!p0 $0x3800  }
0x207: {  	[tilespmem:s15], [sflag:$0x1] =	stream.indirect_vreg.gather @!p0 [hbm4b:s13+s3], $0x80, v19, vm3, $0xb8;
	[tilespmem:$0x1A800] =	vst v63  }
0x208: {  	s15 =	simm.s32 @!p0 $0x4000  }
0x209: {  	[tilespmem:s15], [sflag:$0x1] =	stream.indirect_vreg.gather @!p0 [hbm4b:s14+s3], $0x80, v19, vm3, $0xb8;
	[tilespmem:$0x1A800] =	vst v63  }
0x20a: {  	s15 =	simm.s32 @!p0 $0x4800  }
0x20b: {  	[tilespmem:s15], [sflag:$0x1] =	stream.indirect_vreg.gather @!p0 [hbm4b:s16+s3], $0x80, v19, vm3, $0xb8;
	[tilespmem:$0x1A800] =	vst v63  }
0x20c: {  	s15 =	simm.s32 @!p0 $0x5000  }
0x20d: {  	[tilespmem:s15], [sflag:$0x1] =	stream.indirect_vreg.gather @!p0 [hbm4b:s17+s3], $0x80, v19, vm2, $0xb8;
	[tilespmem:$0x1A800] =	vst v63  }
0x20e: {  	v19 =	vld.msk @!p0 [tilespmem:$0x1A408], $0x1;
	_ =	sdelay $0x4  }
0x20f: {  	v22 =	vshrl.u32 @!p0 v19, $0x3  }
0x210: {  	v22 =	vmul.u32 @!p0 $0x540, v22  }
0x211: {  	v19 =	vand.u32 @!p0 $0x7, v19  }
0x212: {  	v19 =	vor.u32 @!p0 v19, v22  }
0x213: {  	v19 =	vperm.xlane @!p0 v19, v21;
	_ =	sdelay $0x1  }
0x214: {  	v19 =	vadd.s32 @!p0 v20, v19;
	_ =	sdelay $0x3  }
0x215: {  	s15 =	simm.s32 @!p0 $0x5400  }
0x216: {  	[tilespmem:s15], [sflag:$0x1] =	stream.indirect_vreg.gather @!p0 [hbm4b:s5+s3], $0x80, v19, vm3, $0xb8;
	[tilespmem:$0x1A800] =	vst v63  }
0x217: {  	s15 =	simm.s32 @!p0 $0x5C00  }
0x218: {  	[tilespmem:s15], [sflag:$0x1] =	stream.indirect_vreg.gather @!p0 [hbm4b:s7+s3], $0x80, v19, vm3, $0xb8;
	[tilespmem:$0x1A800] =	vst v63  }
0x219: {  	s15 =	simm.s32 @!p0 $0x6400  }
0x21a: {  	[tilespmem:s15], [sflag:$0x1] =	stream.indirect_vreg.gather @!p0 [hbm4b:s8+s3], $0x80, v19, vm3, $0xb8;
	[tilespmem:$0x1A800] =	vst v63  }
0x21b: {  	s15 =	simm.s32 @!p0 $0x6C00  }
0x21c: {  	[tilespmem:s15], [sflag:$0x1] =	stream.indirect_vreg.gather @!p0 [hbm4b:s9+s3], $0x80, v19, vm3, $0xb8;
	[tilespmem:$0x1A800] =	vst v63  }
0x21d: {  	s15 =	simm.s32 @!p0 $0x7400  }
0x21e: {  	[tilespmem:s15], [sflag:$0x1] =	stream.indirect_vreg.gather @!p0 [hbm4b:s10+s3], $0x80, v19, vm3, $0xb8;
	[tilespmem:$0x1A800] =	vst v63  }
0x21f: {  	s15 =	simm.s32 @!p0 $0x7C00  }
0x220: {  	[tilespmem:s15], [sflag:$0x1] =	stream.indirect_vreg.gather @!p0 [hbm4b:s11+s3], $0x80, v19, vm3, $0xb8;
	[tilespmem:$0x1A800] =	vst v63  }
0x221: {  	s15 =	simm.s32 @!p0 $0x8400  }
0x222: {  	[tilespmem:s15], [sflag:$0x1] =	stream.indirect_vreg.gather @!p0 [hbm4b:s12+s3], $0x80, v19, vm3, $0xb8;
	[tilespmem:$0x1A800] =	vst v63  }
0x223: {  	p1 =	seq.s32 @!p0 s31, $0x0;
	s15 =	simm.s32 @!p0 $0x8C00  }
0x224: {  	[tilespmem:s15], [sflag:$0x1] =	stream.indirect_vreg.gather @!p0 [hbm4b:s13+s3], $0x80, v19, vm3, $0xb8;
	[tilespmem:$0x1A800] =	vst v63  }
0x225: {  	p1 =	por p0, !p1;
	s15 =	simm.s32 @!p0 $0x9400  }
0x226: {  	[tilespmem:s15], [sflag:$0x1] =	stream.indirect_vreg.gather @!p0 [hbm4b:s14+s3], $0x80, v19, vm3, $0xb8;
	[tilespmem:$0x1A800] =	vst v63  }
.Ltmp4:
0x227: {  	_ = 	snop;
	(pc) =	sbr.rel @!p1 .LBB2_8-.Ltmp4, $4  }
0x228: {  	s15 =	simm.s32 @!p0 $0x9C00  }
0x229: {  	[tilespmem:s15], [sflag:$0x1] =	stream.indirect_vreg.gather @!p0 [hbm4b:s16+s3], $0x80, v19, vm3, $0xb8;
	[tilespmem:$0x1A800] =	vst v63  }
0x22a: {  	s22 =	sor.u32 @!p0 $0x1, s6;
	s15 =	simm.s32 @!p0 $0xA400  }
0x22b: {  	[tilespmem:s15], [sflag:$0x1] =	stream.indirect_vreg.gather @!p0 [hbm4b:s17+s3], $0x80, v19, vm2, $0xb8;
	[tilespmem:$0x1A800] =	vst v63  }
0x22c: {  	s3 =	simm.s32 $0x4  }
0x22d: {  	_ =	swait.ge [sflag:s3], $0x2A00  }
0x22e: {  	[sflag:s3] =	ssyncset.done $0x0  }
0x22f: {  	s22 =	simm.s32 @p0 $0x1B;
	[sflag:s3] =	ssyncadd.s32 $0xFFFFD600  }
.LBB2_8:
0x230: {  	s3 =	sadd.s32 s1, s22  }
0x231: {  	v19 =	vmov s3  }
0x232: {  	v19 =	vcvt.s32.f32 v19;
	_ =	sdelay $0x1  }
0x233: {  	v19 =	vmul.f32 $1.801801850e-02, v19;
	_ =	sdelay $0x1  }
0x234: {  	v19 =	vadd.f32 $-1.000000000e+00, v19;
	_ =	sdelay $0x1  }
0x235: {  	v19 =	vbroadcast v19, $0x0;
	_ =	sdelay $0x1  }
0x236: {  	v20 =	vshrl.u32 v19, $0x10  }
0x237: {  	v20 =	vand.u32 $0x1, v20  }
0x238: {  	v19 =	vadd.s32 v20, v19  }
0x239: {  	v19 =	vadd.s32 $0x7FFF, v19  }
0x23a: {  	v19 =	vand.u32 $0xFFFF0000, v19  }
0x23b: {  	v19 =	vmul.f32 v19, v16;
	_ =	sdelay $0x1  }
0x23c: {  	v19 =	vadd.f32 v17, v19;
	_ =	sdelay $0x1  }
0x23d: {  	v19 =	vadd.f32 $1.000000000e+00, v19;
	_ =	sdelay $0x1  }
0x23e: {  	v19 =	vmul.f32 $5.000000000e-01, v19;
	_ =	sdelay $0x1  }
0x23f: {  	v20 =	vmul.f32 $2.240000000e+02, v19;
	_ =	sdelay $0x1  }
0x240: {  	v19 =	vtrunc.f32 v20  }
0x241: {  	v19 =	vcvt.f32.s32 v19;
	_ =	sdelay $0x1  }
0x242: {  	v21 =	vadd.s32 $0x1, v19  }
0x243: {  	_ =	swait.ge [sflag:s26], $0x5400;
	vm2 =	vgt.s32 v19, $0x0;
	vm3 =	vgt.s32 v21, $0x0  }
0x244: {  	[sflag:s26] =	ssyncset.done $0x0;
	v19 =	vnsel vm2, $0x0, v19;
	v21 =	vnsel vm3, $0x0, v21  }
0x245: {  	[sflag:s26] =	ssyncadd.s32 $0xFFFFAC00;
	v19 =	vmin.u32 v19, $0xDF;
	v21 =	vmin.u32 v21, $0xDF  }
0x246: {  	_ =	swait.ge [sflag:s26], $0x5400;
	v22 =	vcvt.s32.f32 v19;
	v21 =	vcvt.s32.f32 v21  }
0x247: {  	[sflag:s26] =	ssyncset.done $0x0  }
0x248: {  	s15 =	simm.s32 $0x0;
	s3 =	simm.s32 $0x0;
	[sflag:s26] =	ssyncadd.s32 $0xFFFFAC00;
	v19 =	vsub.f32 v21, v20;
	v20 =	vsub.f32 v20, v22  }
.LBB2_9:
0x249: {  	s19 =	sshll.u32 s3, $0x4  }
0x24a: {  	v21 =	vld [tilespmem:s19+$0x1A500];
	_ =	sdelay $0x2  }
0x24b: {  	v22 =	vld [tilespmem:s19+$0x1A580];
	_ =	sdelay $0x1  }
0x24c: {  	v21 =	vmul.u32 $0x60, v21;
	_ =	sdelay $0x1  }
0x24d: {  	v23 =	vadd.s32 s15, v21  }
0x24e: {  	v22 =	vmul.u32 $0x60, v22;
	_ =	sdelay $0x1  }
0x24f: {  	v25 =	vld [tilespmem:s19+$0x1A600];
	v26 =	vadd.s32 s15, v22  }
0x250: {  	v27 =	vld [tilespmem:s19+$0x1A680]  }
0x251: {  	v28 =	vld.idx.msk [tilespmem:v23+s2+$0x0], $0xffff  }
0x252: {  	v29 =	vld.idx.msk [tilespmem:v23+s24+$0x0], $0xffff  }
0x253: {  	v23 =	vmov s19  }
0x254: {  	v31 =	vld.idx.msk [tilespmem:v26+s2+$0x0], $0xffff;
	v30 =	vmul.u32 $0x60, v23  }
0x255: {  	v24 =	vmul.f32 v25, v19;
	v25 =	vmul.f32 v25, v20  }
0x256: {  	v32 =	vld.idx.msk [tilespmem:v26+s24+$0x0], $0xffff;
	v23 =	vmul.f32 v27, v19;
	v30 =	vbroadcast v30, $0x0  }
0x257: {  	v28 =	vmul.f32 v28, v24;
	v29 =	vmul.f32 v29, v25  }
0x258: {  	v26 =	vmul.f32 v27, v20  }
0x259: {  	v27 =	vadd.s32 v18, v30;
	v28 =	vadd.f32 v29, v28;
	v29 =	vmul.f32 v31, v23  }
0x25a: {  	s20 =	simm.s32 $0x1;
	v30 =	vadd.s32 s15, v27  }
0x25b: {  	v31 =	vmul.f32 v32, v26;
	v28 =	vadd.f32 v29, v28;
	v29 =	vadd.s32 s20, v21;
	_ =	sdelay $0x1  }
0x25c: {  	v28 =	vadd.f32 v31, v28  }
0x25d: {  	v31 =	vadd.s32 s20, v22  }
0x25e: {  	[tilespmem:v30+s29+$0x0] =	vst.idx.msk $0xffff, v28  }
0x25f: {  	v28 =	vld.idx.msk [tilespmem:v29+s2+$0x0], $0xffff  }
0x260: {  	v29 =	vld.idx.msk [tilespmem:v29+s24+$0x0], $0xffff;
	_ =	sdelay $0x1  }
0x261: {  	v30 =	vld.idx.msk [tilespmem:v31+s2+$0x0], $0xffff;
	_ =	sdelay $0x1  }
0x262: {  	v31 =	vld.idx.msk [tilespmem:v31+s24+$0x0], $0xffff  }
0x263: {  	v28 =	vmul.f32 v28, v24;
	v29 =	vmul.f32 v29, v25;
	_ =	sdelay $0x1  }
0x264: {  	v28 =	vadd.f32 v29, v28;
	v29 =	vmul.f32 v30, v23  }
0x265: {  	v30 =	vadd.s32 s20, v27;
	s20 =	simm.s32 $0x2  }
0x266: {  	v28 =	vadd.f32 v29, v28;
	v29 =	vmul.f32 v31, v26;
	v31 =	vadd.s32 s20, v21;
	_ =	sdelay $0x1  }
0x267: {  	v28 =	vadd.f32 v29, v28  }
0x268: {  	v29 =	vadd.s32 s20, v22  }
0x269: {  	[tilespmem:v30+s29+$0x0] =	vst.idx.msk $0xffff, v28  }
0x26a: {  	v28 =	vld.idx.msk [tilespmem:v31+s2+$0x0], $0xffff  }
0x26b: {  	v30 =	vld.idx.msk [tilespmem:v31+s24+$0x0], $0xffff;
	_ =	sdelay $0x1  }
0x26c: {  	v31 =	vld.idx.msk [tilespmem:v29+s2+$0x0], $0xffff;
	_ =	sdelay $0x1  }
0x26d: {  	v29 =	vld.idx.msk [tilespmem:v29+s24+$0x0], $0xffff  }
0x26e: {  	v28 =	vmul.f32 v28, v24;
	v30 =	vmul.f32 v30, v25;
	_ =	sdelay $0x1  }
0x26f: {  	v28 =	vadd.f32 v30, v28;
	v30 =	vmul.f32 v31, v23  }
0x270: {  	v31 =	vadd.s32 s20, v27;
	s20 =	simm.s32 $0x3  }
0x271: {  	v29 =	vmul.f32 v29, v26;
	v28 =	vadd.f32 v30, v28;
	v30 =	vadd.s32 s20, v21;
	_ =	sdelay $0x1  }
0x272: {  	v28 =	vadd.f32 v29, v28  }
0x273: {  	v29 =	vadd.s32 s20, v22  }
0x274: {  	[tilespmem:v31+s29+$0x0] =	vst.idx.msk $0xffff, v28  }
0x275: {  	v28 =	vld.idx.msk [tilespmem:v30+s2+$0x0], $0xffff  }
0x276: {  	v30 =	vld.idx.msk [tilespmem:v30+s24+$0x0], $0xffff;
	_ =	sdelay $0x1  }
0x277: {  	v31 =	vld.idx.msk [tilespmem:v29+s2+$0x0], $0xffff;
	_ =	sdelay $0x1  }
0x278: {  	v29 =	vld.idx.msk [tilespmem:v29+s24+$0x0], $0xffff  }
0x279: {  	v28 =	vmul.f32 v28, v24;
	v30 =	vmul.f32 v30, v25;
	_ =	sdelay $0x1  }
0x27a: {  	v28 =	vadd.f32 v30, v28;
	v30 =	vmul.f32 v31, v23  }
0x27b: {  	v31 =	vadd.s32 s20, v27;
	s20 =	simm.s32 $0x4  }
0x27c: {  	v29 =	vmul.f32 v29, v26;
	v28 =	vadd.f32 v30, v28;
	v30 =	vadd.s32 s20, v21;
	_ =	sdelay $0x1  }
0x27d: {  	v28 =	vadd.f32 v29, v28  }
0x27e: {  	v29 =	vadd.s32 s20, v22  }
0x27f: {  	[tilespmem:v31+s29+$0x0] =	vst.idx.msk $0xffff, v28  }
0x280: {  	v28 =	vld.idx.msk [tilespmem:v30+s2+$0x0], $0xffff  }
0x281: {  	v30 =	vld.idx.msk [tilespmem:v30+s24+$0x0], $0xffff;
	_ =	sdelay $0x1  }
0x282: {  	v31 =	vld.idx.msk [tilespmem:v29+s2+$0x0], $0xffff;
	_ =	sdelay $0x1  }
0x283: {  	v29 =	vld.idx.msk [tilespmem:v29+s24+$0x0], $0xffff  }
0x284: {  	v28 =	vmul.f32 v28, v24;
	v30 =	vmul.f32 v30, v25;
	_ =	sdelay $0x1  }
0x285: {  	v28 =	vadd.f32 v30, v28;
	v30 =	vmul.f32 v31, v23  }
0x286: {  	v31 =	vadd.s32 s20, v27;
	s20 =	simm.s32 $0x5  }
0x287: {  	v29 =	vmul.f32 v29, v26;
	v28 =	vadd.f32 v30, v28;
	v30 =	vadd.s32 s20, v21;
	_ =	sdelay $0x1  }
0x288: {  	v28 =	vadd.f32 v29, v28  }
0x289: {  	v29 =	vadd.s32 s20, v22  }
0x28a: {  	[tilespmem:v31+s29+$0x0] =	vst.idx.msk $0xffff, v28  }
0x28b: {  	v28 =	vld.idx.msk [tilespmem:v30+s24+$0x0], $0xffff  }
0x28c: {  	v30 =	vld.idx.msk [tilespmem:v30+s2+$0x0], $0xffff;
	_ =	sdelay $0x1  }
0x28d: {  	v31 =	vld.idx.msk [tilespmem:v29+s2+$0x0], $0xffff;
	_ =	sdelay $0x1  }
0x28e: {  	v29 =	vld.idx.msk [tilespmem:v29+s24+$0x0], $0xffff  }
0x28f: {  	v28 =	vmul.f32 v28, v25;
	v30 =	vmul.f32 v30, v24;
	_ =	sdelay $0x1  }
0x290: {  	v28 =	vadd.f32 v28, v30;
	v30 =	vmul.f32 v31, v23  }
0x291: {  	v31 =	vadd.s32 s20, v27;
	s20 =	simm.s32 $0x6  }
0x292: {  	v29 =	vmul.f32 v29, v26;
	v28 =	vadd.f32 v30, v28;
	v30 =	vadd.s32 s20, v21;
	_ =	sdelay $0x1  }
0x293: {  	v28 =	vadd.f32 v29, v28  }
0x294: {  	v29 =	vadd.s32 s20, v22  }
0x295: {  	[tilespmem:v31+s29+$0x0] =	vst.idx.msk $0xffff, v28  }
0x296: {  	v28 =	vld.idx.msk [tilespmem:v30+s2+$0x0], $0xffff  }
0x297: {  	v30 =	vld.idx.msk [tilespmem:v30+s24+$0x0], $0xffff;
	_ =	sdelay $0x1  }
0x298: {  	v31 =	vld.idx.msk [tilespmem:v29+s2+$0x0], $0xffff;
	_ =	sdelay $0x1  }
0x299: {  	v29 =	vld.idx.msk [tilespmem:v29+s24+$0x0], $0xffff  }
0x29a: {  	v28 =	vmul.f32 v28, v24;
	v30 =	vmul.f32 v30, v25;
	_ =	sdelay $0x1  }
0x29b: {  	v28 =	vadd.f32 v30, v28;
	v30 =	vmul.f32 v31, v23;
	_ =	sdelay $0x1  }
0x29c: {  	v29 =	vmul.f32 v29, v26;
	v28 =	vadd.f32 v30, v28  }
0x29d: {  	s30 =	simm.s32 $0x7;
	v31 =	vadd.s32 s20, v27  }
0x29e: {  	v30 =	vadd.f32 v29, v28;
	v29 =	vadd.s32 s30, v21;
	_ =	sdelay $0x2  }
0x29f: {  	v28 =	vadd.s32 s30, v22  }
0x2a0: {  	s20 =	simm.s32 $0x8;
	[tilespmem:v31+s29+$0x0] =	vst.idx.msk $0xffff, v30  }
.LBB2_10:
0x2a1: {  	p1 =	slt.u32 s20, $0x58;
	v30 =	vld.idx.msk [tilespmem:v29+s24+$0x0], $0xffff;
	s19 =	smov.u32 s20;
	s20 =	sadd.s32 $0x8, s20  }
0x2a2: {  	v29 =	vld.idx.msk [tilespmem:v29+s2+$0x0], $0xffff;
	_ =	sdelay $0x1  }
0x2a3: {  	v31 =	vld.idx.msk [tilespmem:v28+s2+$0x0], $0xffff  }
0x2a4: {  	v32 =	vadd.s32 s19, v21  }
0x2a5: {  	v28 =	vld.idx.msk [tilespmem:v28+s24+$0x0], $0xffff  }
0x2a6: {  	v33 =	vadd.s32 s19, v22  }
0x2a7: {  	v30 =	vmul.f32 v30, v25;
	v29 =	vmul.f32 v29, v24;
	_ =	sdelay $0x1  }
0x2a8: {  	v29 =	vadd.f32 v30, v29;
	v30 =	vmul.f32 v31, v23  }
0x2a9: {  	v31 =	vadd.s32 s30, v27  }
0x2aa: {  	v29 =	vadd.f32 v30, v29;
	v28 =	vmul.f32 v28, v26;
	_ =	sdelay $0x1  }
0x2ab: {  	v28 =	vadd.f32 v28, v29;
	_ =	sdelay $0x1  }
0x2ac: {  	[tilespmem:v31+s29+$0x0] =	vst.idx.msk $0xffff, v28  }
0x2ad: {  	v28 =	vld.idx.msk [tilespmem:v32+s2+$0x0], $0xffff  }
0x2ae: {  	v29 =	vld.idx.msk [tilespmem:v32+s24+$0x0], $0xffff  }
0x2af: {  	v30 =	vld.idx.msk [tilespmem:v33+s2+$0x0], $0xffff  }
0x2b0: {  	v31 =	vld.idx.msk [tilespmem:v33+s24+$0x0], $0xffff;
	_ =	sdelay $0x2  }
0x2b1: {  	v28 =	vmul.f32 v28, v24  }
0x2b2: {  	v29 =	vmul.f32 v29, v25;
	_ =	sdelay $0x1  }
0x2b3: {  	v28 =	vadd.f32 v29, v28;
	v29 =	vmul.f32 v30, v23;
	v30 =	vmul.f32 v31, v26  }
0x2b4: {  	s30 =	sadd.s32 $0x1, s19;
	v31 =	vadd.s32 s19, v27  }
0x2b5: {  	v28 =	vadd.f32 v29, v28;
	v29 =	vadd.s32 s30, v21;
	_ =	sdelay $0x1  }
0x2b6: {  	v28 =	vadd.f32 v30, v28  }
0x2b7: {  	v30 =	vadd.s32 s30, v22  }
0x2b8: {  	[tilespmem:v31+s29+$0x0] =	vst.idx.msk $0xffff, v28  }
0x2b9: {  	v28 =	vld.idx.msk [tilespmem:v29+s2+$0x0], $0xffff  }
0x2ba: {  	v29 =	vld.idx.msk [tilespmem:v29+s24+$0x0], $0xffff;
	_ =	sdelay $0x1  }
0x2bb: {  	v31 =	vld.idx.msk [tilespmem:v30+s2+$0x0], $0xffff;
	_ =	sdelay $0x1  }
0x2bc: {  	v30 =	vld.idx.msk [tilespmem:v30+s24+$0x0], $0xffff  }
0x2bd: {  	v28 =	vmul.f32 v28, v24  }
0x2be: {  	v29 =	vmul.f32 v29, v25;
	_ =	sdelay $0x1  }
0x2bf: {  	v28 =	vadd.f32 v29, v28;
	v29 =	vmul.f32 v31, v23  }
0x2c0: {  	v31 =	vadd.s32 s30, v27;
	s30 =	sadd.s32 $0x2, s19  }
0x2c1: {  	v28 =	vadd.f32 v29, v28;
	v29 =	vmul.f32 v30, v26;
	v30 =	vadd.s32 s30, v21;
	_ =	sdelay $0x1  }
0x2c2: {  	v28 =	vadd.f32 v29, v28  }
0x2c3: {  	v29 =	vadd.s32 s30, v22  }
0x2c4: {  	[tilespmem:v31+s29+$0x0] =	vst.idx.msk $0xffff, v28  }
0x2c5: {  	v28 =	vld.idx.msk [tilespmem:v30+s2+$0x0], $0xffff  }
0x2c6: {  	v30 =	vld.idx.msk [tilespmem:v30+s24+$0x0], $0xffff;
	_ =	sdelay $0x1  }
0x2c7: {  	v31 =	vld.idx.msk [tilespmem:v29+s2+$0x0], $0xffff;
	_ =	sdelay $0x1  }
0x2c8: {  	v29 =	vld.idx.msk [tilespmem:v29+s24+$0x0], $0xffff  }
0x2c9: {  	v28 =	vmul.f32 v28, v24  }
0x2ca: {  	v30 =	vmul.f32 v30, v25;
	_ =	sdelay $0x1  }
0x2cb: {  	v28 =	vadd.f32 v30, v28;
	v30 =	vmul.f32 v31, v23  }
0x2cc: {  	v31 =	vadd.s32 s30, v27;
	s30 =	sadd.s32 $0x3, s19  }
0x2cd: {  	v28 =	vadd.f32 v30, v28;
	v29 =	vmul.f32 v29, v26;
	v30 =	vadd.s32 s30, v21;
	_ =	sdelay $0x1  }
0x2ce: {  	v28 =	vadd.f32 v29, v28  }
0x2cf: {  	v29 =	vadd.s32 s30, v22  }
0x2d0: {  	[tilespmem:v31+s29+$0x0] =	vst.idx.msk $0xffff, v28  }
0x2d1: {  	v28 =	vld.idx.msk [tilespmem:v30+s2+$0x0], $0xffff  }
0x2d2: {  	v30 =	vld.idx.msk [tilespmem:v30+s24+$0x0], $0xffff;
	_ =	sdelay $0x1  }
0x2d3: {  	v31 =	vld.idx.msk [tilespmem:v29+s2+$0x0], $0xffff;
	_ =	sdelay $0x1  }
0x2d4: {  	v29 =	vld.idx.msk [tilespmem:v29+s24+$0x0], $0xffff  }
0x2d5: {  	v28 =	vmul.f32 v28, v24  }
0x2d6: {  	v30 =	vmul.f32 v30, v25;
	_ =	sdelay $0x1  }
0x2d7: {  	v28 =	vadd.f32 v30, v28;
	v30 =	vmul.f32 v31, v23  }
0x2d8: {  	v31 =	vadd.s32 s30, v27;
	s30 =	sadd.s32 $0x4, s19  }
0x2d9: {  	v28 =	vadd.f32 v30, v28;
	v29 =	vmul.f32 v29, v26;
	v30 =	vadd.s32 s30, v21;
	_ =	sdelay $0x1  }
0x2da: {  	v28 =	vadd.f32 v29, v28  }
0x2db: {  	v29 =	vadd.s32 s30, v22  }
0x2dc: {  	[tilespmem:v31+s29+$0x0] =	vst.idx.msk $0xffff, v28  }
0x2dd: {  	v28 =	vld.idx.msk [tilespmem:v30+s2+$0x0], $0xffff  }
0x2de: {  	v30 =	vld.idx.msk [tilespmem:v30+s24+$0x0], $0xffff;
	_ =	sdelay $0x1  }
0x2df: {  	v31 =	vld.idx.msk [tilespmem:v29+s2+$0x0], $0xffff;
	_ =	sdelay $0x1  }
0x2e0: {  	v29 =	vld.idx.msk [tilespmem:v29+s24+$0x0], $0xffff  }
0x2e1: {  	v28 =	vmul.f32 v28, v24  }
0x2e2: {  	v30 =	vmul.f32 v30, v25;
	_ =	sdelay $0x1  }
0x2e3: {  	v28 =	vadd.f32 v30, v28;
	v30 =	vmul.f32 v31, v23  }
0x2e4: {  	v31 =	vadd.s32 s30, v27;
	s30 =	sadd.s32 $0x5, s19  }
0x2e5: {  	v28 =	vadd.f32 v30, v28;
	v29 =	vmul.f32 v29, v26;
	v30 =	vadd.s32 s30, v21;
	_ =	sdelay $0x1  }
0x2e6: {  	v28 =	vadd.f32 v29, v28;
	v29 =	vadd.s32 s30, v22;
	_ =	sdelay $0x1  }
0x2e7: {  	[tilespmem:v31+s29+$0x0] =	vst.idx.msk $0xffff, v28  }
0x2e8: {  	v28 =	vld.idx.msk [tilespmem:v30+s24+$0x0], $0xffff  }
0x2e9: {  	v30 =	vld.idx.msk [tilespmem:v30+s2+$0x0], $0xffff  }
0x2ea: {  	v31 =	vld.idx.msk [tilespmem:v29+s2+$0x0], $0xffff  }
0x2eb: {  	v29 =	vld.idx.msk [tilespmem:v29+s24+$0x0], $0xffff;
	_ =	sdelay $0x2  }
0x2ec: {  	v28 =	vmul.f32 v28, v25  }
0x2ed: {  	v30 =	vmul.f32 v30, v24;
	_ =	sdelay $0x1  }
0x2ee: {  	v28 =	vadd.f32 v28, v30;
	v30 =	vmul.f32 v31, v23  }
0x2ef: {  	v31 =	vadd.s32 s30, v27;
	s30 =	sadd.s32 $0x6, s19  }
0x2f0: {  	v29 =	vmul.f32 v29, v26;
	v28 =	vadd.f32 v30, v28;
	v30 =	vadd.s32 s30, v21;
	_ =	sdelay $0x1  }
0x2f1: {  	v28 =	vadd.f32 v29, v28;
	v29 =	vadd.s32 s30, v22;
	_ =	sdelay $0x1  }
0x2f2: {  	[tilespmem:v31+s29+$0x0] =	vst.idx.msk $0xffff, v28  }
0x2f3: {  	v28 =	vld.idx.msk [tilespmem:v30+s2+$0x0], $0xffff  }
0x2f4: {  	v30 =	vld.idx.msk [tilespmem:v30+s24+$0x0], $0xffff  }
0x2f5: {  	v31 =	vld.idx.msk [tilespmem:v29+s2+$0x0], $0xffff  }
0x2f6: {  	v29 =	vld.idx.msk [tilespmem:v29+s24+$0x0], $0xffff;
	_ =	sdelay $0x2  }
0x2f7: {  	v28 =	vmul.f32 v28, v24  }
0x2f8: {  	v30 =	vmul.f32 v30, v25;
	_ =	sdelay $0x1  }
0x2f9: {  	v28 =	vadd.f32 v30, v28;
	v30 =	vmul.f32 v31, v23  }
0x2fa: {  	v31 =	vadd.s32 s30, v27;
	s30 =	sadd.s32 $0x7, s19  }
.Ltmp5:
0x2fb: {  	v28 =	vadd.f32 v30, v28;
	v30 =	vmul.f32 v29, v26;
	v29 =	vadd.s32 s30, v21;
	(pc) =	sbr.rel @p1 .LBB2_10-.Ltmp5, $4  }
0x2fc: {  	_ = 	snop  }
0x2fd: {  	v30 =	vadd.f32 v30, v28  }
0x2fe: {  	v28 =	vadd.s32 s30, v22  }
0x2ff: {  	[tilespmem:v31+s29+$0x0] =	vst.idx.msk $0xffff, v30  }
0x300: {  	_ =	sdelay $0x3  }
0x301: {  	v21 =	vld.idx.msk [tilespmem:v29+s24+$0x0], $0xffff  }
0x302: {  	v22 =	vld.idx.msk [tilespmem:v29+s2+$0x0], $0xffff;
	_ =	sdelay $0x1  }
0x303: {  	v62 =	vld.idx.msk [tilespmem:v28+s2+$0x0], $0xffff;
	_ =	sdelay $0x1  }
0x304: {  	v63 =	vld.idx.msk [tilespmem:v28+s24+$0x0], $0xffff  }
0x305: {  	v22 =	vmul.f32 v22, v24;
	v21 =	vmul.f32 v21, v25;
	_ =	sdelay $0x1  }
0x306: {  	s3 =	sadd.s32 $0x1, s3;
	v21 =	vadd.f32 v21, v22;
	v22 =	vmul.f32 v62, v23  }
0x307: {  	p1 =	sne.s32 s3, $0x7;
	v23 =	vadd.s32 s30, v27  }
.Ltmp6:
0x308: {  	v21 =	vadd.f32 v22, v21;
	v22 =	vmul.f32 v63, v26;
	(pc) =	sbr.rel @p1 .LBB2_9-.Ltmp6, $3  }
0x309: {  	_ = 	snop  }
0x30a: {  	v21 =	vadd.f32 v22, v21;
	_ =	sdelay $0x1  }
0x30b: {  	[tilespmem:v23+s29+$0x0] =	vst.idx.msk $0xffff, v21  }
0x30c: {  	s3 =	sadd.s32 s18, s22  }
0x30d: {  	s15 =	sshrl.u32 s3, $0x3  }
0x30e: {  	s3 =	sshll.u32 s3, $0x7;
	s15 =	smul.u32 $0x15000, s15  }
.Ltmp7:
0x30f: {  	s3 =	sand.u32 $0x380, s3;
	(pc) =	sbr.rel @p0 .LBB2_14-.Ltmp7, $4  }
0x310: {  	s3 =	sor.u32 s3, s15  }
0x311: {  	s30 =	rddreg [dreg:$0x1];
	s3 =	sshrl.u32 s3, $0x3  }
0x312: {  	s3 =	sadd.s32 s30, s3  }
0x313: {  	[hbm4b:s3+s0] =	stream.strided.scatter [tilespmem:s29], [sflag:$0x4], $0x2A00, s25, s0, $0x38;
	[tilespmem:$0x1A800] =	vst v63  }
0x314: {  	s3 =	rddreg [dreg:$0x6]  }
0x315: {  	s3 =	sadd.s32 s6, s3  }
0x316: {  	v18 =	vmov s3  }
0x317: {  	v18 =	vcvt.s32.f32 v18;
	_ =	sdelay $0x1  }
0x318: {  	v18 =	vmul.f32 $1.801801850e-02, v18;
	_ =	sdelay $0x1  }
0x319: {  	v18 =	vadd.f32 $-1.000000000e+00, v18;
	_ =	sdelay $0x1  }
0x31a: {  	v18 =	vbroadcast v18, $0x0;
	_ =	sdelay $0x1  }
0x31b: {  	v19 =	vshrl.u32 v18, $0x10  }
0x31c: {  	v19 =	vand.u32 $0x1, v19  }
0x31d: {  	v18 =	vadd.s32 v19, v18  }
0x31e: {  	v18 =	vadd.s32 $0x7FFF, v18  }
0x31f: {  	v18 =	vand.u32 $0xFFFF0000, v18  }
0x320: {  	v18 =	vmul.f32 v18, v16;
	_ =	sdelay $0x1  }
0x321: {  	v18 =	vadd.f32 v17, v18;
	_ =	sdelay $0x1  }
0x322: {  	v18 =	vadd.f32 $1.000000000e+00, v18;
	_ =	sdelay $0x1  }
0x323: {  	v18 =	vmul.f32 $5.000000000e-01, v18;
	_ =	sdelay $0x1  }
0x324: {  	v18 =	vmul.f32 $2.240000000e+02, v18;
	_ =	sdelay $0x1  }
0x325: {  	v18 =	vtrunc.f32 v18  }
0x326: {  	v18 =	vcvt.f32.s32 v18;
	_ =	sdelay $0x1  }
0x327: {  	v19 =	vadd.s32 $0x1, v18  }
0x328: {  	vm2 =	vgt.s32 v18, $0x0;
	vm3 =	vgt.s32 v19, $0x0  }
0x329: {  	v18 =	vnsel vm2, $0x0, v18;
	v19 =	vnsel vm3, $0x0, v19  }
0x32a: {  	v18 =	vmin.u32 v18, $0xDF;
	v19 =	vmin.u32 v19, $0xDF  }
0x32b: {  	v18 =	vsel vm1, v18, v19  }
0x32c: {  	v18 =	vadd.s32 v4, v18  }
0x32d: {  	[tilespmem:$0x1A480] =	vst v18  }
0x32e: {  	v18 =	vld.msk [tilespmem:$0x1A480], $0x1;
	_ =	sdelay $0x4  }
0x32f: {  	v19 =	vshrl.u32 v18, $0x3  }
0x330: {  	v19 =	vmul.u32 $0x540, v19  }
0x331: {  	v18 =	vand.u32 $0x7, v18  }
0x332: {  	v18 =	vor.u32 v18, v19  }
0x333: {  	v18 =	vperm.xlane v18, v7;
	_ =	sdelay $0x1  }
0x334: {  	v18 =	vadd.s32 v15, v18;
	_ =	sdelay $0x4  }
0x335: {  	[tilespmem:s2], [sflag:$0x2] =	stream.indirect_vreg.gather [hbm4b:s5+s4], $0x80, v18, vm0, $0xb8;
	[tilespmem:$0x1A800] =	vst v63  }
0x336: {  	s6 =	simm.s32 $0xB000  }
0x337: {  	[tilespmem:s6], [sflag:$0x2] =	stream.indirect_vreg.gather [hbm4b:s7+s4], $0x80, v18, vm0, $0xb8;
	[tilespmem:$0x1A800] =	vst v63  }
0x338: {  	s15 =	simm.s32 $0xB800  }
0x339: {  	[tilespmem:s15], [sflag:$0x2] =	stream.indirect_vreg.gather [hbm4b:s8+s4], $0x80, v18, vm0, $0xb8;
	[tilespmem:$0x1A800] =	vst v63  }
0x33a: {  	s19 =	simm.s32 $0xC000  }
0x33b: {  	[tilespmem:s19], [sflag:$0x2] =	stream.indirect_vreg.gather [hbm4b:s9+s4], $0x80, v18, vm0, $0xb8;
	[tilespmem:$0x1A800] =	vst v63  }
0x33c: {  	s20 =	simm.s32 $0xC800  }
0x33d: {  	[tilespmem:s20], [sflag:$0x2] =	stream.indirect_vreg.gather [hbm4b:s10+s4], $0x80, v18, vm0, $0xb8;
	[tilespmem:$0x1A800] =	vst v63  }
0x33e: {  	s22 =	simm.s32 $0xD000  }
0x33f: {  	[tilespmem:s22], [sflag:$0x2] =	stream.indirect_vreg.gather [hbm4b:s11+s4], $0x80, v18, vm0, $0xb8;
	[tilespmem:$0x1A800] =	vst v63  }
0x340: {  	s6 =	simm.s32 $0xD800  }
0x341: {  	[tilespmem:s6], [sflag:$0x2] =	stream.indirect_vreg.gather [hbm4b:s12+s4], $0x80, v18, vm0, $0xb8;
	[tilespmem:$0x1A800] =	vst v63  }
0x342: {  	s15 =	simm.s32 $0xE000  }
0x343: {  	[tilespmem:s15], [sflag:$0x2] =	stream.indirect_vreg.gather [hbm4b:s13+s4], $0x80, v18, vm0, $0xb8;
	[tilespmem:$0x1A800] =	vst v63  }
0x344: {  	s19 =	simm.s32 $0xE800  }
0x345: {  	[tilespmem:s19], [sflag:$0x2] =	stream.indirect_vreg.gather [hbm4b:s14+s4], $0x80, v18, vm0, $0xb8;
	[tilespmem:$0x1A800] =	vst v63  }
0x346: {  	s20 =	simm.s32 $0xF000  }
0x347: {  	[tilespmem:s20], [sflag:$0x2] =	stream.indirect_vreg.gather [hbm4b:s16+s4], $0x80, v18, vm0, $0xb8;
	[tilespmem:$0x1A800] =	vst v63  }
0x348: {  	s22 =	simm.s32 $0xF800  }
0x349: {  	[tilespmem:s22], [sflag:$0x2] =	stream.indirect_vreg.gather [hbm4b:s17+s4], $0x80, v18, vm1, $0xb8;
	[tilespmem:$0x1A800] =	vst v63  }
0x34a: {  	v18 =	vld.msk [tilespmem:$0x1A488], $0x1;
	_ =	sdelay $0x4  }
0x34b: {  	v19 =	vshrl.u32 v18, $0x3  }
0x34c: {  	v19 =	vmul.u32 $0x540, v19  }
0x34d: {  	v18 =	vand.u32 $0x7, v18  }
0x34e: {  	v18 =	vor.u32 v18, v19  }
0x34f: {  	v18 =	vperm.xlane v18, v7;
	_ =	sdelay $0x1  }
0x350: {  	v18 =	vadd.s32 v15, v18;
	_ =	sdelay $0x4  }
0x351: {  	[tilespmem:s24], [sflag:$0x2] =	stream.indirect_vreg.gather [hbm4b:s5+s4], $0x80, v18, vm0, $0xb8;
	[tilespmem:$0x1A800] =	vst v63  }
0x352: {  	s6 =	simm.s32 $0x10400  }
0x353: {  	[tilespmem:s6], [sflag:$0x2] =	stream.indirect_vreg.gather [hbm4b:s7+s4], $0x80, v18, vm0, $0xb8;
	[tilespmem:$0x1A800] =	vst v63  }
0x354: {  	s15 =	simm.s32 $0x10C00  }
0x355: {  	[tilespmem:s15], [sflag:$0x2] =	stream.indirect_vreg.gather [hbm4b:s8+s4], $0x80, v18, vm0, $0xb8;
	[tilespmem:$0x1A800] =	vst v63  }
0x356: {  	s19 =	simm.s32 $0x11400  }
0x357: {  	[tilespmem:s19], [sflag:$0x2] =	stream.indirect_vreg.gather [hbm4b:s9+s4], $0x80, v18, vm0, $0xb8;
	[tilespmem:$0x1A800] =	vst v63  }
0x358: {  	s20 =	simm.s32 $0x11C00  }
0x359: {  	[tilespmem:s20], [sflag:$0x2] =	stream.indirect_vreg.gather [hbm4b:s10+s4], $0x80, v18, vm0, $0xb8;
	[tilespmem:$0x1A800] =	vst v63  }
0x35a: {  	s22 =	simm.s32 $0x12400  }
0x35b: {  	[tilespmem:s22], [sflag:$0x2] =	stream.indirect_vreg.gather [hbm4b:s11+s4], $0x80, v18, vm0, $0xb8;
	[tilespmem:$0x1A800] =	vst v63  }
0x35c: {  	s6 =	simm.s32 $0x12C00  }
0x35d: {  	[tilespmem:s6], [sflag:$0x2] =	stream.indirect_vreg.gather [hbm4b:s12+s4], $0x80, v18, vm0, $0xb8;
	[tilespmem:$0x1A800] =	vst v63  }
0x35e: {  	s15 =	simm.s32 $0x13400  }
0x35f: {  	[tilespmem:s15], [sflag:$0x2] =	stream.indirect_vreg.gather [hbm4b:s13+s4], $0x80, v18, vm0, $0xb8;
	[tilespmem:$0x1A800] =	vst v63  }
0x360: {  	s19 =	simm.s32 $0x13C00  }
0x361: {  	[tilespmem:s19], [sflag:$0x2] =	stream.indirect_vreg.gather [hbm4b:s14+s4], $0x80, v18, vm0, $0xb8;
	[tilespmem:$0x1A800] =	vst v63  }
.Ltmp8:
0x362: {  	_ = 	snop;
	(pc) =	sbr.rel .LBB2_2-.Ltmp8, $4  }
0x363: {  	s20 =	simm.s32 $0x14400  }
0x364: {  	[tilespmem:s20], [sflag:$0x2] =	stream.indirect_vreg.gather [hbm4b:s16+s4], $0x80, v18, vm0, $0xb8;
	[tilespmem:$0x1A800] =	vst v63  }
0x365: {  	s31 =	sadd.s32 $0x1, s31;
	s22 =	simm.s32 $0x14C00  }
0x366: {  	[tilespmem:s22], [sflag:$0x2] =	stream.indirect_vreg.gather [hbm4b:s17+s4], $0x80, v18, vm1, $0xb8;
	[tilespmem:$0x1A800] =	vst v63  }
.LBB2_15:
0x367: {  	_ =	sfence.sel $0x180000  }
0x368: {  	[bflag:$0x0] =	sbarrier.arrive $0xFFFF  }
0x369: {  	_ =	strace $0x9000004A  }
0x36a: {  	s0 =	stileid.u32;
	[bflag:$0x2] =	sbarrier.arrive $0xFFFF  }
0x36b: {  	p0 =	sne.s32 s0, $0x0;
	s0 =	rddreg [dreg:$0x2]  }
0x36c: {  	s0 =	sadd.s32 @!p0 $0x100000, s0  }
0x36d: {  	[sflag:s0] =	ssyncadd.tile.s32 @!p0 $0x1;
	_ =	shalt  }
.Lfunc_end2:
_tile_overlayer_lowered:
.L_overlay_start_2:
0x36e: {  	(tag) =	ssettag $0x2  }
0x36f: {  	s0 =	rddreg [dreg:$0x0];
	s2 =	stileid.u32  }
0x370: {  	s1 =	rddreg [dreg:$0x1];
	p0 =	sne.s32 s2, $0x0  }
0x371: {  	s3 =	rddreg [dreg:$0x2];
	[bflag:$0x3] =	sbarrier.arrive $0xFFFF;
	s2 =	simm.s32 @!p0 $0x1C05  }
0x372: {  	[timem:s3], [sflag:s2] =	dma.local @!p0 [hbm:s0], s1  }
0x373: {  	s0 =	simm.s32 @!p0 $0x5  }
0x374: {  	_ =	swait.ge @!p0 [sflag:s0], s1  }
0x375: {  	s1 =	ssub.s32 @!p0 $0x0, s1;
	[sflag:s0] =	ssyncset.done @!p0 $0x0  }
0x376: {  	[sflag:s0] =	ssyncadd.s32 @!p0 s1  }
0x377: {  	[bflag:$0x3] =	sbarrier.arrive $0xFFFF  }
0x378: {  	_ =	shalt  }

// kernel: sparse-core-data-format-call.1.cloned.1.call-start
scs
called_computation.1_lowered:
.L_overlay_start_0:
0x0: {  	s2 =	sld [smem:$0x3FD9]  }
0x1: {  	s3 =	sld [smem:$0x3FFE];
	_ =	sdelay $0x1  }
0x2: {  	s1 =	srdreg.scid  }
0x3: {  	s0 =	sand.u32 $0x1, s1  }
0x4: {  	s18 =	sshll.u32 s0, $0xA;
	s2 =	sadd.s32 s3, s2  }
0x5: {  	s2 =	sadd.s32 s2, s18  }
0x6: {  	[smem:$0x3FC5] =	sst s2  }
0x7: {  	_ = 	snop  }
0x8: {  	s2 =	sld [smem:$0x3FC9];
	(tm) =	ssettm $0x1  }
0x9: {  	s19 =	sld [smem:$0x3FFB];
	_ =	sdelay $0x3  }
0xa: {  	_ =	strace s19  }
0xb: {  	s3 =	sld [smem:$0x3FFC];
	_ =	sdelay $0x3  }
0xc: {  	_ =	strace s3  }
0xd: {  	s3 =	sld [smem:$0x3FFD];
	_ =	sdelay $0x3  }
0xe: {  	_ =	strace s3  }
0xf: {  	_ =	strace $0x8FFFFFFF  }
0x10: {  	s20 =	sld [smem:$0x3FDB];
	_ =	sdelay $0x1  }
0x11: {  	s4 =	simm.s32 $_scs_section_size  }
0x12: {  	s5 =	simm.s32 $_size__tile_overlayer_lowered;
	s6 =	simm.s32 $_tile_overlayer_lowered  }
0x13: {  	s23 =	simm.s32 $0x1BFF;
	s22 =	sshll.u32 s6, $0x1;
	s3 =	sadd.s32 s4, s20  }
0x14: {  	s7 =	simm.s32 $0x0;
	s21 =	sshll.u32 s5, $0x1;
	s5 =	sadd.s32 s22, s3  }
0x15: {  	[timem:s7], [sflag:s23] =	dma.local [hbm:s5], s21  }
0x16: {  	_ =	swait.ge [sflag:s23], s21  }
0x17: {  	s4 =	ssub.s32 $0x0, s21;
	[sflag:s23] =	ssyncset.done $0x0  }
0x18: {  	[sflag:s23] =	ssyncadd.s32 s4;
	_ =	sdelay $0x1  }
0x19: {  	s24 =	simm.s32 $0x1B8B  }
0x1a: {  	_ =	swait.ge [sflag:s24], $0x1  }
0x1b: {  	[sflag:s24] =	ssyncset.done $0x0  }
0x1c: {  	s26 =	simm.s32 $0x1B8E;
	s25 =	sld [smem:$0x3FFE];
	[sflag:s24] =	ssyncadd.s32 $0xFFFFFFFF  }
0x1d: {  	s27 =	simm.s32 $execute0_lowered;
	[smem:$0x3FD2] =	sst s26  }
0x1e: {  	s5 =	sshll.u32 s27, $0x1;
	_ =	strace $0x80000046;
	[dreg:$0x1] =	wrdreg $0xFFFFFFFF  }
0x1f: {  	s28 =	simm.s32 $_size_execute0_lowered;
	s3 =	sadd.s32 s3, s5;
	[dreg:$0x0] =	wrdreg $0x0  }
0x20: {  	s5 =	sshll.u32 s28, $0x1;
	[dreg:$0x2] =	wrdreg s3  }
0x21: {  	[dreg:$0x3] =	wrdreg s5  }
0x22: {  	[dreg:$0x4] =	wrdreg $0xC0  }
0x23: {  	_ =	task [dreg:s7], $0x5FFFF  }
0x24: {  	[dreg:$0x1] =	wrdreg $0xFFFFFFFF  }
0x25: {  	[dreg:$0x0] =	wrdreg $0x60  }
0x26: {  	[dreg:$0x2] =	wrdreg s2  }
0x27: {  	[dreg:$0x3] =	wrdreg s25  }
0x28: {  	[dreg:$0x4] =	wrdreg $0x9  }
0x29: {  	_ =	task.clear_ibuf [dreg:s7], $0x5FFFF;
	_ =	strace $0x90000046  }
0x2a: {  	s29 =	simm.s32 $0x9;
	_ =	strace $0x80000048  }
0x2b: {  	_ =	swait.ge [sflag:s29], $0x1  }
0x2c: {  	[sflag:s29] =	ssyncadd.s32 $0xFFFFFFFF  }
0x2d: {  	_ =	strace $0x90000048  }
0x2e: {  	_ =	sfence  }
0x2f: {  	s30 =	sld [smem:$0x0];
	_ =	sdelay $0x2  }
0x30: {  	s31 =	sshll.u32 s1, $0xD;
	s1 =	sshrl.u32 s1, $0x2  }
0x31: {  	s3 =	sand.u32 $0x4000, s31;
	s1 =	sadd.s32 s1, s30  }
0x32: {  	s0 =	sor.u32 s3, s0;
	s1 =	sshll.u32 s1, $0x11  }
0x33: {  	s0 =	sor.u32 s1, s0  }
0x34: {  	s0 =	sadd.s32 $0x8F2B, s0  }
0x35: {  	[sflag:s0] =	ssyncadd.remote.s32 $0x1  }
0x36: {  	_ =	sfence.sel $0xFFFF  }
0x37: {  	[dreg:$0x0] =	wrdreg $0xFFFFFFFF;
	(pc) =	sbr.abs _section_cstart, $3  }
0x38: {  	[dreg:$0x1] =	wrdreg $0xFFFFFFFF  }
0x39: {  	_ =	task.clear_ibuf [dreg:s7], $0x2FFFF;
	_ =	strace $0x9FFFFFFF  }
0x3a: {  	(tm) =	ssettm $0x7FFFFFFF  }
0x3b: {  	_ =	shalt  }
tec
execute0_lowered:
.L_overlay_start_1:
0x0: {  	(tag) =	ssettag $0x1  }
0x1: {  	s0 =	rddreg [dreg:$0x1]  }
0x2: {  	s1 =	srdreg.scid;
	_ =	strace $0x80000047;
	s2 =	stileid.u32  }
0x3: {  	s30 =	simm.s32 $0x1;
	s31 =	simm.s32 $0x2;
	s20 =	simm.s32 $0x0  }
0x4: {  	s19 =	simm.s32 $0x0;
	s21 =	simm.s32 $0x0;
	s22 =	simm.s32 $0x0  }
0x5: {  	s10 =	simm.s32 $0x0;
	s11 =	simm.s32 $0x0;
	s13 =	simm.s32 $0x0  }
0x6: {  	s15 =	simm.s32 $0x0;
	s14 =	simm.s32 $0x0;
	s16 =	simm.s32 $0x0  }
.Ltmp0:
0x7: {  	s0 =	sadd.s32 $0x1000, s0;
	s29 =	sshll.u32 s1, $0x4;
	(pc) =	sbr.rel .LBB1_1-.Ltmp0, $4  }
0x8: {  	s12 =	simm.s32 $0x0;
	[dreg:$0x3] =	wrdreg s0;
	s0 =	sand.u32 $0x10, s29  }
0x9: {  	[sflag:s30] =	ssyncpa.u1 $0x0;
	s8 =	sand.u32 $0x7, s2;
	s0 =	sor.u32 s2, s0  }
0xa: {  	[sflag:s31] =	ssyncpa.u1 $0x0;
	[dreg:$0x4] =	wrdreg s8;
	s9 =	sshrl.u32 s0, $0x3  }
0xb: {  	s18 =	smov.u32 s8;
	s17 =	smov.u32 s9;
	[dreg:$0x5] =	wrdreg s9  }
.LBB1_18:
0xc: {  	s10 =	rddreg [dreg:$0x6]  }
0xd: {  	s11 =	rddreg [dreg:$0x7]  }
0xe: {  	s3 =	rddreg [dreg:$0x14]  }
0xf: {  	s4 =	rddreg [dreg:$0x15]  }
0x10: {  	s5 =	rddreg [dreg:$0x13]  }
0x11: {  	s15 =	rddreg [dreg:$0xb]  }
0x12: {  	s13 =	rddreg [dreg:$0x9]  }
0x13: {  	s6 =	rddreg [dreg:$0x3]  }
0x14: {  	s30 =	rddreg [dreg:$0x16]  }
0x15: {  	s8 =	rddreg [dreg:$0x4]  }
0x16: {  	s9 =	rddreg [dreg:$0x5]  }
0x17: {  	s12 =	rddreg [dreg:$0x8]  }
0x18: {  	s14 =	rddreg [dreg:$0xa]  }
0x19: {  	s16 =	rddreg [dreg:$0xc]  }
0x1a: {  	s17 =	rddreg [dreg:$0xd]  }
0x1b: {  	s18 =	rddreg [dreg:$0xe]  }
0x1c: {  	s19 =	rddreg [dreg:$0xf]  }
0x1d: {  	s20 =	rddreg [dreg:$0x10]  }
0x1e: {  	s21 =	rddreg [dreg:$0x11]  }
0x1f: {  	s22 =	rddreg [dreg:$0x12];
	s0 =	sshll.u32 s10, $0x7;
	s1 =	sshll.u32 s11, $0x3  }
0x20: {  	p0 =	sgt.s32 s11, $0x0;
	s2 =	sand.u32 $0xFFFFFC00, s0;
	s1 =	sand.u32 $0xFFFFFC00, s1  }
0x21: {  	s25 =	smul.u32 $0xC4000, s15;
	s0 =	sand.u32 $0x380, s0;
	s1 =	sadd.s32 s1, s2  }
0x22: {  	s26 =	smul.u32 $0xE00, s13;
	s2 =	smov.u32 s11;
	s0 =	sor.u32 s0, s1  }
0x23: {  	s2 =	simm.s32 @!p0 $0x0;
	p0 =	sgt.s32 s10, $0x60;
	s0 =	sshrl.u32 s0, $0x7  }
0x24: {  	s2 =	sadd.s32 s2, s3;
	s3 =	smov.u32 s10;
	s24 =	smulhi.u32 $0x2492493, s0  }
0x25: {  	s3 =	simm.s32 @!p0 $0x60;
	p0 =	sgt.s32 s2, $0x7F;
	s2 =	ssub.s32 $0x80, s2  }
0x26: {  	s27 =	sshrl.u32 s11, $0x3;
	s3 =	sadd.s32 s4, s3;
	s2 =	simm.s32 @p0 $0x0  }
0x27: {  	s1 =	sshrl.u32 s24, $0x1;
	s4 =	sadd.s32 $0xFFFFFFA0, s3;
	s2 =	smul.u32 s5, s2  }
0x28: {  	s3 =	ssub.s32 $0xE0, s3;
	s1 =	smul.u32 $0xE0, s1;
	p0 =	sgt.s32 s4, $0x7F  }
0x29: {  	s28 =	sand.u32 $0xF, s27;
	s4 =	sadd.s32 s6, s25;
	s3 =	simm.s32 @p0 $0x0  }
0x2a: {  	s29 =	sadd.s32 s26, s4;
	s2 =	smul.u32 s3, s2;
	s0 =	ssub.s32 s0, s1  }
0x2b: {  	s31 =	sand.u32 $0x7, s11;
	s1 =	sadd.s32 s28, s29;
	s0 =	sshll.u32 s0, $0x4  }
0x2c: {  	s3 =	sor.u32 $0x8000, s30;
	s2 =	sand.u32 $0x3FFFFFFF, s2;
	s0 =	sadd.s32 s0, s1  }
0x2d: {  	[hbm4b:s0+s31] =	stream.linear.scatter [tilespmem:s3], [sflag:$0x2], s2, $0x20;
	[tilespmem:$0x10100] =	vst v63  }
.LBB1_19:
0x2e: {  	p0 =	slt.u32 s12, $0x2  }
0x2f: {  	s0 =	smov.u32 s22;
	s4 =	sadd.s32 $0x80, s16;
	s5 =	smov.u32 s16  }
0x30: {  	s12 =	sadd.s32 $0x1, s12;
	p1 =	sgt.s32 @!p0 s22, $0x7;
	s1 =	sshra.s32 @!p0 s22, $0x1F  }
0x31: {  	s2 =	sshra.s32 @!p0 s21, $0x1F;
	p2 =	sgt.s32 @!p0 s20, $0x60;
	p1 =	por !p1, p0  }
0x32: {  	s1 =	sand.u32 @!p0 s1, s22;
	s2 =	sand.u32 @!p0 s2, s21;
	p2 =	por !p2, p0  }
0x33: {  	s22 =	smov.u32 s15;
	s0 =	simm.s32 @p1 $0x7;
	p1 =	sgt.s32 @!p0 s21, $0xDF  }
0x34: {  	s0 =	ssub.s32 @!p0 s0, s1;
	p1 =	por !p1, p0;
	s1 =	smov.u32 s21  }
0x35: {  	s3 =	sadd.s32 @!p0 $0xFFFFFFF9, s0;
	s1 =	simm.s32 @p1 $0xDF;
	s0 =	ssub.s32 @!p0 $0x8, s0  }
0x36: {  	p1 =	sgt.s32 @!p0 s3, $0x0;
	s1 =	ssub.s32 @!p0 s1, s2;
	s3 =	sshra.s32 @!p0 s20, $0x1F  }
0x37: {  	p1 =	por !p1, p0;
	s2 =	sadd.s32 @!p0 $0xFFFFFF21, s1;
	s1 =	ssub.s32 @!p0 $0xE0, s1  }
0x38: {  	s0 =	simm.s32 @!p1 $0x0;
	p1 =	sgt.s32 @!p0 s2, $0x0;
	s2 =	smov.u32 s20  }
0x39: {  	s3 =	sand.u32 @!p0 s3, s20;
	p1 =	por !p1, p0;
	s2 =	simm.s32 @p2 $0x60  }
0x3a: {  	s1 =	simm.s32 @!p1 $0x0;
	s2 =	ssub.s32 @!p0 s2, s3;
	s3 =	ssub.s32 @!p0 $0x0, s19  }
0x3b: {  	s0 =	smul.u32 @!p0 s0, s1;
	s1 =	sadd.s32 @!p0 $0xFFFFFFA0, s2;
	s3 =	smin.u32 @!p0 s19, s3  }
0x3c: {  	p1 =	sgt.s32 @!p0 s1, $0x7F;
	s1 =	ssub.s32 @!p0 $0xE0, s2;
	p2 =	sgt.s32 @!p0 s3, $0x7F  }
0x3d: {  	s2 =	ssub.s32 @!p0 $0x80, s3;
	s3 =	sadd.s32 $0x80, s14;
	p2 =	por !p2, p0  }
0x3e: {  	p1 =	por !p1, p0;
	s2 =	simm.s32 @!p2 $0x0;
	p2 =	sgt.s32 s3, $0xDF  }
0x3f: {  	s1 =	simm.s32 @!p1 $0x0;
	s0 =	smul.u32 @!p0 s2, s0;
	s5 =	smov.u32 @p2 s4  }
0x40: {  	s2 =	sadd.s32 $0x4, s17;
	s4 =	smov.u32 s17;
	p1 =	sgt.s32 s5, $0x5F  }
0x41: {  	s3 =	simm.s32 @p2 $0x0;
	s0 =	smul.u32 @!p0 s1, s0;
	s4 =	smov.u32 @p1 s2  }
0x42: {  	s1 =	sadd.s32 $0x8, s18;
	s2 =	smov.u32 s18;
	p2 =	sgt.s32 s4, $0xDF  }
0x43: {  	s15 =	smov.u32 s18;
	s21 =	smov.u32 s13;
	s2 =	smov.u32 @p2 s1  }
0x44: {  	s13 =	smov.u32 s17;
	s5 =	simm.s32 @p1 $0x0;
	p1 =	sgt.s32 s2, $0x7  }
0x45: {  	s20 =	smov.u32 s10;
	s2 =	smov.u32 @p1 s8;
	p1 =	sne.s32 s12, $0x72  }
.Ltmp1:
0x46: {  	s10 =	smov.u32 s14;
	s19 =	smov.u32 s11;
	(pc) =	sbr.rel @!p1 .LBB1_20-.Ltmp1, $4  }
0x47: {  	s11 =	smov.u32 s16;
	s0 =	sand.u32 @!p0 $0x3FFFFFFF, s0;
	s1 =	simm.s32 @!p0 $0x2  }
0x48: {  	s14 =	smov.u32 s3;
	s16 =	smov.u32 s5;
	_ =	swait.ge @!p0 [sflag:s1], s0  }
0x49: {  	s4 =	smov.u32 @p2 s9;
	s0 =	ssub.s32 @!p0 $0x0, s0;
	[sflag:s1] =	ssyncset.done @!p0 $0x0  }
0x4a: {  	s17 =	smov.u32 s4;
	[sflag:s1] =	ssyncadd.s32 @!p0 s0;
	s18 =	smov.u32 s2  }
.LBB1_1:
0x4b: {  	p0 =	sgt.u32 s12, $0x6F  }
.Ltmp2:
0x4c: {  	_ = 	snop;
	(pc) =	sbr.rel @p0 .LBB1_3-.Ltmp2, $1  }
0x4d: {  	_ =	sdelay $0x3  }
0x4e: {  	s0 =	sand.u32 $0x78, s14;
	s1 =	sshll.u32 s16, $0x8;
	s2 =	sshll.u32 s14, $0x3  }
0x4f: {  	s3 =	sshll.u32 s16, $0x7;
	p0 =	sgt.s32 s18, $0x7;
	s26 =	sshra.s32 s18, $0x1F  }
0x50: {  	s4 =	smov.u32 s17;
	s5 =	sshra.s32 s17, $0x1F;
	s29 =	sshra.s32 s16, $0x1F  }
0x51: {  	s31 =	sshra.s32 s14, $0x1F;
	s24 =	smul.u32 $0xA8000, s18;
	s1 =	sand.u32 $0xFFFFF800, s1  }
0x52: {  	s2 =	sand.u32 $0xFFFFFC00, s2;
	s25 =	sand.u32 $0x300, s3;
	s3 =	sand.u32 $0x80, s3  }
0x53: {  	s27 =	sand.u32 s5, s17;
	s30 =	sand.u32 s29, s16;
	s1 =	sadd.s32 s1, s2  }
0x54: {  	s0 =	sor.u32 s0, s3;
	s2 =	smov.u32 s18;
	s3 =	sand.u32 s26, s18  }
0x55: {  	s1 =	sor.u32 s25, s1;
	s2 =	simm.s32 @!p0 $0x7;
	p0 =	sgt.s32 s17, $0xDF  }
0x56: {  	s25 =	smul.u32 $0xC00, s17;
	s0 =	sshrl.u32 s0, $0x3;
	s1 =	sshrl.u32 s1, $0x8  }
0x57: {  	s2 =	ssub.s32 s2, s3;
	s4 =	simm.s32 @!p0 $0xDF;
	s28 =	smulhi.u32 $0x2AAAAAB, s1  }
0x58: {  	s6 =	sadd.s32 $0xFFFFFFF9, s2;
	s3 =	ssub.s32 s4, s27;
	s2 =	ssub.s32 $0x8, s2  }
0x59: {  	s27 =	rddreg [dreg:$0x0];
	p0 =	sgt.s32 s6, $0x0;
	s4 =	sadd.s32 $0xFFFFFF21, s3  }
0x5a: {  	s3 =	ssub.s32 $0xE0, s3;
	s6 =	sand.u32 s31, s14;
	s31 =	simm.s32 $0x800  }
0x5b: {  	s2 =	simm.s32 @p0 $0x0;
	p0 =	sgt.s32 s4, $0x0;
	s4 =	smov.u32 s16  }
0x5c: {  	s5 =	smul.u32 $0x60, s28;
	s3 =	simm.s32 @p0 $0x0;
	p0 =	sgt.s32 s16, $0xFFFFFFE0  }
0x5d: {  	s28 =	sand.u32 $0x7, s14;
	s2 =	smul.u32 s2, s3;
	s4 =	simm.s32 @!p0 $0xFFFFFFE0  }
0x5e: {  	p0 =	sgt.s32 s14, $0x80;
	s3 =	ssub.s32 s4, s30;
	s4 =	smov.u32 s14  }
0x5f: {  	s29 =	sshll.u32 s28, $0x12;
	s7 =	sadd.s32 $0x20, s3;
	s4 =	simm.s32 @!p0 $0x80  }
0x60: {  	s3 =	ssub.s32 $0x60, s3;
	p0 =	sgt.s32 s7, $0x7F;
	s4 =	ssub.s32 s4, s6  }
0x61: {  	s1 =	ssub.s32 s1, s5;
	s3 =	simm.s32 @p0 $0x0;
	s23 =	sadd.s32 $0xFFFFFF80, s4  }
0x62: {  	s2 =	smul.u32 s3, s2;
	p0 =	sgt.s32 s23, $0x7F;
	s3 =	ssub.s32 $0x100, s4  }
0x63: {  	s1 =	sshll.u32 s1, $0x5;
	s4 =	sadd.s32 s27, s24;
	s3 =	simm.s32 @p0 $0x0  }
0x64: {  	s7 =	sxor.u32 $0xFFFFFFFF, s12;
	s4 =	sadd.s32 s25, s4;
	s2 =	smul.u32 s3, s2  }
0x65: {  	s30 =	sor.u32 $0x400, s29;
	s6 =	sshll.u32 s7, $0xE;
	s0 =	sadd.s32 s0, s4  }
0x66: {  	s26 =	sand.u32 $0x4000, s6;
	s0 =	sadd.s32 s1, s0;
	s2 =	sand.u32 $0x3FFFFFFF, s2  }
0x67: {  	[tilespmem:s26], [sflag:$0x1] =	stream.strided.gather [hbm4b:s0+s30], s2, s31, s30, $0x38;
	[tilespmem:$0x10100] =	vst v63  }
.LBB1_3:
0x68: {  	p0 =	seq.s32 s12, $0x0  }
0x69: {  	p1 =	seq.s32 @!p0 s12, $0x71  }
0x6a: {  	p0 =	por p0, p1  }
.Ltmp3:
0x6b: {  	_ = 	snop;
	(pc) =	sbr.rel @p0 .LBB1_19-.Ltmp3, $1  }
0x6c: {  	_ =	sdelay $0x3  }
0x6d: {  	[dreg:$0x12] =	wrdreg s22  }
0x6e: {  	[dreg:$0x11] =	wrdreg s21  }
0x6f: {  	[dreg:$0x10] =	wrdreg s20  }
0x70: {  	[dreg:$0xf] =	wrdreg s19  }
0x71: {  	[dreg:$0xe] =	wrdreg s18  }
0x72: {  	[dreg:$0xd] =	wrdreg s17  }
0x73: {  	[dreg:$0xc] =	wrdreg s16  }
0x74: {  	[dreg:$0xa] =	wrdreg s14;
	p0 =	sgt.s32 s15, $0x7;
	s0 =	smov.u32 s15  }
0x75: {  	s1 =	sshra.s32 s15, $0x1F;
	s2 =	sshra.s32 s13, $0x1F;
	s19 =	ssub.s32 $0x0, s11  }
0x76: {  	s20 =	sshra.s32 s11, $0x1F;
	p1 =	sgt.s32 s11, $0xFFFFFFE0;
	s4 =	smov.u32 s11  }
0x77: {  	s23 =	ssub.s32 $0x0, s10;
	s24 =	sshra.s32 s10, $0x1F;
	s0 =	simm.s32 @!p0 $0x7  }
0x78: {  	s1 =	sand.u32 s1, s15;
	p0 =	sgt.s32 s13, $0xDF;
	s2 =	sand.u32 s2, s13  }
0x79: {  	s4 =	simm.s32 @!p1 $0xFFFFFFE0;
	s0 =	ssub.s32 s0, s1;
	s1 =	smov.u32 s13  }
0x7a: {  	s3 =	sadd.s32 $0xFFFFFFF9, s0;
	s1 =	simm.s32 @!p0 $0xDF;
	s0 =	ssub.s32 $0x8, s0  }
0x7b: {  	p0 =	sgt.s32 s3, $0x0;
	s1 =	ssub.s32 s1, s2;
	s2 =	sand.u32 s19, s20  }
0x7c: {  	s3 =	smov.u32 s10;
	s5 =	sadd.s32 $0xFFFFFF21, s1;
	s1 =	ssub.s32 $0xE0, s1  }
0x7d: {  	[dreg:$0x14] =	wrdreg s2;
	s2 =	sadd.s32 s2, s4;
	s0 =	simm.s32 @p0 $0x0  }
0x7e: {  	p1 =	sgt.s32 s5, $0x0;
	s21 =	sadd.s32 $0x20, s2;
	s2 =	ssub.s32 $0x60, s2  }
0x7f: {  	s1 =	simm.s32 @p1 $0x0;
	p0 =	sgt.s32 s21, $0x7F;
	p1 =	sgt.s32 s10, $0x80  }
0x80: {  	s22 =	smul.u32 s0, s1;
	s0 =	sand.u32 s23, s24;
	s3 =	simm.s32 @!p1 $0x80  }
0x81: {  	s2 =	simm.s32 @p0 $0x0;
	[dreg:$0x15] =	wrdreg s0;
	s0 =	sadd.s32 s0, s3  }
0x82: {  	[dreg:$0x6] =	wrdreg s10;
	s25 =	smul.u32 s2, s22;
	s26 =	sadd.s32 $0xFFFFFF80, s0  }
0x83: {  	s0 =	ssub.s32 $0x100, s0;
	s2 =	sadd.s32 $0x1, s15;
	p0 =	sgt.s32 s26, $0x7F  }
0x84: {  	s3 =	sadd.s32 $0x1, s13;
	s0 =	simm.s32 @p0 $0x0;
	p0 =	slt.s32 s2, $0x8  }
0x85: {  	[dreg:$0xb] =	wrdreg s15;
	s2 =	simm.s32 @!p0 $0x8;
	p0 =	slt.s32 s3, $0xE0  }
0x86: {  	s1 =	sadd.s32 $0x80, s11;
	s2 =	ssub.s32 s2, s15;
	s3 =	simm.s32 @!p0 $0xE0  }
0x87: {  	p1 =	slt.s32 s1, $0x60;
	s3 =	ssub.s32 s3, s13;
	p0 =	slt.s32 s2, $0x1  }
0x88: {  	[dreg:$0x9] =	wrdreg s13;
	s1 =	simm.s32 @!p1 $0x60;
	p1 =	slt.s32 @!p0 s3, $0x1  }
0x89: {  	[dreg:$0x7] =	wrdreg s11;
	s27 =	ssub.s32 s1, s11;
	p1 =	por p0, p1  }
0x8a: {  	[dreg:$0x8] =	wrdreg s12;
	p2 =	slt.s32 @!p1 s27, $0x1  }
0x8b: {  	[dreg:$0x13] =	wrdreg s22;
	s0 =	smul.u32 s0, s25;
	p1 =	por p1, p2  }
.Ltmp4:
0x8c: {  	s29 =	simm.s32 $0x1;
	[dreg:$0x17] =	wrdreg s2;
	(pc) =	sbr.rel @p1 .LBB1_18-.Ltmp4, $4  }
0x8d: {  	s28 =	sand.u32 $0x3FFFFFFF, s0;
	s0 =	sand.u32 $0x1, s12;
	[dreg:$0x18] =	wrdreg s3  }
0x8e: {  	s31 =	smul.u32 $0x4080, s0;
	_ =	swait.ge [sflag:s29], s28  }
0x8f: {  	s30 =	ssub.s32 $0x0, s28;
	[sflag:s29] =	ssyncset.done $0x0  }
0x90: {  	[dreg:$0x16] =	wrdreg s31;
	[sflag:s29] =	ssyncadd.s32 s30  }
0x91: {  	s2 =	rddreg [dreg:$0x6]  }
0x92: {  	s1 =	sadd.s32 $0x80, s2  }
0x93: {  	p1 =	slt.s32 s1, $0xE0  }
0x94: {  	s1 =	simm.s32 @!p1 $0xE0  }
.Ltmp5:
0x95: {  	s1 =	ssub.s32 s1, s2;
	(pc) =	sbr.rel .LBB1_6-.Ltmp5, $4  }
0x96: {  	s30 =	sshll.u32 @!p0 s0, $0xE;
	s0 =	rddreg [dreg:$0x16];
	s2 =	sadd.s32 $0xF, s1  }
0x97: {  	s31 =	sor.u32 @!p0 $0x8000, s0;
	s28 =	sand.u32 $0xFFFFFFF0, s2  }
0x98: {  	s29 =	sand.u32 @!p0 $0xFFFFFF00, s2;
	s1 =	sshll.u32 s2, $0x3;
	p0 =	slt.s32 s2, $0x100  }
0x99: {  	s0 =	sand.u32 $0xFFFFF800, s1;
	s1 =	simm.s32 $0x0;
	p1 =	sge.s32 s29, s28  }
.LBB1_17:
0x9a: {  	s1 =	sadd.s32 $0x1, s1;
	s2 =	rddreg [dreg:$0x17]  }
0x9b: {  	p2 =	sne.s32 s1, s2  }
.Ltmp6:
0x9c: {  	_ = 	snop;
	(pc) =	sbr.rel @!p2 .LBB1_18-.Ltmp6, $1  }
0x9d: {  	_ =	sdelay $0x3  }
.LBB1_6:
.Ltmp7:
0x9e: {  	(pc) =	sbr.rel .LBB1_7-.Ltmp7, $2  }
0x9f: {  	_ =	sdelay $0x2  }
0xa0: {  	s2 =	simm.s32 $0x0  }
.LBB1_16:
0xa1: {  	s2 =	sadd.s32 $0x1, s2;
	s3 =	rddreg [dreg:$0x18]  }
0xa2: {  	p2 =	sne.s32 s2, s3  }
.Ltmp8:
0xa3: {  	_ = 	snop;
	(pc) =	sbr.rel @!p2 .LBB1_17-.Ltmp8, $1  }
0xa4: {  	_ =	sdelay $0x3  }
.LBB1_7:
.Ltmp9:
0xa5: {  	s3 =	sadd.s32 s1, s2;
	(pc) =	sbr.rel .LBB1_8-.Ltmp9, $3  }
0xa6: {  	s4 =	sshll.u32 s3, $0x10;
	s3 =	smul.u32 $0x10200, s3;
	_ =	sdelay $0x1  }
0xa7: {  	s5 =	simm.s32 $0x400;
	s4 =	sshra.s32 s4, $0x2;
	s3 =	sshra.s32 s3, $0x2  }
0xa8: {  	s7 =	sadd.s32 s4, s30;
	s4 =	simm.s32 $0x0;
	s3 =	sadd.s32 s3, s31  }
.LBB1_15:
0xa9: {  	s4 =	sadd.s32 $0x1, s4  }
0xaa: {  	p2 =	sne.s32 s4, s27  }
.Ltmp10:
0xab: {  	_ = 	snop;
	(pc) =	sbr.rel @!p2 .LBB1_16-.Ltmp10, $2  }
0xac: {  	_ =	sdelay $0x2  }
0xad: {  	s5 =	sadd.s32 $0x80, s5  }
.LBB1_8:
.Ltmp11:
0xae: {  	(pc) =	sbr.rel @p0 .LBB1_12-.Ltmp11, $2  }
0xaf: {  	_ =	sdelay $0x2  }
0xb0: {  	s6 =	sshll.u32 s4, $0x7;
	s24 =	sand.u32 $0x7F, s4  }
0xb1: {  	s10 =	sshll.u32 s4, $0x3  }
0xb2: {  	s13 =	sand.u32 $0x380, s6;
	s8 =	sshrl.u32 s10, $0x7;
	s9 =	sadd.s32 $0x800, s10  }
0xb3: {  	s15 =	sadd.s32 $0x1000, s10;
	s18 =	sadd.s32 $0x1800, s10;
	s20 =	sadd.s32 $0x2800, s10  }
0xb4: {  	s26 =	sadd.s32 $0x3000, s10;
	s10 =	sadd.s32 $0x3800, s10;
	s11 =	sand.u32 $0x78, s8  }
0xb5: {  	s9 =	sshrl.u32 s9, $0x7;
	s17 =	sshrl.u32 s15, $0x7;
	s15 =	sshrl.u32 s18, $0x7  }
0xb6: {  	s25 =	sshrl.u32 s20, $0x7;
	s12 =	smul.u32 $0x204, s11;
	s9 =	sand.u32 $0x78, s9  }
0xb7: {  	s10 =	sshrl.u32 s10, $0x7;
	s11 =	sxor.u32 $0x40, s11;
	s14 =	smul.u32 $0x204, s9  }
0xb8: {  	s16 =	sadd.s32 $0x10, s8;
	s10 =	sand.u32 $0x78, s10;
	s11 =	smul.u32 $0x204, s11  }
0xb9: {  	s9 =	sadd.s32 s13, s7;
	s13 =	sand.u32 $0x78, s17;
	s10 =	smul.u32 $0x204, s10  }
0xba: {  	s19 =	sand.u32 $0x78, s15;
	s12 =	sshrl.u32 s12, $0x2;
	s13 =	smul.u32 $0x204, s13  }
0xbb: {  	v0 =	vmov s9;
	s9 =	sand.u32 $0x3C00, s5;
	s12 =	sadd.s32 s12, s3;
	s14 =	sshrl.u32 s14, $0x2  }
0xbc: {  	s11 =	sshrl.u32 s11, $0x2;
	s10 =	sshrl.u32 s10, $0x2;
	s14 =	sadd.s32 s14, s3  }
0xbd: {  	s21 =	sadd.s32 s24, s12;
	s13 =	sshrl.u32 s13, $0x2;
	s12 =	smul.u32 $0x204, s19  }
0xbe: {  	s11 =	sadd.s32 s11, s3;
	s19 =	sadd.s32 $0x20, s8;
	s13 =	sadd.s32 s13, s3  }
0xbf: {  	s23 =	sadd.s32 s24, s13;
	s12 =	sshrl.u32 s12, $0x2;
	s13 =	sand.u32 $0x78, s25  }
0xc0: {  	s22 =	sadd.s32 s24, s14;
	s12 =	sadd.s32 s12, s3;
	s13 =	smul.u32 $0x204, s13  }
0xc1: {  	s17 =	sadd.s32 s24, s11;
	s18 =	sadd.s32 s24, s12;
	s12 =	sshrl.u32 s26, $0x7  }
0xc2: {  	s25 =	sadd.s32 $0x30, s8;
	s14 =	sshrl.u32 s13, $0x2;
	s11 =	sand.u32 $0x78, s12  }
0xc3: {  	s12 =	sadd.s32 s14, s3;
	s15 =	smul.u32 $0x204, s11;
	s14 =	sand.u32 $0x78, s19  }
0xc4: {  	s11 =	sadd.s32 s24, s12;
	s12 =	sand.u32 $0x78, s16;
	s14 =	smul.u32 $0x204, s14  }
0xc5: {  	s26 =	sadd.s32 $0x50, s8;
	s16 =	sadd.s32 $0x60, s8;
	s12 =	smul.u32 $0x204, s12  }
0xc6: {  	s8 =	sadd.s32 $0x70, s8;
	s13 =	sshrl.u32 s15, $0x2;
	s15 =	sand.u32 $0x78, s26  }
0xc7: {  	s16 =	sand.u32 $0x78, s16;
	s15 =	smul.u32 $0x204, s15;
	s12 =	sshrl.u32 s12, $0x2  }
0xc8: {  	s16 =	smul.u32 $0x204, s16;
	s20 =	sadd.s32 s12, s3;
	s12 =	sand.u32 $0x78, s25  }
0xc9: {  	s10 =	sadd.s32 s10, s3;
	s8 =	sand.u32 $0x78, s8;
	s12 =	smul.u32 $0x204, s12  }
0xca: {  	s19 =	sadd.s32 s24, s10;
	s14 =	sshrl.u32 s14, $0x2;
	s26 =	smul.u32 $0x204, s8  }
0xcb: {  	v1 =	vld.idx.msk [tilespmem:v0+s9+$0x0 ss:$0x1], $0xffff;
	s14 =	sadd.s32 s14, s3;
	s15 =	sshrl.u32 s15, $0x2;
	s12 =	sshrl.u32 s12, $0x2  }
0xcc: {  	s16 =	sshrl.u32 s16, $0x2;
	s10 =	sadd.s32 s15, s3;
	s25 =	sadd.s32 s12, s3  }
0xcd: {  	s12 =	sadd.s32 s24, s20;
	s8 =	sadd.s32 s24, s25;
	s25 =	sshrl.u32 s26, $0x2  }
0xce: {  	s20 =	sadd.s32 s24, s14;
	s14 =	sadd.s32 s16, s3;
	s26 =	sadd.s32 s25, s3  }
0xcf: {  	s16 =	sadd.s32 s24, s14;
	s14 =	sadd.s32 s24, s26;
	s26 =	sadd.s32 $0xFFFFFC00, s5  }
0xd0: {  	[tilespmem:s21+$0x0 ss:$0x81] =	vst.msk $0xffff, v1;
	v1 =	vld.idx.msk [tilespmem:v0+s9+$0x20 ss:$0x1], $0xffff;
	s15 =	sadd.s32 s24, s10;
	s10 =	sand.u32 $0x3C00, s26  }
0xd1: {  	v2 =	vld.idx.msk [tilespmem:v0+s10+$0x70 ss:$0x1], $0xffff  }
0xd2: {  	v3 =	vld.idx.msk [tilespmem:v0+s10+$0x0 ss:$0x1], $0xffff  }
0xd3: {  	v4 =	vld.idx.msk [tilespmem:v0+s10+$0x10 ss:$0x1], $0xffff  }
0xd4: {  	v5 =	vld.idx.msk [tilespmem:v0+s10+$0x20 ss:$0x1], $0xffff  }
0xd5: {  	v6 =	vld.idx.msk [tilespmem:v0+s10+$0x30 ss:$0x1], $0xffff  }
0xd6: {  	v7 =	vld.idx.msk [tilespmem:v0+s10+$0x40 ss:$0x1], $0xffff;
	[tilespmem:s19+$0x0 ss:$0x81] =	vst.msk $0xffff, v2  }
0xd7: {  	v8 =	vld.idx.msk [tilespmem:v0+s10+$0x50 ss:$0x1], $0xffff;
	[tilespmem:s21+$0x0 ss:$0x81] =	vst.msk $0xffff, v3  }
0xd8: {  	p2 =	sgt.s32 s29, $0x100;
	v9 =	vld.idx.msk [tilespmem:v0+s10+$0x60 ss:$0x1], $0xffff;
	[tilespmem:s22+$0x0 ss:$0x81] =	vst.msk $0xffff, v4  }
.Ltmp12:
0xd9: {  	v4 =	vld.idx.msk [tilespmem:v0+s9+$0x10 ss:$0x1], $0xffff;
	[tilespmem:s23+$0x0 ss:$0x81] =	vst.msk $0xffff, v5;
	(pc) =	sbr.rel @!p2 .LBB1_11-.Ltmp12, $4  }
0xda: {  	[tilespmem:s18+$0x0 ss:$0x81] =	vst.msk $0xffff, v6;
	v2 =	vld.idx.msk [tilespmem:v0+s9+$0x30 ss:$0x1], $0xffff  }
0xdb: {  	s13 =	sadd.s32 s13, s3;
	[tilespmem:s17+$0x0 ss:$0x81] =	vst.msk $0xffff, v7;
	v3 =	vld.idx.msk [tilespmem:v0+s9+$0x40 ss:$0x1], $0xffff  }
0xdc: {  	s13 =	sadd.s32 s24, s13;
	[tilespmem:s11+$0x0 ss:$0x81] =	vst.msk $0xffff, v8;
	v5 =	vld.idx.msk [tilespmem:v0+s9+$0x50 ss:$0x1], $0xffff  }
0xdd: {  	s25 =	sadd.s32 $0x800, s5;
	s10 =	simm.s32 $0x100;
	[tilespmem:s13+$0x0 ss:$0x81] =	vst.msk $0xffff, v9;
	v6 =	vld.idx.msk [tilespmem:v0+s9+$0x60 ss:$0x1], $0xffff  }
.LBB1_10:
0xde: {  	s26 =	sadd.s32 $0xFFFFFC00, s25;
	s10 =	sadd.s32 $0x100, s10;
	[tilespmem:s12+$0x0 ss:$0x81] =	vst.msk $0xffff, v4;
	v4 =	vld.idx.msk [tilespmem:v0+s9+$0x70 ss:$0x1], $0xffff;
	s9 =	sand.u32 $0x3C00, s25  }
0xdf: {  	s26 =	sand.u32 $0x3C00, s26;
	v7 =	vld.idx.msk [tilespmem:v0+s9+$0x0 ss:$0x1], $0xffff;
	p2 =	slt.s32 s10, s29;
	[tilespmem:s20+$0x0 ss:$0x81] =	vst.msk $0xffff, v1  }
0xe0: {  	v1 =	vld.idx.msk [tilespmem:v0+s26+$0x70 ss:$0x1], $0xffff;
	[tilespmem:s8+$0x0 ss:$0x81] =	vst.msk $0xffff, v2  }
0xe1: {  	v2 =	vld.idx.msk [tilespmem:v0+s26+$0x0 ss:$0x1], $0xffff;
	[tilespmem:s17+$0x0 ss:$0x81] =	vst.msk $0xffff, v3  }
0xe2: {  	v3 =	vld.idx.msk [tilespmem:v0+s26+$0x10 ss:$0x1], $0xffff;
	[tilespmem:s15+$0x0 ss:$0x81] =	vst.msk $0xffff, v5  }
0xe3: {  	v5 =	vld.idx.msk [tilespmem:v0+s26+$0x20 ss:$0x1], $0xffff;
	[tilespmem:s16+$0x0 ss:$0x81] =	vst.msk $0xffff, v6  }
0xe4: {  	v6 =	vld.idx.msk [tilespmem:v0+s26+$0x30 ss:$0x1], $0xffff;
	[tilespmem:s14+$0x0 ss:$0x81] =	vst.msk $0xffff, v4  }
0xe5: {  	v8 =	vld.idx.msk [tilespmem:v0+s26+$0x40 ss:$0x1], $0xffff;
	[tilespmem:s21+$0x0 ss:$0x81] =	vst.msk $0xffff, v7  }
0xe6: {  	v7 =	vld.idx.msk [tilespmem:v0+s26+$0x50 ss:$0x1], $0xffff;
	[tilespmem:s19+$0x0 ss:$0x81] =	vst.msk $0xffff, v1  }
0xe7: {  	[tilespmem:s21+$0x0 ss:$0x81] =	vst.msk $0xffff, v2;
	v9 =	vld.idx.msk [tilespmem:v0+s26+$0x60 ss:$0x1], $0xffff  }
0xe8: {  	[tilespmem:s22+$0x0 ss:$0x81] =	vst.msk $0xffff, v3;
	v4 =	vld.idx.msk [tilespmem:v0+s9+$0x10 ss:$0x1], $0xffff  }
.Ltmp13:
0xe9: {  	[tilespmem:s23+$0x0 ss:$0x81] =	vst.msk $0xffff, v5;
	v1 =	vld.idx.msk [tilespmem:v0+s9+$0x20 ss:$0x1], $0xffff;
	(pc) =	sbr.rel @p2 .LBB1_10-.Ltmp13, $4  }
0xea: {  	[tilespmem:s18+$0x0 ss:$0x81] =	vst.msk $0xffff, v6;
	v2 =	vld.idx.msk [tilespmem:v0+s9+$0x30 ss:$0x1], $0xffff  }
0xeb: {  	[tilespmem:s17+$0x0 ss:$0x81] =	vst.msk $0xffff, v8;
	v3 =	vld.idx.msk [tilespmem:v0+s9+$0x40 ss:$0x1], $0xffff  }
0xec: {  	[tilespmem:s11+$0x0 ss:$0x81] =	vst.msk $0xffff, v7;
	v5 =	vld.idx.msk [tilespmem:v0+s9+$0x50 ss:$0x1], $0xffff  }
0xed: {  	s25 =	sadd.s32 $0x800, s25;
	[tilespmem:s13+$0x0 ss:$0x81] =	vst.msk $0xffff, v9;
	v6 =	vld.idx.msk [tilespmem:v0+s9+$0x60 ss:$0x1], $0xffff  }
.LBB1_11:
0xee: {  	_ =	sdelay $0x2  }
0xef: {  	[tilespmem:s12+$0x0 ss:$0x81] =	vst.msk $0xffff, v4  }
0xf0: {  	v0 =	vld.idx.msk [tilespmem:v0+s9+$0x70 ss:$0x1], $0xffff;
	[tilespmem:s20+$0x0 ss:$0x81] =	vst.msk $0xffff, v1  }
0xf1: {  	[tilespmem:s8+$0x0 ss:$0x81] =	vst.msk $0xffff, v2  }
0xf2: {  	[tilespmem:s17+$0x0 ss:$0x81] =	vst.msk $0xffff, v3  }
0xf3: {  	[tilespmem:s15+$0x0 ss:$0x81] =	vst.msk $0xffff, v5  }
0xf4: {  	[tilespmem:s16+$0x0 ss:$0x81] =	vst.msk $0xffff, v6  }
0xf5: {  	[tilespmem:s14+$0x0 ss:$0x81] =	vst.msk $0xffff, v0  }
.LBB1_12:
.Ltmp14:
0xf6: {  	(pc) =	sbr.rel @p1 .LBB1_15-.Ltmp14, $1  }
0xf7: {  	_ =	sdelay $0x3  }
0xf8: {  	s9 =	sand.u32 $0x380, s6;
	s8 =	sshrl.u32 s4, $0x4;
	s10 =	sadd.s32 s24, s3  }
0xf9: {  	s11 =	smov.u32 s0;
	s12 =	smov.u32 s29;
	s9 =	sadd.s32 s9, s7  }
.LBB1_14:
0xfa: {  	s13 =	sand.u32 $0x3C00, s11  }
0xfb: {  	s13 =	sadd.s32 s6, s13  }
0xfc: {  	s13 =	sand.u32 $0x3C00, s13  }
0xfd: {  	s14 =	sand.u32 $0x70, s12;
	s25 =	sadd.s32 s12, s8;
	s13 =	sadd.s32 s13, s9  }
0xfe: {  	s12 =	sadd.s32 $0x10, s12;
	s26 =	sand.u32 $0x78, s25;
	s13 =	sadd.s32 s14, s13  }
0xff: {  	p2 =	slt.s32 s12, s28;
	v0 =	vld [tilespmem:s13+$0x0];
	s13 =	smul.u32 $0x204, s26  }
.Ltmp15:
0x100: {  	_ = 	snop;
	(pc) =	sbr.rel @p2 .LBB1_14-.Ltmp15, $4  }
0x101: {  	_ = 	snop  }
0x102: {  	s13 =	sshrl.u32 s13, $0x2  }
0x103: {  	s13 =	sadd.s32 s13, s10  }
0x104: {  	s11 =	sadd.s32 $0x80, s11;
	[tilespmem:s13+$0x0 ss:$0x81] =	vst.msk $0xffff, v0  }
.Ltmp16:
0x105: {  	_ = 	snop;
	(pc) =	sbr.rel .LBB1_15-.Ltmp16, $1  }
0x106: {  	_ =	sdelay $0x3  }
.LBB1_20:
0x107: {  	_ =	sfence.sel $0x180000  }
0x108: {  	s0 =	simm.s32 $0x1;
	[bflag:$0x0] =	sbarrier.arrive $0xFFFF  }
0x109: {  	s30 =	simm.s32 $0x2;
	[sflag:s0] =	ssyncpa.u1 $0x1  }
0x10a: {  	[sflag:s30] =	ssyncpa.u1 $0x1  }
0x10b: {  	_ =	strace $0x90000047  }
0x10c: {  	s31 =	stileid.u32;
	[bflag:$0x2] =	sbarrier.arrive $0xFFFF  }
0x10d: {  	p0 =	sne.s32 s31, $0x0;
	s0 =	rddreg [dreg:$0x2]  }
0x10e: {  	s0 =	sadd.s32 @!p0 $0x100000, s0  }
0x10f: {  	[sflag:s0] =	ssyncadd.tile.s32 @!p0 $0x1;
	_ =	shalt  }
.Lfunc_end1:
_tile_overlayer_lowered:
.L_overlay_start_2:
0x110: {  	(tag) =	ssettag $0x2  }
0x111: {  	s0 =	rddreg [dreg:$0x0];
	s2 =	stileid.u32  }
0x112: {  	s1 =	rddreg [dreg:$0x1];
	p0 =	sne.s32 s2, $0x0  }
0x113: {  	s3 =	rddreg [dreg:$0x2];
	[bflag:$0x3] =	sbarrier.arrive $0xFFFF;
	s2 =	simm.s32 @!p0 $0x1C01  }
0x114: {  	[timem:s3], [sflag:s2] =	dma.local @!p0 [hbm:s0], s1  }
0x115: {  	s0 =	simm.s32 @!p0 $0x1  }
0x116: {  	_ =	swait.ge @!p0 [sflag:s0], s1  }
0x117: {  	s1 =	ssub.s32 @!p0 $0x0, s1;
	[sflag:s0] =	ssyncset.done @!p0 $0x0  }
0x118: {  	[sflag:s0] =	ssyncadd.s32 @!p0 s1  }
0x119: {  	[bflag:$0x3] =	sbarrier.arrive $0xFFFF  }
0x11a: {  	_ =	shalt  }

// kernel: sparse-core-data-format-call.cloned.1.call-start
scs
called_computation_lowered:
.L_overlay_start_0:
0x0: {  	s2 =	sld [smem:$0x3FD9]  }
0x1: {  	s3 =	sld [smem:$0x3FFE];
	_ =	sdelay $0x1  }
0x2: {  	s1 =	srdreg.scid  }
0x3: {  	s0 =	sand.u32 $0x1, s1  }
0x4: {  	s18 =	sshll.u32 s0, $0xA;
	s2 =	sadd.s32 s3, s2  }
0x5: {  	s2 =	sadd.s32 s2, s18  }
0x6: {  	[smem:$0x3FC5] =	sst s2  }
0x7: {  	_ = 	snop  }
0x8: {  	s2 =	sld [smem:$0x3FD0];
	(tm) =	ssettm $0x1  }
0x9: {  	s19 =	sld [smem:$0x3FFB];
	_ =	sdelay $0x3  }
0xa: {  	_ =	strace s19  }
0xb: {  	s3 =	sld [smem:$0x3FFC];
	_ =	sdelay $0x3  }
0xc: {  	_ =	strace s3  }
0xd: {  	s3 =	sld [smem:$0x3FFD];
	_ =	sdelay $0x3  }
0xe: {  	_ =	strace s3  }
0xf: {  	_ =	strace $0x8FFFFFFF  }
0x10: {  	s20 =	sld [smem:$0x3FDB];
	_ =	sdelay $0x1  }
0x11: {  	s4 =	simm.s32 $_scs_section_size  }
0x12: {  	s5 =	simm.s32 $_size__tile_overlayer_lowered;
	s6 =	simm.s32 $_tile_overlayer_lowered  }
0x13: {  	s23 =	simm.s32 $0x1BFF;
	s22 =	sshll.u32 s6, $0x1;
	s3 =	sadd.s32 s4, s20  }
0x14: {  	s7 =	simm.s32 $0x0;
	s21 =	sshll.u32 s5, $0x1;
	s5 =	sadd.s32 s22, s3  }
0x15: {  	[timem:s7], [sflag:s23] =	dma.local [hbm:s5], s21  }
0x16: {  	_ =	swait.ge [sflag:s23], s21  }
0x17: {  	s4 =	ssub.s32 $0x0, s21;
	[sflag:s23] =	ssyncset.done $0x0  }
0x18: {  	[sflag:s23] =	ssyncadd.s32 s4;
	_ =	sdelay $0x1  }
0x19: {  	s24 =	simm.s32 $0x1B8B  }
0x1a: {  	_ =	swait.ge [sflag:s24], $0x1  }
0x1b: {  	[sflag:s24] =	ssyncset.done $0x0  }
0x1c: {  	s26 =	simm.s32 $0x1B8E;
	s25 =	sld [smem:$0x3FFE];
	[sflag:s24] =	ssyncadd.s32 $0xFFFFFFFF  }
0x1d: {  	s27 =	simm.s32 $execute0_lowered;
	[smem:$0x3FD2] =	sst s26  }
0x1e: {  	s5 =	sshll.u32 s27, $0x1;
	_ =	strace $0x8000004C;
	[dreg:$0x1] =	wrdreg $0xFFFFFFFF  }
0x1f: {  	s28 =	simm.s32 $_size_execute0_lowered;
	s3 =	sadd.s32 s3, s5;
	[dreg:$0x0] =	wrdreg $0x0  }
0x20: {  	s5 =	sshll.u32 s28, $0x1;
	[dreg:$0x2] =	wrdreg s3  }
0x21: {  	[dreg:$0x3] =	wrdreg s5  }
0x22: {  	[dreg:$0x4] =	wrdreg $0xC0  }
0x23: {  	_ =	task [dreg:s7], $0x5FFFF  }
0x24: {  	[dreg:$0x1] =	wrdreg $0xFFFFFFFF  }
0x25: {  	[dreg:$0x0] =	wrdreg $0x60  }
0x26: {  	[dreg:$0x2] =	wrdreg s25  }
0x27: {  	[dreg:$0x3] =	wrdreg s2  }
0x28: {  	[dreg:$0x4] =	wrdreg $0x9  }
0x29: {  	_ =	task.clear_ibuf [dreg:s7], $0x5FFFF;
	_ =	strace $0x9000004C  }
0x2a: {  	s29 =	simm.s32 $0x9;
	_ =	strace $0x8000004E  }
0x2b: {  	_ =	swait.ge [sflag:s29], $0x1  }
0x2c: {  	[sflag:s29] =	ssyncadd.s32 $0xFFFFFFFF  }
0x2d: {  	_ =	strace $0x9000004E  }
0x2e: {  	_ =	sfence  }
0x2f: {  	s30 =	sld [smem:$0x0];
	_ =	sdelay $0x2  }
0x30: {  	s31 =	sshll.u32 s1, $0xD;
	s1 =	sshrl.u32 s1, $0x2  }
0x31: {  	s3 =	sand.u32 $0x4000, s31;
	s1 =	sadd.s32 s1, s30  }
0x32: {  	s0 =	sor.u32 s3, s0;
	s1 =	sshll.u32 s1, $0x11  }
0x33: {  	s0 =	sor.u32 s1, s0  }
0x34: {  	s0 =	sadd.s32 $0x8F2B, s0  }
0x35: {  	[sflag:s0] =	ssyncadd.remote.s32 $0x1  }
0x36: {  	_ =	sfence.sel $0xFFFF  }
0x37: {  	[dreg:$0x0] =	wrdreg $0xFFFFFFFF;
	(pc) =	sbr.abs _section_cstart, $3  }
0x38: {  	[dreg:$0x1] =	wrdreg $0xFFFFFFFF  }
0x39: {  	_ =	task.clear_ibuf [dreg:s7], $0x2FFFF;
	_ =	strace $0x9FFFFFFF  }
0x3a: {  	(tm) =	ssettm $0x7FFFFFFF  }
0x3b: {  	_ =	shalt  }
tec
execute0_lowered:
.L_overlay_start_1:
0x0: {  	(tag) =	ssettag $0x1  }
0x1: {  	s3 =	rddreg [dreg:$0x0]  }
0x2: {  	s2 =	rddreg [dreg:$0x1]  }
0x3: {  	s1 =	srdreg.scid;
	s0 =	rddreg [dreg:$0x2];
	_ =	strace $0x8000004D  }
0x4: {  	s7 =	simm.s32 $0x2;
	p0 =	por $0x0, $0x0;
	s13 =	simm.s32 $0x0  }
0x5: {  	s14 =	simm.s32 $0x0;
	s9 =	simm.s32 $0x0;
	s10 =	simm.s32 $0x0  }
.Ltmp0:
0x6: {  	s8 =	simm.s32 $0x0;
	s4 =	sshll.u32 s1, $0x4;
	(pc) =	sbr.rel .LBB1_1-.Ltmp0, $4  }
0x7: {  	s1 =	stileid.u32;
	s3 =	sadd.s32 $0x1000, s3;
	s4 =	sand.u32 $0x10, s4  }
0x8: {  	s5 =	sand.u32 $0x7, s1;
	s6 =	sor.u32 s1, s4;
	s4 =	simm.s32 $0x1  }
0x9: {  	s12 =	smov.u32 s5;
	[sflag:s4] =	ssyncpa.u1 $0x0;
	s6 =	sshrl.u32 s6, $0x3  }
0xa: {  	[sflag:s7] =	ssyncpa.u1 $0x0;
	s7 =	simm.s32 $0x0;
	s11 =	smov.u32 s6  }
.LBB1_9:
0xb: {  	s15 =	smul.u32 $0xC000, s15  }
0xc: {  	s17 =	smul.u32 $0x2A000, s10  }
0xd: {  	s16 =	sand.u32 $0x1, s8;
	s18 =	smul.u32 $0x600, s9  }
0xe: {  	s16 =	smul.u32 $0x4080, s16  }
0xf: {  	s17 =	sadd.s32 s2, s17  }
0x10: {  	s15 =	sshrl.u32 s15, $0x2;
	s16 =	sor.u32 $0x8000, s16;
	s17 =	sadd.s32 s18, s17  }
0x11: {  	[hbm4b:s17+s7] =	stream.linear.scatter [tilespmem:s16], [sflag:$0x2], s15, $0x20;
	[tilespmem:$0x10100] =	vst v63  }
.LBB1_10:
0x12: {  	p1 =	slt.u32 s8, $0x2;
	s16 =	smov.u32 s14;
	s8 =	sadd.s32 $0x1, s8  }
0x13: {  	p0 =	por !p0, !p0;
	p2 =	sgt.s32 @!p1 s14, $0x7;
	s15 =	sshra.s32 @!p1 s14, $0x1F  }
0x14: {  	p3 =	sgt.s32 @!p1 s13, $0x6F;
	s17 =	sshra.s32 @!p1 s13, $0x1F;
	p2 =	por !p2, p1  }
0x15: {  	s14 =	sand.u32 @!p1 s15, s14;
	p3 =	por !p3, p1;
	s15 =	smov.u32 s13  }
0x16: {  	s13 =	sand.u32 @!p1 s17, s13;
	s16 =	simm.s32 @p2 $0x7;
	s15 =	simm.s32 @p3 $0x6F  }
0x17: {  	s17 =	smov.u32 s12;
	s14 =	ssub.s32 @!p1 s16, s14;
	s13 =	ssub.s32 @!p1 s15, s13  }
0x18: {  	s15 =	sadd.s32 @!p1 $0xFFFFFFF9, s14;
	s14 =	ssub.s32 @!p1 $0x8, s14;
	s16 =	sadd.s32 @!p1 $0xFFFFFF91, s13  }
0x19: {  	p2 =	sgt.s32 @!p1 s15, $0x0;
	p3 =	sgt.s32 @!p1 s16, $0x0;
	s14 =	smul.u32 @!p1 $0xC000, s14  }
0x1a: {  	s13 =	ssub.s32 @!p1 $0x70, s13;
	p3 =	por !p3, p1;
	p2 =	por !p2, p1  }
0x1b: {  	s15 =	sadd.s32 $0x4, s11;
	s13 =	simm.s32 @!p3 $0x0;
	s14 =	simm.s32 @!p2 $0x0  }
0x1c: {  	p2 =	sgt.s32 s15, $0x6F;
	s13 =	smul.u32 @!p1 s13, s14;
	s14 =	sadd.s32 $0x8, s12  }
0x1d: {  	s15 =	smov.u32 @p2 s6;
	s17 =	smov.u32 @p2 s14;
	p2 =	sne.s32 s8, $0x1E  }
.Ltmp1:
0x1e: {  	s16 =	simm.s32 @!p1 $0x2;
	s14 =	smov.u32 s10;
	(pc) =	sbr.rel @!p2 .LBB1_11-.Ltmp1, $4  }
0x1f: {  	s10 =	smov.u32 s12;
	s13 =	sshrl.u32 @!p1 s13, $0x2;
	p3 =	sgt.s32 s17, $0x7  }
0x20: {  	_ =	swait.ge @!p1 [sflag:s16], s13;
	s18 =	ssub.s32 @!p1 $0x0, s13;
	s13 =	smov.u32 s9  }
0x21: {  	s17 =	smov.u32 @p3 s5;
	s9 =	smov.u32 s11;
	[sflag:s16] =	ssyncset.done @!p1 $0x0  }
0x22: {  	s11 =	smov.u32 s15;
	s12 =	smov.u32 s17;
	[sflag:s16] =	ssyncadd.s32 @!p1 s18  }
.LBB1_1:
0x23: {  	p1 =	sgt.u32 s8, $0x1B  }
0x24: {  	p2 =	sgt.s32 @!p1 s12, $0x7  }
0x25: {  	s15 =	smov.u32 s12;
	s17 =	smov.u32 s11;
	p2 =	por !p2, p1  }
0x26: {  	s16 =	sshra.s32 @!p1 s12, $0x1F;
	s15 =	simm.s32 @p2 $0x7;
	p2 =	sgt.s32 @!p1 s11, $0x6F  }
0x27: {  	s18 =	sshra.s32 @!p1 s11, $0x1F;
	s16 =	sand.u32 @!p1 s16, s12;
	p2 =	por !p2, p1  }
0x28: {  	s18 =	sand.u32 @!p1 s18, s11;
	s15 =	ssub.s32 @!p1 s15, s16;
	s17 =	simm.s32 @p2 $0x6F  }
0x29: {  	s16 =	ssub.s32 @!p1 s17, s18;
	s17 =	sadd.s32 @!p1 $0xFFFFFFF9, s15  }
0x2a: {  	s15 =	ssub.s32 @!p1 $0x8, s15;
	s18 =	sadd.s32 @!p1 $0xFFFFFF91, s16;
	p2 =	sgt.s32 @!p1 s17, $0x0  }
0x2b: {  	s15 =	smul.u32 @!p1 $0xE000, s15;
	s16 =	ssub.s32 @!p1 $0x70, s16;
	p3 =	sgt.s32 @!p1 s18, $0x0  }
0x2c: {  	s17 =	smul.u32 @!p1 $0x31000, s12;
	p2 =	por !p2, p1;
	p3 =	por !p3, p1  }
0x2d: {  	s18 =	smul.u32 @!p1 $0x700, s11;
	s15 =	simm.s32 @!p2 $0x0;
	s16 =	simm.s32 @!p3 $0x0  }
0x2e: {  	s17 =	sadd.s32 @!p1 s3, s17;
	s15 =	smul.u32 @!p1 s16, s15;
	s16 =	sxor.u32 @!p1 $0xFFFFFFFF, s8  }
0x2f: {  	s17 =	sadd.s32 @!p1 s18, s17;
	s16 =	sshll.u32 @!p1 s16, $0xE  }
0x30: {  	s18 =	simm.s32 @!p1 $0x0;
	s16 =	sand.u32 @!p1 $0x4000, s16;
	s15 =	sshrl.u32 @!p1 s15, $0x2  }
0x31: {  	[tilespmem:s16], [sflag:$0x1] =	stream.linear.gather @!p1 [hbm4b:s17+s18], s15, $0x38;
	[tilespmem:$0x10100] =	vst v63  }
0x32: {  	p1 =	seq.s32 s8, $0x0  }
0x33: {  	p2 =	seq.s32 @!p1 s8, $0x1D  }
0x34: {  	p1 =	por p1, p2  }
.Ltmp2:
0x35: {  	_ = 	snop;
	(pc) =	sbr.rel @p1 .LBB1_10-.Ltmp2, $1  }
0x36: {  	_ =	sdelay $0x3  }
0x37: {  	p1 =	sgt.s32 s10, $0x7  }
0x38: {  	s15 =	smov.u32 s10;
	s16 =	sshra.s32 s10, $0x1F;
	s17 =	smov.u32 s9  }
0x39: {  	s18 =	sshra.s32 s9, $0x1F;
	s15 =	simm.s32 @!p1 $0x7;
	p1 =	sgt.s32 s9, $0x6F  }
0x3a: {  	s16 =	sand.u32 s16, s10;
	s29 =	sand.u32 s18, s9;
	s17 =	simm.s32 @!p1 $0x6F  }
0x3b: {  	s15 =	ssub.s32 s15, s16;
	s16 =	ssub.s32 s17, s29  }
0x3c: {  	s30 =	sadd.s32 $0xFFFFFFF9, s15;
	s15 =	ssub.s32 $0x8, s15;
	s17 =	sadd.s32 $0xFFFFFF91, s16  }
0x3d: {  	p1 =	sgt.s32 s30, $0x0;
	s16 =	ssub.s32 $0x70, s16;
	p2 =	sgt.s32 s17, $0x0  }
0x3e: {  	s15 =	simm.s32 @p1 $0x0;
	s16 =	simm.s32 @p2 $0x0  }
0x3f: {  	s15 =	smul.u32 s15, s16;
	s16 =	sadd.s32 $0x1, s10  }
0x40: {  	s17 =	sadd.s32 $0x1, s9;
	p1 =	slt.s32 s16, $0x8  }
0x41: {  	s16 =	simm.s32 @!p1 $0x8;
	p1 =	slt.s32 s17, $0x70  }
0x42: {  	s16 =	ssub.s32 s16, s10;
	s17 =	simm.s32 @!p1 $0x70  }
0x43: {  	s17 =	ssub.s32 s17, s9;
	p1 =	slt.s32 s16, $0x1  }
0x44: {  	p2 =	slt.s32 @!p1 s17, $0x1  }
0x45: {  	s31 =	smul.u32 $0xE000, s15;
	p1 =	por p1, p2  }
.Ltmp3:
0x46: {  	_ = 	snop;
	(pc) =	sbr.rel @p1 .LBB1_9-.Ltmp3, $4  }
0x47: {  	s18 =	sshrl.u32 s31, $0x2  }
0x48: {  	_ =	swait.ge [sflag:s4], s18  }
0x49: {  	s18 =	ssub.s32 $0x0, s18;
	[sflag:s4] =	ssyncset.done $0x0  }
0x4a: {  	[sflag:s4] =	ssyncadd.s32 s18  }
0x4b: {  	s18 =	simm.s32 $0x1  }
0x4c: {  	s18 =	simm.s32 @!p0 $0x0  }
0x4d: {  	s19 =	smul.u32 $0x10200, s18;
	_ =	sdelay $0x1  }
0x4e: {  	s20 =	sshll.u32 s18, $0xE;
	s19 =	sshrl.u32 s19, $0x2  }
0x4f: {  	s18 =	sor.u32 $0x8000, s19;
	s19 =	sor.u32 $0x30, s20;
	s20 =	simm.s32 $0x0  }
.LBB1_4:
0x50: {  	s21 =	smov.u32 s19;
	s22 =	smov.u32 s18;
	s23 =	simm.s32 $0x0  }
.LBB1_5:
0x51: {  	v5 =	vld [tilespmem:s21+$0x20]  }
0x52: {  	v4 =	vld [tilespmem:s21+$0xFFFFFFE0]  }
0x53: {  	v0 =	vld [tilespmem:s21+$0xFFFFFFF0]  }
0x54: {  	v2 =	vld [tilespmem:s21+$0x0]  }
0x55: {  	s24 =	sadd.s32 $0x0, s22;
	v1 =	vld [tilespmem:s21+$0x10]  }
0x56: {  	s25 =	simm.s32 $0x4;
	v3 =	vld [tilespmem:s21+$0xFFFFFFD0];
	s26 =	sadd.s32 $0x80, s21;
	[tilespmem:s24+$0x2850 ss:$0x81] =	vst.msk $0xffff, v5  }
.LBB1_6:
0x57: {  	v5 =	vld [tilespmem:s26+$0x20];
	p1 =	sne.s32 s25, $0x1BC;
	[tilespmem:s24+$0x810 ss:$0x81] =	vst.msk $0xffff, v4;
	s27 =	smov.u32 s25;
	s25 =	sadd.s32 $0x4, s25  }
.Ltmp4:
0x58: {  	v4 =	vld [tilespmem:s26+$0xFFFFFFE0];
	[tilespmem:s24+$0x1020 ss:$0x81] =	vst.msk $0xffff, v0;
	(pc) =	sbr.rel @p1 .LBB1_6-.Ltmp4, $4  }
0x59: {  	v0 =	vld [tilespmem:s26+$0xFFFFFFF0];
	[tilespmem:s24+$0x1830 ss:$0x81] =	vst.msk $0xffff, v2  }
0x5a: {  	s27 =	sshra.s32 s27, $0x2;
	v2 =	vld [tilespmem:s26+$0x0];
	[tilespmem:s24+$0x2040 ss:$0x81] =	vst.msk $0xffff, v1  }
0x5b: {  	v1 =	vld [tilespmem:s26+$0x10];
	[tilespmem:s24+$0x0 ss:$0x81] =	vst.msk $0xffff, v3;
	s24 =	sadd.s32 s27, s22  }
0x5c: {  	v3 =	vld [tilespmem:s26+$0xFFFFFFD0];
	[tilespmem:s24+$0x2850 ss:$0x81] =	vst.msk $0xffff, v5;
	s26 =	sadd.s32 $0x80, s26  }
0x5d: {  	s23 =	sadd.s32 $0x1, s23  }
0x5e: {  	p1 =	sne.s32 s23, s17  }
.Ltmp5:
0x5f: {  	[tilespmem:s24+$0x810 ss:$0x81] =	vst.msk $0xffff, v4;
	(pc) =	sbr.rel @p1 .LBB1_5-.Ltmp5, $4  }
0x60: {  	[tilespmem:s24+$0x1020 ss:$0x81] =	vst.msk $0xffff, v0  }
0x61: {  	[tilespmem:s24+$0x1830 ss:$0x81] =	vst.msk $0xffff, v2  }
0x62: {  	[tilespmem:s24+$0x2040 ss:$0x81] =	vst.msk $0xffff, v1  }
0x63: {  	s22 =	sadd.s32 $0x4080, s22;
	s21 =	sadd.s32 $0x4000, s21;
	[tilespmem:s24+$0x0 ss:$0x81] =	vst.msk $0xffff, v3  }
0x64: {  	s20 =	sadd.s32 $0x1, s20  }
0x65: {  	p1 =	sne.s32 s20, s16  }
.Ltmp6:
0x66: {  	_ = 	snop;
	(pc) =	sbr.rel @p1 .LBB1_4-.Ltmp6, $4  }
.Ltmp7:
0x67: {  	_ = 	snop;
	(pc) =	sbr.rel @!p1 .LBB1_9-.Ltmp7, $4  }
0x68: {  	_ = 	snop  }
0x69: {  	_ = 	snop  }
0x6a: {  	s18 =	sadd.s32 $0x4080, s18;
	s19 =	sadd.s32 $0x4000, s19  }
0x6b: {  	_ = 	snop  }
.LBB1_11:
0x6c: {  	_ =	sfence.sel $0x180000  }
0x6d: {  	s2 =	simm.s32 $0x1;
	[bflag:$0x0] =	sbarrier.arrive $0xFFFF  }
0x6e: {  	s31 =	simm.s32 $0x2;
	[sflag:s2] =	ssyncpa.u1 $0x1  }
0x6f: {  	[sflag:s31] =	ssyncpa.u1 $0x1  }
0x70: {  	p0 =	sne.s32 s1, $0x0;
	_ =	strace $0x9000004D  }
0x71: {  	s0 =	sadd.s32 @!p0 $0x100000, s0;
	[bflag:$0x2] =	sbarrier.arrive $0xFFFF  }
0x72: {  	[sflag:s0] =	ssyncadd.tile.s32 @!p0 $0x1;
	_ =	shalt  }
.Lfunc_end1:
_tile_overlayer_lowered:
.L_overlay_start_2:
0x73: {  	(tag) =	ssettag $0x2  }
0x74: {  	s0 =	rddreg [dreg:$0x0];
	s2 =	stileid.u32  }
0x75: {  	s1 =	rddreg [dreg:$0x1];
	p0 =	sne.s32 s2, $0x0  }
0x76: {  	s3 =	rddreg [dreg:$0x2];
	[bflag:$0x3] =	sbarrier.arrive $0xFFFF;
	s2 =	simm.s32 @!p0 $0x1C01  }
0x77: {  	[timem:s3], [sflag:s2] =	dma.local @!p0 [hbm:s0], s1  }
0x78: {  	s0 =	simm.s32 @!p0 $0x1  }
0x79: {  	_ =	swait.ge @!p0 [sflag:s0], s1  }
0x7a: {  	s1 =	ssub.s32 @!p0 $0x0, s1;
	[sflag:s0] =	ssyncset.done @!p0 $0x0  }
0x7b: {  	[sflag:s0] =	ssyncadd.s32 @!p0 s1  }
0x7c: {  	[bflag:$0x3] =	sbarrier.arrive $0xFFFF  }
0x7d: {  	_ =	shalt  }

</sc_bundles>
